<compile_context>
chip_gen: v7x
topology: tpu7x:2x2x1
jax: 0.10.2.dev20260603
libtpu: 0.0.44.dev20260713+nightly
codegen_flags: <defaults>
</compile_context>

<pallas_src>
import functools

import jax
import jax.numpy as jnp
from jax import lax
from jax.experimental import pallas as pl
from jax.experimental.pallas import tpu as pltpu
from jax.experimental.pallas import tpu_sc as plsc

EMB = 256
HEADS = 8
DH = EMB // HEADS
NNB = 16
N = 10000

P = 5
CN = N // P
EC = CN * NNB

NS = 16
CHUNK = 128
NCH = 16
EPAD = NS * NCH * CHUNK

BN = 400
GRID = CN // BN


def _sc_gather_body(x_hbm, idx_hbm, out_hbm, idx_v, rows0, rows1, gsem0, gsem1):
    sid = lax.axis_index("s")
    base = sid * (NCH * CHUNK)
    pltpu.sync_copy(idx_hbm.at[pl.ds(base, NCH * CHUNK)], idx_v)

    def gidx(g):
        return idx_v.at[pl.ds(g * CHUNK, CHUNK)]

    pltpu.async_copy(x_hbm.at[gidx(0)], rows0, gsem0)
    pltpu.async_copy(x_hbm.at[gidx(1)], rows1, gsem1)

    def iter2(i, carry):
        t = 2 * i
        for b, rows, gsem in ((0, rows0, gsem0), (1, rows1, gsem1)):
            g = t + b
            pltpu.make_async_copy(x_hbm.at[gidx(g)], rows, gsem).wait()
            pltpu.sync_copy(rows, out_hbm.at[pl.ds(base + g * CHUNK, CHUNK)])
            pltpu.async_copy(x_hbm.at[gidx(g + 2)], rows, gsem)
        return carry

    lax.fori_loop(0, (NCH - 2) // 2, iter2, 0)

    for b, rows, gsem in ((0, rows0, gsem0), (1, rows1, gsem1)):
        g = NCH - 2 + b
        pltpu.make_async_copy(x_hbm.at[gidx(g)], rows, gsem).wait()
        pltpu.sync_copy(rows, out_hbm.at[pl.ds(base + g * CHUNK, CHUNK)])


@functools.cache
def _sc_gather():
    return pl.kernel(
        _sc_gather_body,
        out_type=jax.ShapeDtypeStruct((EPAD, EMB // 2), jnp.int32),
        mesh=plsc.VectorSubcoreMesh(
            core_axis_name="c", subcore_axis_name="s",
            num_cores=1, num_subcores=NS,
        ),
        scratch_types=[
            pltpu.VMEM((NCH * CHUNK,), jnp.int32),
            pltpu.VMEM((CHUNK, EMB // 2), jnp.int32),
            pltpu.VMEM((CHUNK, EMB // 2), jnp.int32),
            pltpu.SemaphoreType.DMA,
            pltpu.SemaphoreType.DMA,
        ],
    )


_DN_T = (((1,), (1,)), ((), ()))


def _pack_body(x_ref, out_ref):
    b = lax.bitcast_convert_type(x_ref[...], jnp.int32)
    bl = b[:, : EMB // 2]
    br = b[:, EMB // 2:]

    def rnd(v):
        return (v + jnp.int32(0x7FFF) + ((v >> 16) & 1)) & jnp.int32(-65536)

    out_ref[...] = lax.shift_right_logical(rnd(bl), 16) | rnd(br)


def _pack(x2):
    pbn = 1000
    return pl.pallas_call(
        _pack_body,
        grid=(N // pbn,),
        in_specs=[pl.BlockSpec((pbn, EMB), lambda i: (i, 0))],
        out_specs=pl.BlockSpec((pbn, EMB // 2), lambda i: (i, 0)),
        out_shape=jax.ShapeDtypeStruct((N, EMB // 2), jnp.int32),
    )(x2)


def _attn_body(x_ref, xg_ref, wq_ref, bq_ref, wk_ref, bkh_ref,
               wv_ref, bv_ref, out_ref, att_ref):
    f32 = jnp.float32
    x = x_ref[...]
    xgp = xg_ref[...]
    bf = jnp.bfloat16
    xg_l = lax.bitcast_convert_type(xgp << 16, f32).astype(bf)
    xg_r = lax.bitcast_convert_type(xgp & jnp.int32(-65536), f32).astype(bf)
    xg = jnp.concatenate([xg_l, xg_r], axis=1)
    q = lax.dot_general(x, wq_ref[...], _DN_T,
                        preferred_element_type=f32) + bq_ref[...]
    kg = lax.dot_general(xg, wk_ref[...], _DN_T, preferred_element_type=f32)
    vg = lax.dot_general(xg, wv_ref[...], _DN_T, preferred_element_type=f32)

    col = lax.broadcasted_iota(jnp.int32, (EMB, HEADS), 0) // DH
    head = lax.broadcasted_iota(jnp.int32, (EMB, HEADS), 1)
    hm = (col == head).astype(f32)

    qrep = jnp.broadcast_to(q[:, None, :], (BN, NNB, EMB)).reshape(BN * NNB, EMB)
    e8 = (jnp.dot(qrep * kg, hm, preferred_element_type=f32)
          + jnp.dot(qrep, bkh_ref[...], preferred_element_type=f32))
    e3 = e8.reshape(BN, NNB, HEADS)

    p = jnp.exp(e3)
    s = jnp.sum(p, axis=1, keepdims=True)
    att3 = p * (0.0625 / s)

    att_ref[...] = jnp.sum(att3, axis=(1, 2)).reshape(BN, 1)

    attexp = jnp.dot(att3.reshape(BN * NNB, HEADS), hm.T,
                     preferred_element_type=f32)
    out3 = (attexp * vg).reshape(BN, NNB, EMB)
    out_ref[...] = jnp.sum(out3, axis=1) + bv_ref[...] * 0.0625


def _attention(p, x2, xg, wq, bq2, wkb, bkh, wvb, bv2):
    off = p * GRID
    return pl.pallas_call(
        _attn_body,
        grid=(GRID,),
        in_specs=[
            pl.BlockSpec((BN, EMB), lambda i: (i + off, 0)),
            pl.BlockSpec((BN * NNB, EMB // 2), lambda i: (i, 0)),
            pl.BlockSpec((EMB, EMB), lambda i: (0, 0)),
            pl.BlockSpec((1, EMB), lambda i: (0, 0)),
            pl.BlockSpec((EMB, EMB), lambda i: (0, 0)),
            pl.BlockSpec((EMB, HEADS), lambda i: (0, 0)),
            pl.BlockSpec((EMB, EMB), lambda i: (0, 0)),
            pl.BlockSpec((1, EMB), lambda i: (0, 0)),
        ],
        out_specs=[
            pl.BlockSpec((BN, EMB), lambda i: (i, 0)),
            pl.BlockSpec((BN, 1), lambda i: (i, 0)),
        ],
        out_shape=[
            jax.ShapeDtypeStruct((CN, EMB), jnp.float32),
            jax.ShapeDtypeStruct((CN, 1), jnp.float32),
        ],
    )(x2, xg, wq, bq2, wkb, bkh, wvb, bv2)


def _attention_args(Wk, Wv, bk):
    col = lax.broadcasted_iota(jnp.int32, (EMB, HEADS), 0) // DH
    head = lax.broadcasted_iota(jnp.int32, (EMB, HEADS), 1)
    bkh = jnp.where(col == head, bk.reshape(EMB, 1), 0.0)
    return Wk.astype(jnp.bfloat16), bkh, Wv.astype(jnp.bfloat16)


def kernel(x, A, Wq, bq, Wk, bk, Wv, bv):
    b, n, e = x.shape
    x2 = x.reshape(n, e)
    idx = A.reshape(-1).astype(jnp.int32)
    bq2, bk2, bv2 = bq.reshape(1, e), bk.reshape(1, e), bv.reshape(1, e)

    xb = _pack(x2)

    idx_full = jnp.concatenate(
        [idx, jnp.zeros((EPAD - EC,), dtype=jnp.int32)])

    xgs = []
    for p in range(P):
        idx_p = lax.slice(idx_full, (p * EC,), (p * EC + EPAD,))
        xgs.append(_sc_gather()(xb, idx_p))
    wkb, bkh, wvb = _attention_args(Wk, Wv, bk)
    outs = [
        _attention(p, x2, xgs[p], Wq, bq2, wkb, bkh, wvb, bv2)
        for p in range(P)
    ]
    l = jnp.concatenate([o[0] for o in outs])
    att = jnp.concatenate([o[1] for o in outs])
    return l.reshape(b, n, e), att

# --- scband reference (transcript-rebuilt; emitter-appended) ---
"""Pipeline reference for scband-multi-head-local-attention-7078106104051 (READ-ONLY COPY).

The authoritative reference and input builder live on the scoring server;
editing this copy changes nothing except your own understanding.
"""

import jax, jax.numpy as jnp
import numpy as np

EMB = 256
HEADS = 8
N_NODES = 10000
N_NEIGH = 16
BATCH = 1


def setup_inputs(seed: int = 0) -> dict:
    key = jax.random.key(seed)
    ks = jax.random.split(key, 9)
    x = jax.random.normal(ks[0], (BATCH, N_NODES, EMB), dtype=jnp.float32)
    A = jax.random.randint(ks[1], (BATCH, N_NODES, N_NEIGH), 0, N_NODES, dtype=jnp.int64)
    s = 1.0 / np.sqrt(EMB)
    Wq = jax.random.normal(ks[2], (EMB, EMB), dtype=jnp.float32) * s
    bq = jax.random.normal(ks[3], (EMB,), dtype=jnp.float32) * s
    Wk = jax.random.normal(ks[4], (EMB, EMB), dtype=jnp.float32) * s
    bk = jax.random.normal(ks[5], (EMB,), dtype=jnp.float32) * s
    Wv = jax.random.normal(ks[6], (EMB, EMB), dtype=jnp.float32) * s
    bv = jax.random.normal(ks[7], (EMB,), dtype=jnp.float32) * s
    return {"x": x, "A": A, "Wq": Wq, "bq": bq, "Wk": Wk, "bk": bk, "Wv": Wv, "bv": bv}


def reference(x, A, Wq, bq, Wk, bk, Wv, bv):
    b, n, e = x.shape
    h = HEADS
    d = e // h
    # linear projections (torch nn.Linear: x @ W.T + b)
    q = (x @ Wq.T + bq).reshape(b, n, h, d).transpose(0, 2, 1, 3)  # b h n d
    k = (x @ Wk.T + bk).reshape(b, n, h, d).transpose(0, 2, 1, 3)
    v = (x @ Wv.T + bv).reshape(b, n, h, d).transpose(0, 2, 1, 3)
    scaling = e ** 0.5
    # torch loop does index_select(keys, dim=2, index=squeeze(A[:, i, :]))
    # which requires b == 1; vectorized gather over all n query nodes:
    idx = jnp.squeeze(A, axis=0)  # [n, N]
    local_k = k[:, :, idx, :]  # [b, h, n, N, d]  (SparseCore gather)
    local_v = v[:, :, idx, :]  # [b, h, n, N, d]
    energy = jnp.einsum('bhnd,bhnkd->bhnk', q, local_k)
    att = jax.nn.softmax(energy, axis=-1) / scaling  # faithful: softmax then divide
    # patch_att per node i = sum over (h, q=1, k) dims, stacked over i -> [n, b]
    Att = jnp.transpose(att.sum(axis=(1, 3)))  # [n, b]
    out = jnp.einsum('bhnk,bhnkd->bhnd', att, local_v)  # b h n d
    l = out.transpose(0, 2, 1, 3).reshape(b, n, e)  # cat over n of 'b n (h d)'
    return (l, Att)

if __name__ == "__main__":
    import jax
    _d = setup_inputs()
    print(jax.jit(kernel)(*tuple(_d.values())))

</pallas_src>

<mosaic_0001>
#map = affine_map<(d0, d1) -> (0, 0)>
#map1 = affine_map<(d0, d1) -> (0)>
module attributes {stable_mosaic.version = 14 : i64} {
  func.func @_sc_gather_body(%arg0: i32, %arg1: i32, %arg2: memref<10000x128xi32, #tpu.memory_space<hbm>>, %arg3: memref<32768xi32, #tpu.memory_space<hbm>>, %arg4: memref<32768x128xi32, #tpu.memory_space<hbm>>, %arg5: memref<2048xi32, #tpu.memory_space<vmem>>, %arg6: memref<128x128xi32, #tpu.memory_space<vmem>>, %arg7: memref<128x128xi32, #tpu.memory_space<vmem>>, %arg8: memref<!tpu.dma_semaphore, #tpu.memory_space<semaphore_mem>>, %arg9: memref<!tpu.dma_semaphore, #tpu.memory_space<semaphore_mem>>) attributes {dimension_semantics = [#tpu.dimension_semantics<core_parallel>, #tpu.dimension_semantics<subcore_parallel>], iteration_bounds = array<i64: 1, 16>, scalar_prefetch = 0 : i64, scratch_operands = 5 : i64, tpu.core_type = #tpu.core_type<sc_vector_subcore>, window_params = [{transform_indices = #map}, {transform_indices = #map1}, {transform_indices = #map}]} {
    %mul3A = arith.constant 2048 : i32
    %mul3A_0 = arith.muli %arg1, %mul3A : i32
    "tpu.region"() ({
      %run_scoped3A = tpu.sem_alloc : memref<!tpu.dma_semaphore, #tpu.memory_space<semaphore_mem>>
      %dma_start3A_27 = tpu.memref_slice %arg3[%mul3A_0] : memref<32768xi32, #tpu.memory_space<hbm>> -> memref<2048xi32, #tpu.memory_space<hbm>>
      %dma_start3A_28 = tpu.memref_slice %arg3[%mul3A_0] : memref<32768xi32, #tpu.memory_space<hbm>> -> memref<2048xi32, #tpu.memory_space<hbm>>
      tpu.enqueue_dma source(%dma_start3A_28 : memref<2048xi32, #tpu.memory_space<hbm>>) target(%arg5 : memref<2048xi32, #tpu.memory_space<vmem>>) target_semaphore(%run_scoped3A : memref<!tpu.dma_semaphore, #tpu.memory_space<semaphore_mem>>)
      %dma_wait3A_29 = tpu.memref_slice %arg3[%mul3A_0] : memref<32768xi32, #tpu.memory_space<hbm>> -> memref<2048xi32, #tpu.memory_space<hbm>>
      %dma_wait3A_30 = tpu.memref_slice %arg3[%mul3A_0] : memref<32768xi32, #tpu.memory_space<hbm>> -> memref<2048xi32, #tpu.memory_space<hbm>>
      tpu.wait_dma2 semaphore(%run_scoped3A : memref<!tpu.dma_semaphore, #tpu.memory_space<semaphore_mem>>) src(%dma_wait3A_30 : memref<2048xi32, #tpu.memory_space<hbm>>) dst(%arg5 : memref<2048xi32, #tpu.memory_space<vmem>>)
      tpu.yield
    }) : () -> ()
    %dma_start3A = arith.constant 0 : i32
    %dma_start3A_1 = tpu.memref_slice %arg5[%dma_start3A] : memref<2048xi32, #tpu.memory_space<vmem>> -> memref<128xi32, #tpu.memory_space<vmem>>
    %dma_start3A_2 = arith.constant 0 : i32
    %dma_start3A_3 = arith.constant 0 : i32
    %dma_start3A_4 = tpu.memref_slice %arg2[%dma_start3A_2, %dma_start3A_3] : memref<10000x128xi32, #tpu.memory_space<hbm>> -> memref<10000x128xi32, #tpu.memory_space<hbm>>
    tpu.enqueue_indirect_dma source(%dma_start3A_4 : memref<10000x128xi32, #tpu.memory_space<hbm>>) target(%arg6 : memref<128x128xi32, #tpu.memory_space<vmem>>) offsets(%dma_start3A_1 : memref<128xi32, #tpu.memory_space<vmem>>) semaphore(%arg8 : memref<!tpu.dma_semaphore, #tpu.memory_space<semaphore_mem>>)
    %dma_start3A_5 = arith.constant 128 : i32
    %dma_start3A_6 = tpu.memref_slice %arg5[%dma_start3A_5] : memref<2048xi32, #tpu.memory_space<vmem>> -> memref<128xi32, #tpu.memory_space<vmem>>
    %dma_start3A_7 = arith.constant 0 : i32
    %dma_start3A_8 = arith.constant 0 : i32
    %dma_start3A_9 = tpu.memref_slice %arg2[%dma_start3A_7, %dma_start3A_8] : memref<10000x128xi32, #tpu.memory_space<hbm>> -> memref<10000x128xi32, #tpu.memory_space<hbm>>
    tpu.enqueue_indirect_dma source(%dma_start3A_9 : memref<10000x128xi32, #tpu.memory_space<hbm>>) target(%arg7 : memref<128x128xi32, #tpu.memory_space<vmem>>) offsets(%dma_start3A_6 : memref<128xi32, #tpu.memory_space<vmem>>) semaphore(%arg9 : memref<!tpu.dma_semaphore, #tpu.memory_space<semaphore_mem>>)
    %scan3A = arith.constant 0 : i32
    %scan3A_10 = arith.constant 0 : i32
    %scan3A_11 = arith.constant 7 : i32
    %scan3A_12 = arith.addi %scan3A_10, %scan3A_11 : i32
    %scan3A_13 = arith.constant 1 : i32
    scf.for %scan3A_27 = %scan3A_10 to %scan3A_12 step %scan3A_13  : i32 {
      %mul3A_28 = arith.constant 2 : i32
      %mul3A_29 = arith.muli %mul3A_28, %scan3A_27 : i32
      %add3A_30 = arith.constant 0 : i32
      %add3A_31 = arith.addi %mul3A_29, %add3A_30 : i32
      %mul3A_32 = arith.constant 128 : i32
      %mul3A_33 = arith.muli %add3A_31, %mul3A_32 : i32
      %dma_wait3A_34 = tpu.memref_slice %arg5[%mul3A_33] : memref<2048xi32, #tpu.memory_space<vmem>> -> memref<128xi32, #tpu.memory_space<vmem>>
      %dma_wait3A_35 = arith.constant 0 : i32
      %dma_wait3A_36 = arith.constant 0 : i32
      %dma_wait3A_37 = tpu.memref_slice %arg2[%dma_wait3A_35, %dma_wait3A_36] : memref<10000x128xi32, #tpu.memory_space<hbm>> -> memref<10000x128xi32, #tpu.memory_space<hbm>>
      tpu.wait_indirect_dma semaphore(%arg8 : memref<!tpu.dma_semaphore, #tpu.memory_space<semaphore_mem>>) src(%dma_wait3A_37 : memref<10000x128xi32, #tpu.memory_space<hbm>>) dst(%arg6 : memref<128x128xi32, #tpu.memory_space<vmem>>)
      %mul3A_38 = arith.constant 128 : i32
      %mul3A_39 = arith.muli %add3A_31, %mul3A_38 : i32
      %add3A_40 = arith.addi %mul3A_0, %mul3A_39 : i32
      "tpu.region"() ({
        %run_scoped3A = tpu.sem_alloc : memref<!tpu.dma_semaphore, #tpu.memory_space<semaphore_mem>>
        %dma_start3A_68 = arith.constant 0 : i32
        %dma_start3A_69 = tpu.memref_slice %arg4[%add3A_40, %dma_start3A_68] : memref<32768x128xi32, #tpu.memory_space<hbm>> -> memref<128x128xi32, #tpu.memory_space<hbm>>
        %dma_start3A_70 = arith.constant 0 : i32
        %dma_start3A_71 = tpu.memref_slice %arg4[%add3A_40, %dma_start3A_70] : memref<32768x128xi32, #tpu.memory_space<hbm>> -> memref<128x128xi32, #tpu.memory_space<hbm>>
        tpu.enqueue_dma source(%arg6 : memref<128x128xi32, #tpu.memory_space<vmem>>) target(%dma_start3A_71 : memref<128x128xi32, #tpu.memory_space<hbm>>) target_semaphore(%run_scoped3A : memref<!tpu.dma_semaphore, #tpu.memory_space<semaphore_mem>>)
        %dma_wait3A_72 = arith.constant 0 : i32
        %dma_wait3A_73 = tpu.memref_slice %arg4[%add3A_40, %dma_wait3A_72] : memref<32768x128xi32, #tpu.memory_space<hbm>> -> memref<128x128xi32, #tpu.memory_space<hbm>>
        %dma_wait3A_74 = arith.constant 0 : i32
        %dma_wait3A_75 = tpu.memref_slice %arg4[%add3A_40, %dma_wait3A_74] : memref<32768x128xi32, #tpu.memory_space<hbm>> -> memref<128x128xi32, #tpu.memory_space<hbm>>
        tpu.wait_dma2 semaphore(%run_scoped3A : memref<!tpu.dma_semaphore, #tpu.memory_space<semaphore_mem>>) src(%arg6 : memref<128x128xi32, #tpu.memory_space<vmem>>) dst(%dma_wait3A_75 : memref<128x128xi32, #tpu.memory_space<hbm>>)
        tpu.yield
      }) : () -> ()
      %add3A_41 = arith.constant 2 : i32
      %add3A_42 = arith.addi %add3A_31, %add3A_41 : i32
      %mul3A_43 = arith.constant 128 : i32
      %mul3A_44 = arith.muli %add3A_42, %mul3A_43 : i32
      %dma_start3A_45 = tpu.memref_slice %arg5[%mul3A_44] : memref<2048xi32, #tpu.memory_space<vmem>> -> memref<128xi32, #tpu.memory_space<vmem>>
      %dma_start3A_46 = arith.constant 0 : i32
      %dma_start3A_47 = arith.constant 0 : i32
      %dma_start3A_48 = tpu.memref_slice %arg2[%dma_start3A_46, %dma_start3A_47] : memref<10000x128xi32, #tpu.memory_space<hbm>> -> memref<10000x128xi32, #tpu.memory_space<hbm>>
      tpu.enqueue_indirect_dma source(%dma_start3A_48 : memref<10000x128xi32, #tpu.memory_space<hbm>>) target(%arg6 : memref<128x128xi32, #tpu.memory_space<vmem>>) offsets(%dma_start3A_45 : memref<128xi32, #tpu.memory_space<vmem>>) semaphore(%arg8 : memref<!tpu.dma_semaphore, #tpu.memory_space<semaphore_mem>>)
      %add3A_49 = arith.constant 1 : i32
      %add3A_50 = arith.addi %mul3A_29, %add3A_49 : i32
      %mul3A_51 = arith.constant 128 : i32
      %mul3A_52 = arith.muli %add3A_50, %mul3A_51 : i32
      %dma_wait3A_53 = tpu.memref_slice %arg5[%mul3A_52] : memref<2048xi32, #tpu.memory_space<vmem>> -> memref<128xi32, #tpu.memory_space<vmem>>
      %dma_wait3A_54 = arith.constant 0 : i32
      %dma_wait3A_55 = arith.constant 0 : i32
      %dma_wait3A_56 = tpu.memref_slice %arg2[%dma_wait3A_54, %dma_wait3A_55] : memref<10000x128xi32, #tpu.memory_space<hbm>> -> memref<10000x128xi32, #tpu.memory_space<hbm>>
      tpu.wait_indirect_dma semaphore(%arg9 : memref<!tpu.dma_semaphore, #tpu.memory_space<semaphore_mem>>) src(%dma_wait3A_56 : memref<10000x128xi32, #tpu.memory_space<hbm>>) dst(%arg7 : memref<128x128xi32, #tpu.memory_space<vmem>>)
      %mul3A_57 = arith.constant 128 : i32
      %mul3A_58 = arith.muli %add3A_50, %mul3A_57 : i32
      %add3A_59 = arith.addi %mul3A_0, %mul3A_58 : i32
      "tpu.region"() ({
        %run_scoped3A = tpu.sem_alloc : memref<!tpu.dma_semaphore, #tpu.memory_space<semaphore_mem>>
        %dma_start3A_68 = arith.constant 0 : i32
        %dma_start3A_69 = tpu.memref_slice %arg4[%add3A_59, %dma_start3A_68] : memref<32768x128xi32, #tpu.memory_space<hbm>> -> memref<128x128xi32, #tpu.memory_space<hbm>>
        %dma_start3A_70 = arith.constant 0 : i32
        %dma_start3A_71 = tpu.memref_slice %arg4[%add3A_59, %dma_start3A_70] : memref<32768x128xi32, #tpu.memory_space<hbm>> -> memref<128x128xi32, #tpu.memory_space<hbm>>
        tpu.enqueue_dma source(%arg7 : memref<128x128xi32, #tpu.memory_space<vmem>>) target(%dma_start3A_71 : memref<128x128xi32, #tpu.memory_space<hbm>>) target_semaphore(%run_scoped3A : memref<!tpu.dma_semaphore, #tpu.memory_space<semaphore_mem>>)
        %dma_wait3A_72 = arith.constant 0 : i32
        %dma_wait3A_73 = tpu.memref_slice %arg4[%add3A_59, %dma_wait3A_72] : memref<32768x128xi32, #tpu.memory_space<hbm>> -> memref<128x128xi32, #tpu.memory_space<hbm>>
        %dma_wait3A_74 = arith.constant 0 : i32
        %dma_wait3A_75 = tpu.memref_slice %arg4[%add3A_59, %dma_wait3A_74] : memref<32768x128xi32, #tpu.memory_space<hbm>> -> memref<128x128xi32, #tpu.memory_space<hbm>>
        tpu.wait_dma2 semaphore(%run_scoped3A : memref<!tpu.dma_semaphore, #tpu.memory_space<semaphore_mem>>) src(%arg7 : memref<128x128xi32, #tpu.memory_space<vmem>>) dst(%dma_wait3A_75 : memref<128x128xi32, #tpu.memory_space<hbm>>)
        tpu.yield
      }) : () -> ()
      %add3A_60 = arith.constant 2 : i32
      %add3A_61 = arith.addi %add3A_50, %add3A_60 : i32
      %mul3A_62 = arith.constant 128 : i32
      %mul3A_63 = arith.muli %add3A_61, %mul3A_62 : i32
      %dma_start3A_64 = tpu.memref_slice %arg5[%mul3A_63] : memref<2048xi32, #tpu.memory_space<vmem>> -> memref<128xi32, #tpu.memory_space<vmem>>
      %dma_start3A_65 = arith.constant 0 : i32
      %dma_start3A_66 = arith.constant 0 : i32
      %dma_start3A_67 = tpu.memref_slice %arg2[%dma_start3A_65, %dma_start3A_66] : memref<10000x128xi32, #tpu.memory_space<hbm>> -> memref<10000x128xi32, #tpu.memory_space<hbm>>
      tpu.enqueue_indirect_dma source(%dma_start3A_67 : memref<10000x128xi32, #tpu.memory_space<hbm>>) target(%arg7 : memref<128x128xi32, #tpu.memory_space<vmem>>) offsets(%dma_start3A_64 : memref<128xi32, #tpu.memory_space<vmem>>) semaphore(%arg9 : memref<!tpu.dma_semaphore, #tpu.memory_space<semaphore_mem>>)
    }
    %scan3A_14 = arith.constant 7 : i32
    %dma_wait3A = arith.constant 1792 : i32
    %dma_wait3A_15 = tpu.memref_slice %arg5[%dma_wait3A] : memref<2048xi32, #tpu.memory_space<vmem>> -> memref<128xi32, #tpu.memory_space<vmem>>
    %dma_wait3A_16 = arith.constant 0 : i32
    %dma_wait3A_17 = arith.constant 0 : i32
    %dma_wait3A_18 = tpu.memref_slice %arg2[%dma_wait3A_16, %dma_wait3A_17] : memref<10000x128xi32, #tpu.memory_space<hbm>> -> memref<10000x128xi32, #tpu.memory_space<hbm>>
    tpu.wait_indirect_dma semaphore(%arg8 : memref<!tpu.dma_semaphore, #tpu.memory_space<semaphore_mem>>) src(%dma_wait3A_18 : memref<10000x128xi32, #tpu.memory_space<hbm>>) dst(%arg6 : memref<128x128xi32, #tpu.memory_space<vmem>>)
    %add3A = arith.constant 1792 : i32
    %add3A_19 = arith.addi %mul3A_0, %add3A : i32
    "tpu.region"() ({
      %run_scoped3A = tpu.sem_alloc : memref<!tpu.dma_semaphore, #tpu.memory_space<semaphore_mem>>
      %dma_start3A_27 = arith.constant 0 : i32
      %dma_start3A_28 = tpu.memref_slice %arg4[%add3A_19, %dma_start3A_27] : memref<32768x128xi32, #tpu.memory_space<hbm>> -> memref<128x128xi32, #tpu.memory_space<hbm>>
      %dma_start3A_29 = arith.constant 0 : i32
      %dma_start3A_30 = tpu.memref_slice %arg4[%add3A_19, %dma_start3A_29] : memref<32768x128xi32, #tpu.memory_space<hbm>> -> memref<128x128xi32, #tpu.memory_space<hbm>>
      tpu.enqueue_dma source(%arg6 : memref<128x128xi32, #tpu.memory_space<vmem>>) target(%dma_start3A_30 : memref<128x128xi32, #tpu.memory_space<hbm>>) target_semaphore(%run_scoped3A : memref<!tpu.dma_semaphore, #tpu.memory_space<semaphore_mem>>)
      %dma_wait3A_31 = arith.constant 0 : i32
      %dma_wait3A_32 = tpu.memref_slice %arg4[%add3A_19, %dma_wait3A_31] : memref<32768x128xi32, #tpu.memory_space<hbm>> -> memref<128x128xi32, #tpu.memory_space<hbm>>
      %dma_wait3A_33 = arith.constant 0 : i32
      %dma_wait3A_34 = tpu.memref_slice %arg4[%add3A_19, %dma_wait3A_33] : memref<32768x128xi32, #tpu.memory_space<hbm>> -> memref<128x128xi32, #tpu.memory_space<hbm>>
      tpu.wait_dma2 semaphore(%run_scoped3A : memref<!tpu.dma_semaphore, #tpu.memory_space<semaphore_mem>>) src(%arg6 : memref<128x128xi32, #tpu.memory_space<vmem>>) dst(%dma_wait3A_34 : memref<128x128xi32, #tpu.memory_space<hbm>>)
      tpu.yield
    }) : () -> ()
    %dma_wait3A_20 = arith.constant 1920 : i32
    %dma_wait3A_21 = tpu.memref_slice %arg5[%dma_wait3A_20] : memref<2048xi32, #tpu.memory_space<vmem>> -> memref<128xi32, #tpu.memory_space<vmem>>
    %dma_wait3A_22 = arith.constant 0 : i32
    %dma_wait3A_23 = arith.constant 0 : i32
    %dma_wait3A_24 = tpu.memref_slice %arg2[%dma_wait3A_22, %dma_wait3A_23] : memref<10000x128xi32, #tpu.memory_space<hbm>> -> memref<10000x128xi32, #tpu.memory_space<hbm>>
    tpu.wait_indirect_dma semaphore(%arg9 : memref<!tpu.dma_semaphore, #tpu.memory_space<semaphore_mem>>) src(%dma_wait3A_24 : memref<10000x128xi32, #tpu.memory_space<hbm>>) dst(%arg7 : memref<128x128xi32, #tpu.memory_space<vmem>>)
    %add3A_25 = arith.constant 1920 : i32
    %add3A_26 = arith.addi %mul3A_0, %add3A_25 : i32
    "tpu.region"() ({
      %run_scoped3A = tpu.sem_alloc : memref<!tpu.dma_semaphore, #tpu.memory_space<semaphore_mem>>
      %dma_start3A_27 = arith.constant 0 : i32
      %dma_start3A_28 = tpu.memref_slice %arg4[%add3A_26, %dma_start3A_27] : memref<32768x128xi32, #tpu.memory_space<hbm>> -> memref<128x128xi32, #tpu.memory_space<hbm>>
      %dma_start3A_29 = arith.constant 0 : i32
      %dma_start3A_30 = tpu.memref_slice %arg4[%add3A_26, %dma_start3A_29] : memref<32768x128xi32, #tpu.memory_space<hbm>> -> memref<128x128xi32, #tpu.memory_space<hbm>>
      tpu.enqueue_dma source(%arg7 : memref<128x128xi32, #tpu.memory_space<vmem>>) target(%dma_start3A_30 : memref<128x128xi32, #tpu.memory_space<hbm>>) target_semaphore(%run_scoped3A : memref<!tpu.dma_semaphore, #tpu.memory_space<semaphore_mem>>)
      %dma_wait3A_31 = arith.constant 0 : i32
      %dma_wait3A_32 = tpu.memref_slice %arg4[%add3A_26, %dma_wait3A_31] : memref<32768x128xi32, #tpu.memory_space<hbm>> -> memref<128x128xi32, #tpu.memory_space<hbm>>
      %dma_wait3A_33 = arith.constant 0 : i32
      %dma_wait3A_34 = tpu.memref_slice %arg4[%add3A_26, %dma_wait3A_33] : memref<32768x128xi32, #tpu.memory_space<hbm>> -> memref<128x128xi32, #tpu.memory_space<hbm>>
      tpu.wait_dma2 semaphore(%run_scoped3A : memref<!tpu.dma_semaphore, #tpu.memory_space<semaphore_mem>>) src(%arg7 : memref<128x128xi32, #tpu.memory_space<vmem>>) dst(%dma_wait3A_34 : memref<128x128xi32, #tpu.memory_space<hbm>>)
      tpu.yield
    }) : () -> ()
    return
  }
}

#map = affine_map<(d0, d1) -> (0, 0)>
#map1 = affine_map<(d0, d1) -> (0)>
module attributes {stable_mosaic.version = 14 : i64} {
  func.func @_sc_gather_body(%arg0: i32, %arg1: i32, %arg2: memref<10000x128xi32, #tpu.memory_space<hbm>>, %arg3: memref<32768xi32, #tpu.memory_space<hbm>>, %arg4: memref<32768x128xi32, #tpu.memory_space<hbm>>, %arg5: memref<2048xi32, #tpu.memory_space<vmem>>, %arg6: memref<128x128xi32, #tpu.memory_space<vmem>>, %arg7: memref<128x128xi32, #tpu.memory_space<vmem>>, %arg8: memref<!tpu.dma_semaphore, #tpu.memory_space<semaphore_mem>>, %arg9: memref<!tpu.dma_semaphore, #tpu.memory_space<semaphore_mem>>) attributes {dimension_semantics = [#tpu.dimension_semantics<core_parallel>, #tpu.dimension_semantics<subcore_parallel>], iteration_bounds = array<i64: 1, 16>, scalar_prefetch = 0 : i64, scratch_operands = 5 : i64, tpu.core_type = #tpu.core_type<sc_vector_subcore>, window_params = [{transform_indices = #map}, {transform_indices = #map1}, {transform_indices = #map}]} {
    %mul3A = arith.constant 2048 : i32
    %mul3A_0 = arith.muli %arg1, %mul3A : i32
    "tpu.region"() ({
      %run_scoped3A = tpu.sem_alloc : memref<!tpu.dma_semaphore, #tpu.memory_space<semaphore_mem>>
      %dma_start3A_27 = tpu.memref_slice %arg3[%mul3A_0] : memref<32768xi32, #tpu.memory_space<hbm>> -> memref<2048xi32, #tpu.memory_space<hbm>>
      %dma_start3A_28 = tpu.memref_slice %arg3[%mul3A_0] : memref<32768xi32, #tpu.memory_space<hbm>> -> memref<2048xi32, #tpu.memory_space<hbm>>
      tpu.enqueue_dma source(%dma_start3A_28 : memref<2048xi32, #tpu.memory_space<hbm>>) target(%arg5 : memref<2048xi32, #tpu.memory_space<vmem>>) target_semaphore(%run_scoped3A : memref<!tpu.dma_semaphore, #tpu.memory_space<semaphore_mem>>)
      %dma_wait3A_29 = tpu.memref_slice %arg3[%mul3A_0] : memref<32768xi32, #tpu.memory_space<hbm>> -> memref<2048xi32, #tpu.memory_space<hbm>>
      %dma_wait3A_30 = tpu.memref_slice %arg3[%mul3A_0] : memref<32768xi32, #tpu.memory_space<hbm>> -> memref<2048xi32, #tpu.memory_space<hbm>>
      tpu.wait_dma2 semaphore(%run_scoped3A : memref<!tpu.dma_semaphore, #tpu.memory_space<semaphore_mem>>) src(%dma_wait3A_30 : memref<2048xi32, #tpu.memory_space<hbm>>) dst(%arg5 : memref<2048xi32, #tpu.memory_space<vmem>>)
      tpu.yield
    }) : () -> ()
    %dma_start3A = arith.constant 0 : i32
    %dma_start3A_1 = tpu.memref_slice %arg5[%dma_start3A] : memref<2048xi32, #tpu.memory_space<vmem>> -> memref<128xi32, #tpu.memory_space<vmem>>
    %dma_start3A_2 = arith.constant 0 : i32
    %dma_start3A_3 = arith.constant 0 : i32
    %dma_start3A_4 = tpu.memref_slice %arg2[%dma_start3A_2, %dma_start3A_3] : memref<10000x128xi32, #tpu.memory_space<hbm>> -> memref<10000x128xi32, #tpu.memory_space<hbm>>
    tpu.enqueue_indirect_dma source(%dma_start3A_4 : memref<10000x128xi32, #tpu.memory_space<hbm>>) target(%arg6 : memref<128x128xi32, #tpu.memory_space<vmem>>) offsets(%dma_start3A_1 : memref<128xi32, #tpu.memory_space<vmem>>) semaphore(%arg8 : memref<!tpu.dma_semaphore, #tpu.memory_space<semaphore_mem>>)
    %dma_start3A_5 = arith.constant 128 : i32
    %dma_start3A_6 = tpu.memref_slice %arg5[%dma_start3A_5] : memref<2048xi32, #tpu.memory_space<vmem>> -> memref<128xi32, #tpu.memory_space<vmem>>
    %dma_start3A_7 = arith.constant 0 : i32
    %dma_start3A_8 = arith.constant 0 : i32
    %dma_start3A_9 = tpu.memref_slice %arg2[%dma_start3A_7, %dma_start3A_8] : memref<10000x128xi32, #tpu.memory_space<hbm>> -> memref<10000x128xi32, #tpu.memory_space<hbm>>
    tpu.enqueue_indirect_dma source(%dma_start3A_9 : memref<10000x128xi32, #tpu.memory_space<hbm>>) target(%arg7 : memref<128x128xi32, #tpu.memory_space<vmem>>) offsets(%dma_start3A_6 : memref<128xi32, #tpu.memory_space<vmem>>) semaphore(%arg9 : memref<!tpu.dma_semaphore, #tpu.memory_space<semaphore_mem>>)
    %scan3A = arith.constant 0 : i32
    %scan3A_10 = arith.constant 0 : i32
    %scan3A_11 = arith.constant 7 : i32
    %scan3A_12 = arith.addi %scan3A_10, %scan3A_11 : i32
    %scan3A_13 = arith.constant 1 : i32
    scf.for %scan3A_27 = %scan3A_10 to %scan3A_12 step %scan3A_13  : i32 {
      %mul3A_28 = arith.constant 2 : i32
      %mul3A_29 = arith.muli %mul3A_28, %scan3A_27 : i32
      %add3A_30 = arith.constant 0 : i32
      %add3A_31 = arith.addi %mul3A_29, %add3A_30 : i32
      %mul3A_32 = arith.constant 128 : i32
      %mul3A_33 = arith.muli %add3A_31, %mul3A_32 : i32
      %dma_wait3A_34 = tpu.memref_slice %arg5[%mul3A_33] : memref<2048xi32, #tpu.memory_space<vmem>> -> memref<128xi32, #tpu.memory_space<vmem>>
      %dma_wait3A_35 = arith.constant 0 : i32
      %dma_wait3A_36 = arith.constant 0 : i32
      %dma_wait3A_37 = tpu.memref_slice %arg2[%dma_wait3A_35, %dma_wait3A_36] : memref<10000x128xi32, #tpu.memory_space<hbm>> -> memref<10000x128xi32, #tpu.memory_space<hbm>>
      tpu.wait_indirect_dma semaphore(%arg8 : memref<!tpu.dma_semaphore, #tpu.memory_space<semaphore_mem>>) src(%dma_wait3A_37 : memref<10000x128xi32, #tpu.memory_space<hbm>>) dst(%arg6 : memref<128x128xi32, #tpu.memory_space<vmem>>)
      %mul3A_38 = arith.constant 128 : i32
      %mul3A_39 = arith.muli %add3A_31, %mul3A_38 : i32
      %add3A_40 = arith.addi %mul3A_0, %mul3A_39 : i32
      "tpu.region"() ({
        %run_scoped3A = tpu.sem_alloc : memref<!tpu.dma_semaphore, #tpu.memory_space<semaphore_mem>>
        %dma_start3A_68 = arith.constant 0 : i32
        %dma_start3A_69 = tpu.memref_slice %arg4[%add3A_40, %dma_start3A_68] : memref<32768x128xi32, #tpu.memory_space<hbm>> -> memref<128x128xi32, #tpu.memory_space<hbm>>
        %dma_start3A_70 = arith.constant 0 : i32
        %dma_start3A_71 = tpu.memref_slice %arg4[%add3A_40, %dma_start3A_70] : memref<32768x128xi32, #tpu.memory_space<hbm>> -> memref<128x128xi32, #tpu.memory_space<hbm>>
        tpu.enqueue_dma source(%arg6 : memref<128x128xi32, #tpu.memory_space<vmem>>) target(%dma_start3A_71 : memref<128x128xi32, #tpu.memory_space<hbm>>) target_semaphore(%run_scoped3A : memref<!tpu.dma_semaphore, #tpu.memory_space<semaphore_mem>>)
        %dma_wait3A_72 = arith.constant 0 : i32
        %dma_wait3A_73 = tpu.memref_slice %arg4[%add3A_40, %dma_wait3A_72] : memref<32768x128xi32, #tpu.memory_space<hbm>> -> memref<128x128xi32, #tpu.memory_space<hbm>>
        %dma_wait3A_74 = arith.constant 0 : i32
        %dma_wait3A_75 = tpu.memref_slice %arg4[%add3A_40, %dma_wait3A_74] : memref<32768x128xi32, #tpu.memory_space<hbm>> -> memref<128x128xi32, #tpu.memory_space<hbm>>
        tpu.wait_dma2 semaphore(%run_scoped3A : memref<!tpu.dma_semaphore, #tpu.memory_space<semaphore_mem>>) src(%arg6 : memref<128x128xi32, #tpu.memory_space<vmem>>) dst(%dma_wait3A_75 : memref<128x128xi32, #tpu.memory_space<hbm>>)
        tpu.yield
      }) : () -> ()
      %add3A_41 = arith.constant 2 : i32
      %add3A_42 = arith.addi %add3A_31, %add3A_41 : i32
      %mul3A_43 = arith.constant 128 : i32
      %mul3A_44 = arith.muli %add3A_42, %mul3A_43 : i32
      %dma_start3A_45 = tpu.memref_slice %arg5[%mul3A_44] : memref<2048xi32, #tpu.memory_space<vmem>> -> memref<128xi32, #tpu.memory_space<vmem>>
      %dma_start3A_46 = arith.constant 0 : i32
      %dma_start3A_47 = arith.constant 0 : i32
      %dma_start3A_48 = tpu.memref_slice %arg2[%dma_start3A_46, %dma_start3A_47] : memref<10000x128xi32, #tpu.memory_space<hbm>> -> memref<10000x128xi32, #tpu.memory_space<hbm>>
      tpu.enqueue_indirect_dma source(%dma_start3A_48 : memref<10000x128xi32, #tpu.memory_space<hbm>>) target(%arg6 : memref<128x128xi32, #tpu.memory_space<vmem>>) offsets(%dma_start3A_45 : memref<128xi32, #tpu.memory_space<vmem>>) semaphore(%arg8 : memref<!tpu.dma_semaphore, #tpu.memory_space<semaphore_mem>>)
      %add3A_49 = arith.constant 1 : i32
      %add3A_50 = arith.addi %mul3A_29, %add3A_49 : i32
      %mul3A_51 = arith.constant 128 : i32
      %mul3A_52 = arith.muli %add3A_50, %mul3A_51 : i32
      %dma_wait3A_53 = tpu.memref_slice %arg5[%mul3A_52] : memref<2048xi32, #tpu.memory_space<vmem>> -> memref<128xi32, #tpu.memory_space<vmem>>
      %dma_wait3A_54 = arith.constant 0 : i32
      %dma_wait3A_55 = arith.constant 0 : i32
      %dma_wait3A_56 = tpu.memref_slice %arg2[%dma_wait3A_54, %dma_wait3A_55] : memref<10000x128xi32, #tpu.memory_space<hbm>> -> memref<10000x128xi32, #tpu.memory_space<hbm>>
      tpu.wait_indirect_dma semaphore(%arg9 : memref<!tpu.dma_semaphore, #tpu.memory_space<semaphore_mem>>) src(%dma_wait3A_56 : memref<10000x128xi32, #tpu.memory_space<hbm>>) dst(%arg7 : memref<128x128xi32, #tpu.memory_space<vmem>>)
      %mul3A_57 = arith.constant 128 : i32
      %mul3A_58 = arith.muli %add3A_50, %mul3A_57 : i32
      %add3A_59 = arith.addi %mul3A_0, %mul3A_58 : i32
      "tpu.region"() ({
        %run_scoped3A = tpu.sem_alloc : memref<!tpu.dma_semaphore, #tpu.memory_space<semaphore_mem>>
        %dma_start3A_68 = arith.constant 0 : i32
        %dma_start3A_69 = tpu.memref_slice %arg4[%add3A_59, %dma_start3A_68] : memref<32768x128xi32, #tpu.memory_space<hbm>> -> memref<128x128xi32, #tpu.memory_space<hbm>>
        %dma_start3A_70 = arith.constant 0 : i32
        %dma_start3A_71 = tpu.memref_slice %arg4[%add3A_59, %dma_start3A_70] : memref<32768x128xi32, #tpu.memory_space<hbm>> -> memref<128x128xi32, #tpu.memory_space<hbm>>
        tpu.enqueue_dma source(%arg7 : memref<128x128xi32, #tpu.memory_space<vmem>>) target(%dma_start3A_71 : memref<128x128xi32, #tpu.memory_space<hbm>>) target_semaphore(%run_scoped3A : memref<!tpu.dma_semaphore, #tpu.memory_space<semaphore_mem>>)
        %dma_wait3A_72 = arith.constant 0 : i32
        %dma_wait3A_73 = tpu.memref_slice %arg4[%add3A_59, %dma_wait3A_72] : memref<32768x128xi32, #tpu.memory_space<hbm>> -> memref<128x128xi32, #tpu.memory_space<hbm>>
        %dma_wait3A_74 = arith.constant 0 : i32
        %dma_wait3A_75 = tpu.memref_slice %arg4[%add3A_59, %dma_wait3A_74] : memref<32768x128xi32, #tpu.memory_space<hbm>> -> memref<128x128xi32, #tpu.memory_space<hbm>>
        tpu.wait_dma2 semaphore(%run_scoped3A : memref<!tpu.dma_semaphore, #tpu.memory_space<semaphore_mem>>) src(%arg7 : memref<128x128xi32, #tpu.memory_space<vmem>>) dst(%dma_wait3A_75 : memref<128x128xi32, #tpu.memory_space<hbm>>)
        tpu.yield
      }) : () -> ()
      %add3A_60 = arith.constant 2 : i32
      %add3A_61 = arith.addi %add3A_50, %add3A_60 : i32
      %mul3A_62 = arith.constant 128 : i32
      %mul3A_63 = arith.muli %add3A_61, %mul3A_62 : i32
      %dma_start3A_64 = tpu.memref_slice %arg5[%mul3A_63] : memref<2048xi32, #tpu.memory_space<vmem>> -> memref<128xi32, #tpu.memory_space<vmem>>
      %dma_start3A_65 = arith.constant 0 : i32
      %dma_start3A_66 = arith.constant 0 : i32
      %dma_start3A_67 = tpu.memref_slice %arg2[%dma_start3A_65, %dma_start3A_66] : memref<10000x128xi32, #tpu.memory_space<hbm>> -> memref<10000x128xi32, #tpu.memory_space<hbm>>
      tpu.enqueue_indirect_dma source(%dma_start3A_67 : memref<10000x128xi32, #tpu.memory_space<hbm>>) target(%arg7 : memref<128x128xi32, #tpu.memory_space<vmem>>) offsets(%dma_start3A_64 : memref<128xi32, #tpu.memory_space<vmem>>) semaphore(%arg9 : memref<!tpu.dma_semaphore, #tpu.memory_space<semaphore_mem>>)
    }
    %scan3A_14 = arith.constant 7 : i32
    %dma_wait3A = arith.constant 1792 : i32
    %dma_wait3A_15 = tpu.memref_slice %arg5[%dma_wait3A] : memref<2048xi32, #tpu.memory_space<vmem>> -> memref<128xi32, #tpu.memory_space<vmem>>
    %dma_wait3A_16 = arith.constant 0 : i32
    %dma_wait3A_17 = arith.constant 0 : i32
    %dma_wait3A_18 = tpu.memref_slice %arg2[%dma_wait3A_16, %dma_wait3A_17] : memref<10000x128xi32, #tpu.memory_space<hbm>> -> memref<10000x128xi32, #tpu.memory_space<hbm>>
    tpu.wait_indirect_dma semaphore(%arg8 : memref<!tpu.dma_semaphore, #tpu.memory_space<semaphore_mem>>) src(%dma_wait3A_18 : memref<10000x128xi32, #tpu.memory_space<hbm>>) dst(%arg6 : memref<128x128xi32, #tpu.memory_space<vmem>>)
    %add3A = arith.constant 1792 : i32
    %add3A_19 = arith.addi %mul3A_0, %add3A : i32
    "tpu.region"() ({
      %run_scoped3A = tpu.sem_alloc : memref<!tpu.dma_semaphore, #tpu.memory_space<semaphore_mem>>
      %dma_start3A_27 = arith.constant 0 : i32
      %dma_start3A_28 = tpu.memref_slice %arg4[%add3A_19, %dma_start3A_27] : memref<32768x128xi32, #tpu.memory_space<hbm>> -> memref<128x128xi32, #tpu.memory_space<hbm>>
      %dma_start3A_29 = arith.constant 0 : i32
      %dma_start3A_30 = tpu.memref_slice %arg4[%add3A_19, %dma_start3A_29] : memref<32768x128xi32, #tpu.memory_space<hbm>> -> memref<128x128xi32, #tpu.memory_space<hbm>>
      tpu.enqueue_dma source(%arg6 : memref<128x128xi32, #tpu.memory_space<vmem>>) target(%dma_start3A_30 : memref<128x128xi32, #tpu.memory_space<hbm>>) target_semaphore(%run_scoped3A : memref<!tpu.dma_semaphore, #tpu.memory_space<semaphore_mem>>)
      %dma_wait3A_31 = arith.constant 0 : i32
      %dma_wait3A_32 = tpu.memref_slice %arg4[%add3A_19, %dma_wait3A_31] : memref<32768x128xi32, #tpu.memory_space<hbm>> -> memref<128x128xi32, #tpu.memory_space<hbm>>
      %dma_wait3A_33 = arith.constant 0 : i32
      %dma_wait3A_34 = tpu.memref_slice %arg4[%add3A_19, %dma_wait3A_33] : memref<32768x128xi32, #tpu.memory_space<hbm>> -> memref<128x128xi32, #tpu.memory_space<hbm>>
      tpu.wait_dma2 semaphore(%run_scoped3A : memref<!tpu.dma_semaphore, #tpu.memory_space<semaphore_mem>>) src(%arg6 : memref<128x128xi32, #tpu.memory_space<vmem>>) dst(%dma_wait3A_34 : memref<128x128xi32, #tpu.memory_space<hbm>>)
      tpu.yield
    }) : () -> ()
    %dma_wait3A_20 = arith.constant 1920 : i32
    %dma_wait3A_21 = tpu.memref_slice %arg5[%dma_wait3A_20] : memref<2048xi32, #tpu.memory_space<vmem>> -> memref<128xi32, #tpu.memory_space<vmem>>
    %dma_wait3A_22 = arith.constant 0 : i32
    %dma_wait3A_23 = arith.constant 0 : i32
    %dma_wait3A_24 = tpu.memref_slice %arg2[%dma_wait3A_22, %dma_wait3A_23] : memref<10000x128xi32, #tpu.memory_space<hbm>> -> memref<10000x128xi32, #tpu.memory_space<hbm>>
    tpu.wait_indirect_dma semaphore(%arg9 : memref<!tpu.dma_semaphore, #tpu.memory_space<semaphore_mem>>) src(%dma_wait3A_24 : memref<10000x128xi32, #tpu.memory_space<hbm>>) dst(%arg7 : memref<128x128xi32, #tpu.memory_space<vmem>>)
    %add3A_25 = arith.constant 1920 : i32
    %add3A_26 = arith.addi %mul3A_0, %add3A_25 : i32
    "tpu.region"() ({
      %run_scoped3A = tpu.sem_alloc : memref<!tpu.dma_semaphore, #tpu.memory_space<semaphore_mem>>
      %dma_start3A_27 = arith.constant 0 : i32
      %dma_start3A_28 = tpu.memref_slice %arg4[%add3A_26, %dma_start3A_27] : memref<32768x128xi32, #tpu.memory_space<hbm>> -> memref<128x128xi32, #tpu.memory_space<hbm>>
      %dma_start3A_29 = arith.constant 0 : i32
      %dma_start3A_30 = tpu.memref_slice %arg4[%add3A_26, %dma_start3A_29] : memref<32768x128xi32, #tpu.memory_space<hbm>> -> memref<128x128xi32, #tpu.memory_space<hbm>>
      tpu.enqueue_dma source(%arg7 : memref<128x128xi32, #tpu.memory_space<vmem>>) target(%dma_start3A_30 : memref<128x128xi32, #tpu.memory_space<hbm>>) target_semaphore(%run_scoped3A : memref<!tpu.dma_semaphore, #tpu.memory_space<semaphore_mem>>)
      %dma_wait3A_31 = arith.constant 0 : i32
      %dma_wait3A_32 = tpu.memref_slice %arg4[%add3A_26, %dma_wait3A_31] : memref<32768x128xi32, #tpu.memory_space<hbm>> -> memref<128x128xi32, #tpu.memory_space<hbm>>
      %dma_wait3A_33 = arith.constant 0 : i32
      %dma_wait3A_34 = tpu.memref_slice %arg4[%add3A_26, %dma_wait3A_33] : memref<32768x128xi32, #tpu.memory_space<hbm>> -> memref<128x128xi32, #tpu.memory_space<hbm>>
      tpu.wait_dma2 semaphore(%run_scoped3A : memref<!tpu.dma_semaphore, #tpu.memory_space<semaphore_mem>>) src(%arg7 : memref<128x128xi32, #tpu.memory_space<vmem>>) dst(%dma_wait3A_34 : memref<128x128xi32, #tpu.memory_space<hbm>>)
      tpu.yield
    }) : () -> ()
    return
  }
}

#map = affine_map<(d0, d1) -> (0, 0)>
#map1 = affine_map<(d0, d1) -> (0)>
module attributes {stable_mosaic.version = 14 : i64} {
  func.func @_sc_gather_body(%arg0: i32, %arg1: i32, %arg2: memref<10000x128xi32, #tpu.memory_space<hbm>>, %arg3: memref<32768xi32, #tpu.memory_space<hbm>>, %arg4: memref<32768x128xi32, #tpu.memory_space<hbm>>, %arg5: memref<2048xi32, #tpu.memory_space<vmem>>, %arg6: memref<128x128xi32, #tpu.memory_space<vmem>>, %arg7: memref<128x128xi32, #tpu.memory_space<vmem>>, %arg8: memref<!tpu.dma_semaphore, #tpu.memory_space<semaphore_mem>>, %arg9: memref<!tpu.dma_semaphore, #tpu.memory_space<semaphore_mem>>) attributes {dimension_semantics = [#tpu.dimension_semantics<core_parallel>, #tpu.dimension_semantics<subcore_parallel>], iteration_bounds = array<i64: 1, 16>, scalar_prefetch = 0 : i64, scratch_operands = 5 : i64, tpu.core_type = #tpu.core_type<sc_vector_subcore>, window_params = [{transform_indices = #map}, {transform_indices = #map1}, {transform_indices = #map}]} {
    %mul3A = arith.constant 2048 : i32
    %mul3A_0 = arith.muli %arg1, %mul3A : i32
    "tpu.region"() ({
      %run_scoped3A = tpu.sem_alloc : memref<!tpu.dma_semaphore, #tpu.memory_space<semaphore_mem>>
      %dma_start3A_27 = tpu.memref_slice %arg3[%mul3A_0] : memref<32768xi32, #tpu.memory_space<hbm>> -> memref<2048xi32, #tpu.memory_space<hbm>>
      %dma_start3A_28 = tpu.memref_slice %arg3[%mul3A_0] : memref<32768xi32, #tpu.memory_space<hbm>> -> memref<2048xi32, #tpu.memory_space<hbm>>
      tpu.enqueue_dma source(%dma_start3A_28 : memref<2048xi32, #tpu.memory_space<hbm>>) target(%arg5 : memref<2048xi32, #tpu.memory_space<vmem>>) target_semaphore(%run_scoped3A : memref<!tpu.dma_semaphore, #tpu.memory_space<semaphore_mem>>)
      %dma_wait3A_29 = tpu.memref_slice %arg3[%mul3A_0] : memref<32768xi32, #tpu.memory_space<hbm>> -> memref<2048xi32, #tpu.memory_space<hbm>>
      %dma_wait3A_30 = tpu.memref_slice %arg3[%mul3A_0] : memref<32768xi32, #tpu.memory_space<hbm>> -> memref<2048xi32, #tpu.memory_space<hbm>>
      tpu.wait_dma2 semaphore(%run_scoped3A : memref<!tpu.dma_semaphore, #tpu.memory_space<semaphore_mem>>) src(%dma_wait3A_30 : memref<2048xi32, #tpu.memory_space<hbm>>) dst(%arg5 : memref<2048xi32, #tpu.memory_space<vmem>>)
      tpu.yield
    }) : () -> ()
    %dma_start3A = arith.constant 0 : i32
    %dma_start3A_1 = tpu.memref_slice %arg5[%dma_start3A] : memref<2048xi32, #tpu.memory_space<vmem>> -> memref<128xi32, #tpu.memory_space<vmem>>
    %dma_start3A_2 = arith.constant 0 : i32
    %dma_start3A_3 = arith.constant 0 : i32
    %dma_start3A_4 = tpu.memref_slice %arg2[%dma_start3A_2, %dma_start3A_3] : memref<10000x128xi32, #tpu.memory_space<hbm>> -> memref<10000x128xi32, #tpu.memory_space<hbm>>
    tpu.enqueue_indirect_dma source(%dma_start3A_4 : memref<10000x128xi32, #tpu.memory_space<hbm>>) target(%arg6 : memref<128x128xi32, #tpu.memory_space<vmem>>) offsets(%dma_start3A_1 : memref<128xi32, #tpu.memory_space<vmem>>) semaphore(%arg8 : memref<!tpu.dma_semaphore, #tpu.memory_space<semaphore_mem>>)
    %dma_start3A_5 = arith.constant 128 : i32
    %dma_start3A_6 = tpu.memref_slice %arg5[%dma_start3A_5] : memref<2048xi32, #tpu.memory_space<vmem>> -> memref<128xi32, #tpu.memory_space<vmem>>
    %dma_start3A_7 = arith.constant 0 : i32
    %dma_start3A_8 = arith.constant 0 : i32
    %dma_start3A_9 = tpu.memref_slice %arg2[%dma_start3A_7, %dma_start3A_8] : memref<10000x128xi32, #tpu.memory_space<hbm>> -> memref<10000x128xi32, #tpu.memory_space<hbm>>
    tpu.enqueue_indirect_dma source(%dma_start3A_9 : memref<10000x128xi32, #tpu.memory_space<hbm>>) target(%arg7 : memref<128x128xi32, #tpu.memory_space<vmem>>) offsets(%dma_start3A_6 : memref<128xi32, #tpu.memory_space<vmem>>) semaphore(%arg9 : memref<!tpu.dma_semaphore, #tpu.memory_space<semaphore_mem>>)
    %scan3A = arith.constant 0 : i32
    %scan3A_10 = arith.constant 0 : i32
    %scan3A_11 = arith.constant 7 : i32
    %scan3A_12 = arith.addi %scan3A_10, %scan3A_11 : i32
    %scan3A_13 = arith.constant 1 : i32
    scf.for %scan3A_27 = %scan3A_10 to %scan3A_12 step %scan3A_13  : i32 {
      %mul3A_28 = arith.constant 2 : i32
      %mul3A_29 = arith.muli %mul3A_28, %scan3A_27 : i32
      %add3A_30 = arith.constant 0 : i32
      %add3A_31 = arith.addi %mul3A_29, %add3A_30 : i32
      %mul3A_32 = arith.constant 128 : i32
      %mul3A_33 = arith.muli %add3A_31, %mul3A_32 : i32
      %dma_wait3A_34 = tpu.memref_slice %arg5[%mul3A_33] : memref<2048xi32, #tpu.memory_space<vmem>> -> memref<128xi32, #tpu.memory_space<vmem>>
      %dma_wait3A_35 = arith.constant 0 : i32
      %dma_wait3A_36 = arith.constant 0 : i32
      %dma_wait3A_37 = tpu.memref_slice %arg2[%dma_wait3A_35, %dma_wait3A_36] : memref<10000x128xi32, #tpu.memory_space<hbm>> -> memref<10000x128xi32, #tpu.memory_space<hbm>>
      tpu.wait_indirect_dma semaphore(%arg8 : memref<!tpu.dma_semaphore, #tpu.memory_space<semaphore_mem>>) src(%dma_wait3A_37 : memref<10000x128xi32, #tpu.memory_space<hbm>>) dst(%arg6 : memref<128x128xi32, #tpu.memory_space<vmem>>)
      %mul3A_38 = arith.constant 128 : i32
      %mul3A_39 = arith.muli %add3A_31, %mul3A_38 : i32
      %add3A_40 = arith.addi %mul3A_0, %mul3A_39 : i32
      "tpu.region"() ({
        %run_scoped3A = tpu.sem_alloc : memref<!tpu.dma_semaphore, #tpu.memory_space<semaphore_mem>>
        %dma_start3A_68 = arith.constant 0 : i32
        %dma_start3A_69 = tpu.memref_slice %arg4[%add3A_40, %dma_start3A_68] : memref<32768x128xi32, #tpu.memory_space<hbm>> -> memref<128x128xi32, #tpu.memory_space<hbm>>
        %dma_start3A_70 = arith.constant 0 : i32
        %dma_start3A_71 = tpu.memref_slice %arg4[%add3A_40, %dma_start3A_70] : memref<32768x128xi32, #tpu.memory_space<hbm>> -> memref<128x128xi32, #tpu.memory_space<hbm>>
        tpu.enqueue_dma source(%arg6 : memref<128x128xi32, #tpu.memory_space<vmem>>) target(%dma_start3A_71 : memref<128x128xi32, #tpu.memory_space<hbm>>) target_semaphore(%run_scoped3A : memref<!tpu.dma_semaphore, #tpu.memory_space<semaphore_mem>>)
        %dma_wait3A_72 = arith.constant 0 : i32
        %dma_wait3A_73 = tpu.memref_slice %arg4[%add3A_40, %dma_wait3A_72] : memref<32768x128xi32, #tpu.memory_space<hbm>> -> memref<128x128xi32, #tpu.memory_space<hbm>>
        %dma_wait3A_74 = arith.constant 0 : i32
        %dma_wait3A_75 = tpu.memref_slice %arg4[%add3A_40, %dma_wait3A_74] : memref<32768x128xi32, #tpu.memory_space<hbm>> -> memref<128x128xi32, #tpu.memory_space<hbm>>
        tpu.wait_dma2 semaphore(%run_scoped3A : memref<!tpu.dma_semaphore, #tpu.memory_space<semaphore_mem>>) src(%arg6 : memref<128x128xi32, #tpu.memory_space<vmem>>) dst(%dma_wait3A_75 : memref<128x128xi32, #tpu.memory_space<hbm>>)
        tpu.yield
      }) : () -> ()
      %add3A_41 = arith.constant 2 : i32
      %add3A_42 = arith.addi %add3A_31, %add3A_41 : i32
      %mul3A_43 = arith.constant 128 : i32
      %mul3A_44 = arith.muli %add3A_42, %mul3A_43 : i32
      %dma_start3A_45 = tpu.memref_slice %arg5[%mul3A_44] : memref<2048xi32, #tpu.memory_space<vmem>> -> memref<128xi32, #tpu.memory_space<vmem>>
      %dma_start3A_46 = arith.constant 0 : i32
      %dma_start3A_47 = arith.constant 0 : i32
      %dma_start3A_48 = tpu.memref_slice %arg2[%dma_start3A_46, %dma_start3A_47] : memref<10000x128xi32, #tpu.memory_space<hbm>> -> memref<10000x128xi32, #tpu.memory_space<hbm>>
      tpu.enqueue_indirect_dma source(%dma_start3A_48 : memref<10000x128xi32, #tpu.memory_space<hbm>>) target(%arg6 : memref<128x128xi32, #tpu.memory_space<vmem>>) offsets(%dma_start3A_45 : memref<128xi32, #tpu.memory_space<vmem>>) semaphore(%arg8 : memref<!tpu.dma_semaphore, #tpu.memory_space<semaphore_mem>>)
      %add3A_49 = arith.constant 1 : i32
      %add3A_50 = arith.addi %mul3A_29, %add3A_49 : i32
      %mul3A_51 = arith.constant 128 : i32
      %mul3A_52 = arith.muli %add3A_50, %mul3A_51 : i32
      %dma_wait3A_53 = tpu.memref_slice %arg5[%mul3A_52] : memref<2048xi32, #tpu.memory_space<vmem>> -> memref<128xi32, #tpu.memory_space<vmem>>
      %dma_wait3A_54 = arith.constant 0 : i32
      %dma_wait3A_55 = arith.constant 0 : i32
      %dma_wait3A_56 = tpu.memref_slice %arg2[%dma_wait3A_54, %dma_wait3A_55] : memref<10000x128xi32, #tpu.memory_space<hbm>> -> memref<10000x128xi32, #tpu.memory_space<hbm>>
      tpu.wait_indirect_dma semaphore(%arg9 : memref<!tpu.dma_semaphore, #tpu.memory_space<semaphore_mem>>) src(%dma_wait3A_56 : memref<10000x128xi32, #tpu.memory_space<hbm>>) dst(%arg7 : memref<128x128xi32, #tpu.memory_space<vmem>>)
      %mul3A_57 = arith.constant 128 : i32
      %mul3A_58 = arith.muli %add3A_50, %mul3A_57 : i32
      %add3A_59 = arith.addi %mul3A_0, %mul3A_58 : i32
      "tpu.region"() ({
        %run_scoped3A = tpu.sem_alloc : memref<!tpu.dma_semaphore, #tpu.memory_space<semaphore_mem>>
        %dma_start3A_68 = arith.constant 0 : i32
        %dma_start3A_69 = tpu.memref_slice %arg4[%add3A_59, %dma_start3A_68] : memref<32768x128xi32, #tpu.memory_space<hbm>> -> memref<128x128xi32, #tpu.memory_space<hbm>>
        %dma_start3A_70 = arith.constant 0 : i32
        %dma_start3A_71 = tpu.memref_slice %arg4[%add3A_59, %dma_start3A_70] : memref<32768x128xi32, #tpu.memory_space<hbm>> -> memref<128x128xi32, #tpu.memory_space<hbm>>
        tpu.enqueue_dma source(%arg7 : memref<128x128xi32, #tpu.memory_space<vmem>>) target(%dma_start3A_71 : memref<128x128xi32, #tpu.memory_space<hbm>>) target_semaphore(%run_scoped3A : memref<!tpu.dma_semaphore, #tpu.memory_space<semaphore_mem>>)
        %dma_wait3A_72 = arith.constant 0 : i32
        %dma_wait3A_73 = tpu.memref_slice %arg4[%add3A_59, %dma_wait3A_72] : memref<32768x128xi32, #tpu.memory_space<hbm>> -> memref<128x128xi32, #tpu.memory_space<hbm>>
        %dma_wait3A_74 = arith.constant 0 : i32
        %dma_wait3A_75 = tpu.memref_slice %arg4[%add3A_59, %dma_wait3A_74] : memref<32768x128xi32, #tpu.memory_space<hbm>> -> memref<128x128xi32, #tpu.memory_space<hbm>>
        tpu.wait_dma2 semaphore(%run_scoped3A : memref<!tpu.dma_semaphore, #tpu.memory_space<semaphore_mem>>) src(%arg7 : memref<128x128xi32, #tpu.memory_space<vmem>>) dst(%dma_wait3A_75 : memref<128x128xi32, #tpu.memory_space<hbm>>)
        tpu.yield
      }) : () -> ()
      %add3A_60 = arith.constant 2 : i32
      %add3A_61 = arith.addi %add3A_50, %add3A_60 : i32
      %mul3A_62 = arith.constant 128 : i32
      %mul3A_63 = arith.muli %add3A_61, %mul3A_62 : i32
      %dma_start3A_64 = tpu.memref_slice %arg5[%mul3A_63] : memref<2048xi32, #tpu.memory_space<vmem>> -> memref<128xi32, #tpu.memory_space<vmem>>
      %dma_start3A_65 = arith.constant 0 : i32
      %dma_start3A_66 = arith.constant 0 : i32
      %dma_start3A_67 = tpu.memref_slice %arg2[%dma_start3A_65, %dma_start3A_66] : memref<10000x128xi32, #tpu.memory_space<hbm>> -> memref<10000x128xi32, #tpu.memory_space<hbm>>
      tpu.enqueue_indirect_dma source(%dma_start3A_67 : memref<10000x128xi32, #tpu.memory_space<hbm>>) target(%arg7 : memref<128x128xi32, #tpu.memory_space<vmem>>) offsets(%dma_start3A_64 : memref<128xi32, #tpu.memory_space<vmem>>) semaphore(%arg9 : memref<!tpu.dma_semaphore, #tpu.memory_space<semaphore_mem>>)
    }
    %scan3A_14 = arith.constant 7 : i32
    %dma_wait3A = arith.constant 1792 : i32
    %dma_wait3A_15 = tpu.memref_slice %arg5[%dma_wait3A] : memref<2048xi32, #tpu.memory_space<vmem>> -> memref<128xi32, #tpu.memory_space<vmem>>
    %dma_wait3A_16 = arith.constant 0 : i32
    %dma_wait3A_17 = arith.constant 0 : i32
    %dma_wait3A_18 = tpu.memref_slice %arg2[%dma_wait3A_16, %dma_wait3A_17] : memref<10000x128xi32, #tpu.memory_space<hbm>> -> memref<10000x128xi32, #tpu.memory_space<hbm>>
    tpu.wait_indirect_dma semaphore(%arg8 : memref<!tpu.dma_semaphore, #tpu.memory_space<semaphore_mem>>) src(%dma_wait3A_18 : memref<10000x128xi32, #tpu.memory_space<hbm>>) dst(%arg6 : memref<128x128xi32, #tpu.memory_space<vmem>>)
    %add3A = arith.constant 1792 : i32
    %add3A_19 = arith.addi %mul3A_0, %add3A : i32
    "tpu.region"() ({
      %run_scoped3A = tpu.sem_alloc : memref<!tpu.dma_semaphore, #tpu.memory_space<semaphore_mem>>
      %dma_start3A_27 = arith.constant 0 : i32
      %dma_start3A_28 = tpu.memref_slice %arg4[%add3A_19, %dma_start3A_27] : memref<32768x128xi32, #tpu.memory_space<hbm>> -> memref<128x128xi32, #tpu.memory_space<hbm>>
      %dma_start3A_29 = arith.constant 0 : i32
      %dma_start3A_30 = tpu.memref_slice %arg4[%add3A_19, %dma_start3A_29] : memref<32768x128xi32, #tpu.memory_space<hbm>> -> memref<128x128xi32, #tpu.memory_space<hbm>>
      tpu.enqueue_dma source(%arg6 : memref<128x128xi32, #tpu.memory_space<vmem>>) target(%dma_start3A_30 : memref<128x128xi32, #tpu.memory_space<hbm>>) target_semaphore(%run_scoped3A : memref<!tpu.dma_semaphore, #tpu.memory_space<semaphore_mem>>)
      %dma_wait3A_31 = arith.constant 0 : i32
      %dma_wait3A_32 = tpu.memref_slice %arg4[%add3A_19, %dma_wait3A_31] : memref<32768x128xi32, #tpu.memory_space<hbm>> -> memref<128x128xi32, #tpu.memory_space<hbm>>
      %dma_wait3A_33 = arith.constant 0 : i32
      %dma_wait3A_34 = tpu.memref_slice %arg4[%add3A_19, %dma_wait3A_33] : memref<32768x128xi32, #tpu.memory_space<hbm>> -> memref<128x128xi32, #tpu.memory_space<hbm>>
      tpu.wait_dma2 semaphore(%run_scoped3A : memref<!tpu.dma_semaphore, #tpu.memory_space<semaphore_mem>>) src(%arg6 : memref<128x128xi32, #tpu.memory_space<vmem>>) dst(%dma_wait3A_34 : memref<128x128xi32, #tpu.memory_space<hbm>>)
      tpu.yield
    }) : () -> ()
    %dma_wait3A_20 = arith.constant 1920 : i32
    %dma_wait3A_21 = tpu.memref_slice %arg5[%dma_wait3A_20] : memref<2048xi32, #tpu.memory_space<vmem>> -> memref<128xi32, #tpu.memory_space<vmem>>
    %dma_wait3A_22 = arith.constant 0 : i32
    %dma_wait3A_23 = arith.constant 0 : i32
    %dma_wait3A_24 = tpu.memref_slice %arg2[%dma_wait3A_22, %dma_wait3A_23] : memref<10000x128xi32, #tpu.memory_space<hbm>> -> memref<10000x128xi32, #tpu.memory_space<hbm>>
    tpu.wait_indirect_dma semaphore(%arg9 : memref<!tpu.dma_semaphore, #tpu.memory_space<semaphore_mem>>) src(%dma_wait3A_24 : memref<10000x128xi32, #tpu.memory_space<hbm>>) dst(%arg7 : memref<128x128xi32, #tpu.memory_space<vmem>>)
    %add3A_25 = arith.constant 1920 : i32
    %add3A_26 = arith.addi %mul3A_0, %add3A_25 : i32
    "tpu.region"() ({
      %run_scoped3A = tpu.sem_alloc : memref<!tpu.dma_semaphore, #tpu.memory_space<semaphore_mem>>
      %dma_start3A_27 = arith.constant 0 : i32
      %dma_start3A_28 = tpu.memref_slice %arg4[%add3A_26, %dma_start3A_27] : memref<32768x128xi32, #tpu.memory_space<hbm>> -> memref<128x128xi32, #tpu.memory_space<hbm>>
      %dma_start3A_29 = arith.constant 0 : i32
      %dma_start3A_30 = tpu.memref_slice %arg4[%add3A_26, %dma_start3A_29] : memref<32768x128xi32, #tpu.memory_space<hbm>> -> memref<128x128xi32, #tpu.memory_space<hbm>>
      tpu.enqueue_dma source(%arg7 : memref<128x128xi32, #tpu.memory_space<vmem>>) target(%dma_start3A_30 : memref<128x128xi32, #tpu.memory_space<hbm>>) target_semaphore(%run_scoped3A : memref<!tpu.dma_semaphore, #tpu.memory_space<semaphore_mem>>)
      %dma_wait3A_31 = arith.constant 0 : i32
      %dma_wait3A_32 = tpu.memref_slice %arg4[%add3A_26, %dma_wait3A_31] : memref<32768x128xi32, #tpu.memory_space<hbm>> -> memref<128x128xi32, #tpu.memory_space<hbm>>
      %dma_wait3A_33 = arith.constant 0 : i32
      %dma_wait3A_34 = tpu.memref_slice %arg4[%add3A_26, %dma_wait3A_33] : memref<32768x128xi32, #tpu.memory_space<hbm>> -> memref<128x128xi32, #tpu.memory_space<hbm>>
      tpu.wait_dma2 semaphore(%run_scoped3A : memref<!tpu.dma_semaphore, #tpu.memory_space<semaphore_mem>>) src(%arg7 : memref<128x128xi32, #tpu.memory_space<vmem>>) dst(%dma_wait3A_34 : memref<128x128xi32, #tpu.memory_space<hbm>>)
      tpu.yield
    }) : () -> ()
    return
  }
}

#map = affine_map<(d0, d1) -> (0, 0)>
#map1 = affine_map<(d0, d1) -> (0)>
module attributes {stable_mosaic.version = 14 : i64} {
  func.func @_sc_gather_body(%arg0: i32, %arg1: i32, %arg2: memref<10000x128xi32, #tpu.memory_space<hbm>>, %arg3: memref<32768xi32, #tpu.memory_space<hbm>>, %arg4: memref<32768x128xi32, #tpu.memory_space<hbm>>, %arg5: memref<2048xi32, #tpu.memory_space<vmem>>, %arg6: memref<128x128xi32, #tpu.memory_space<vmem>>, %arg7: memref<128x128xi32, #tpu.memory_space<vmem>>, %arg8: memref<!tpu.dma_semaphore, #tpu.memory_space<semaphore_mem>>, %arg9: memref<!tpu.dma_semaphore, #tpu.memory_space<semaphore_mem>>) attributes {dimension_semantics = [#tpu.dimension_semantics<core_parallel>, #tpu.dimension_semantics<subcore_parallel>], iteration_bounds = array<i64: 1, 16>, scalar_prefetch = 0 : i64, scratch_operands = 5 : i64, tpu.core_type = #tpu.core_type<sc_vector_subcore>, window_params = [{transform_indices = #map}, {transform_indices = #map1}, {transform_indices = #map}]} {
    %mul3A = arith.constant 2048 : i32
    %mul3A_0 = arith.muli %arg1, %mul3A : i32
    "tpu.region"() ({
      %run_scoped3A = tpu.sem_alloc : memref<!tpu.dma_semaphore, #tpu.memory_space<semaphore_mem>>
      %dma_start3A_27 = tpu.memref_slice %arg3[%mul3A_0] : memref<32768xi32, #tpu.memory_space<hbm>> -> memref<2048xi32, #tpu.memory_space<hbm>>
      %dma_start3A_28 = tpu.memref_slice %arg3[%mul3A_0] : memref<32768xi32, #tpu.memory_space<hbm>> -> memref<2048xi32, #tpu.memory_space<hbm>>
      tpu.enqueue_dma source(%dma_start3A_28 : memref<2048xi32, #tpu.memory_space<hbm>>) target(%arg5 : memref<2048xi32, #tpu.memory_space<vmem>>) target_semaphore(%run_scoped3A : memref<!tpu.dma_semaphore, #tpu.memory_space<semaphore_mem>>)
      %dma_wait3A_29 = tpu.memref_slice %arg3[%mul3A_0] : memref<32768xi32, #tpu.memory_space<hbm>> -> memref<2048xi32, #tpu.memory_space<hbm>>
      %dma_wait3A_30 = tpu.memref_slice %arg3[%mul3A_0] : memref<32768xi32, #tpu.memory_space<hbm>> -> memref<2048xi32, #tpu.memory_space<hbm>>
      tpu.wait_dma2 semaphore(%run_scoped3A : memref<!tpu.dma_semaphore, #tpu.memory_space<semaphore_mem>>) src(%dma_wait3A_30 : memref<2048xi32, #tpu.memory_space<hbm>>) dst(%arg5 : memref<2048xi32, #tpu.memory_space<vmem>>)
      tpu.yield
    }) : () -> ()
    %dma_start3A = arith.constant 0 : i32
    %dma_start3A_1 = tpu.memref_slice %arg5[%dma_start3A] : memref<2048xi32, #tpu.memory_space<vmem>> -> memref<128xi32, #tpu.memory_space<vmem>>
    %dma_start3A_2 = arith.constant 0 : i32
    %dma_start3A_3 = arith.constant 0 : i32
    %dma_start3A_4 = tpu.memref_slice %arg2[%dma_start3A_2, %dma_start3A_3] : memref<10000x128xi32, #tpu.memory_space<hbm>> -> memref<10000x128xi32, #tpu.memory_space<hbm>>
    tpu.enqueue_indirect_dma source(%dma_start3A_4 : memref<10000x128xi32, #tpu.memory_space<hbm>>) target(%arg6 : memref<128x128xi32, #tpu.memory_space<vmem>>) offsets(%dma_start3A_1 : memref<128xi32, #tpu.memory_space<vmem>>) semaphore(%arg8 : memref<!tpu.dma_semaphore, #tpu.memory_space<semaphore_mem>>)
    %dma_start3A_5 = arith.constant 128 : i32
    %dma_start3A_6 = tpu.memref_slice %arg5[%dma_start3A_5] : memref<2048xi32, #tpu.memory_space<vmem>> -> memref<128xi32, #tpu.memory_space<vmem>>
    %dma_start3A_7 = arith.constant 0 : i32
    %dma_start3A_8 = arith.constant 0 : i32
    %dma_start3A_9 = tpu.memref_slice %arg2[%dma_start3A_7, %dma_start3A_8] : memref<10000x128xi32, #tpu.memory_space<hbm>> -> memref<10000x128xi32, #tpu.memory_space<hbm>>
    tpu.enqueue_indirect_dma source(%dma_start3A_9 : memref<10000x128xi32, #tpu.memory_space<hbm>>) target(%arg7 : memref<128x128xi32, #tpu.memory_space<vmem>>) offsets(%dma_start3A_6 : memref<128xi32, #tpu.memory_space<vmem>>) semaphore(%arg9 : memref<!tpu.dma_semaphore, #tpu.memory_space<semaphore_mem>>)
    %scan3A = arith.constant 0 : i32
    %scan3A_10 = arith.constant 0 : i32
    %scan3A_11 = arith.constant 7 : i32
    %scan3A_12 = arith.addi %scan3A_10, %scan3A_11 : i32
    %scan3A_13 = arith.constant 1 : i32
    scf.for %scan3A_27 = %scan3A_10 to %scan3A_12 step %scan3A_13  : i32 {
      %mul3A_28 = arith.constant 2 : i32
      %mul3A_29 = arith.muli %mul3A_28, %scan3A_27 : i32
      %add3A_30 = arith.constant 0 : i32
      %add3A_31 = arith.addi %mul3A_29, %add3A_30 : i32
      %mul3A_32 = arith.constant 128 : i32
      %mul3A_33 = arith.muli %add3A_31, %mul3A_32 : i32
      %dma_wait3A_34 = tpu.memref_slice %arg5[%mul3A_33] : memref<2048xi32, #tpu.memory_space<vmem>> -> memref<128xi32, #tpu.memory_space<vmem>>
      %dma_wait3A_35 = arith.constant 0 : i32
      %dma_wait3A_36 = arith.constant 0 : i32
      %dma_wait3A_37 = tpu.memref_slice %arg2[%dma_wait3A_35, %dma_wait3A_36] : memref<10000x128xi32, #tpu.memory_space<hbm>> -> memref<10000x128xi32, #tpu.memory_space<hbm>>
      tpu.wait_indirect_dma semaphore(%arg8 : memref<!tpu.dma_semaphore, #tpu.memory_space<semaphore_mem>>) src(%dma_wait3A_37 : memref<10000x128xi32, #tpu.memory_space<hbm>>) dst(%arg6 : memref<128x128xi32, #tpu.memory_space<vmem>>)
      %mul3A_38 = arith.constant 128 : i32
      %mul3A_39 = arith.muli %add3A_31, %mul3A_38 : i32
      %add3A_40 = arith.addi %mul3A_0, %mul3A_39 : i32
      "tpu.region"() ({
        %run_scoped3A = tpu.sem_alloc : memref<!tpu.dma_semaphore, #tpu.memory_space<semaphore_mem>>
        %dma_start3A_68 = arith.constant 0 : i32
        %dma_start3A_69 = tpu.memref_slice %arg4[%add3A_40, %dma_start3A_68] : memref<32768x128xi32, #tpu.memory_space<hbm>> -> memref<128x128xi32, #tpu.memory_space<hbm>>
        %dma_start3A_70 = arith.constant 0 : i32
        %dma_start3A_71 = tpu.memref_slice %arg4[%add3A_40, %dma_start3A_70] : memref<32768x128xi32, #tpu.memory_space<hbm>> -> memref<128x128xi32, #tpu.memory_space<hbm>>
        tpu.enqueue_dma source(%arg6 : memref<128x128xi32, #tpu.memory_space<vmem>>) target(%dma_start3A_71 : memref<128x128xi32, #tpu.memory_space<hbm>>) target_semaphore(%run_scoped3A : memref<!tpu.dma_semaphore, #tpu.memory_space<semaphore_mem>>)
        %dma_wait3A_72 = arith.constant 0 : i32
        %dma_wait3A_73 = tpu.memref_slice %arg4[%add3A_40, %dma_wait3A_72] : memref<32768x128xi32, #tpu.memory_space<hbm>> -> memref<128x128xi32, #tpu.memory_space<hbm>>
        %dma_wait3A_74 = arith.constant 0 : i32
        %dma_wait3A_75 = tpu.memref_slice %arg4[%add3A_40, %dma_wait3A_74] : memref<32768x128xi32, #tpu.memory_space<hbm>> -> memref<128x128xi32, #tpu.memory_space<hbm>>
        tpu.wait_dma2 semaphore(%run_scoped3A : memref<!tpu.dma_semaphore, #tpu.memory_space<semaphore_mem>>) src(%arg6 : memref<128x128xi32, #tpu.memory_space<vmem>>) dst(%dma_wait3A_75 : memref<128x128xi32, #tpu.memory_space<hbm>>)
        tpu.yield
      }) : () -> ()
      %add3A_41 = arith.constant 2 : i32
      %add3A_42 = arith.addi %add3A_31, %add3A_41 : i32
      %mul3A_43 = arith.constant 128 : i32
      %mul3A_44 = arith.muli %add3A_42, %mul3A_43 : i32
      %dma_start3A_45 = tpu.memref_slice %arg5[%mul3A_44] : memref<2048xi32, #tpu.memory_space<vmem>> -> memref<128xi32, #tpu.memory_space<vmem>>
      %dma_start3A_46 = arith.constant 0 : i32
      %dma_start3A_47 = arith.constant 0 : i32
      %dma_start3A_48 = tpu.memref_slice %arg2[%dma_start3A_46, %dma_start3A_47] : memref<10000x128xi32, #tpu.memory_space<hbm>> -> memref<10000x128xi32, #tpu.memory_space<hbm>>
      tpu.enqueue_indirect_dma source(%dma_start3A_48 : memref<10000x128xi32, #tpu.memory_space<hbm>>) target(%arg6 : memref<128x128xi32, #tpu.memory_space<vmem>>) offsets(%dma_start3A_45 : memref<128xi32, #tpu.memory_space<vmem>>) semaphore(%arg8 : memref<!tpu.dma_semaphore, #tpu.memory_space<semaphore_mem>>)
      %add3A_49 = arith.constant 1 : i32
      %add3A_50 = arith.addi %mul3A_29, %add3A_49 : i32
      %mul3A_51 = arith.constant 128 : i32
      %mul3A_52 = arith.muli %add3A_50, %mul3A_51 : i32
      %dma_wait3A_53 = tpu.memref_slice %arg5[%mul3A_52] : memref<2048xi32, #tpu.memory_space<vmem>> -> memref<128xi32, #tpu.memory_space<vmem>>
      %dma_wait3A_54 = arith.constant 0 : i32
      %dma_wait3A_55 = arith.constant 0 : i32
      %dma_wait3A_56 = tpu.memref_slice %arg2[%dma_wait3A_54, %dma_wait3A_55] : memref<10000x128xi32, #tpu.memory_space<hbm>> -> memref<10000x128xi32, #tpu.memory_space<hbm>>
      tpu.wait_indirect_dma semaphore(%arg9 : memref<!tpu.dma_semaphore, #tpu.memory_space<semaphore_mem>>) src(%dma_wait3A_56 : memref<10000x128xi32, #tpu.memory_space<hbm>>) dst(%arg7 : memref<128x128xi32, #tpu.memory_space<vmem>>)
      %mul3A_57 = arith.constant 128 : i32
      %mul3A_58 = arith.muli %add3A_50, %mul3A_57 : i32
      %add3A_59 = arith.addi %mul3A_0, %mul3A_58 : i32
      "tpu.region"() ({
        %run_scoped3A = tpu.sem_alloc : memref<!tpu.dma_semaphore, #tpu.memory_space<semaphore_mem>>
        %dma_start3A_68 = arith.constant 0 : i32
        %dma_start3A_69 = tpu.memref_slice %arg4[%add3A_59, %dma_start3A_68] : memref<32768x128xi32, #tpu.memory_space<hbm>> -> memref<128x128xi32, #tpu.memory_space<hbm>>
        %dma_start3A_70 = arith.constant 0 : i32
        %dma_start3A_71 = tpu.memref_slice %arg4[%add3A_59, %dma_start3A_70] : memref<32768x128xi32, #tpu.memory_space<hbm>> -> memref<128x128xi32, #tpu.memory_space<hbm>>
        tpu.enqueue_dma source(%arg7 : memref<128x128xi32, #tpu.memory_space<vmem>>) target(%dma_start3A_71 : memref<128x128xi32, #tpu.memory_space<hbm>>) target_semaphore(%run_scoped3A : memref<!tpu.dma_semaphore, #tpu.memory_space<semaphore_mem>>)
        %dma_wait3A_72 = arith.constant 0 : i32
        %dma_wait3A_73 = tpu.memref_slice %arg4[%add3A_59, %dma_wait3A_72] : memref<32768x128xi32, #tpu.memory_space<hbm>> -> memref<128x128xi32, #tpu.memory_space<hbm>>
        %dma_wait3A_74 = arith.constant 0 : i32
        %dma_wait3A_75 = tpu.memref_slice %arg4[%add3A_59, %dma_wait3A_74] : memref<32768x128xi32, #tpu.memory_space<hbm>> -> memref<128x128xi32, #tpu.memory_space<hbm>>
        tpu.wait_dma2 semaphore(%run_scoped3A : memref<!tpu.dma_semaphore, #tpu.memory_space<semaphore_mem>>) src(%arg7 : memref<128x128xi32, #tpu.memory_space<vmem>>) dst(%dma_wait3A_75 : memref<128x128xi32, #tpu.memory_space<hbm>>)
        tpu.yield
      }) : () -> ()
      %add3A_60 = arith.constant 2 : i32
      %add3A_61 = arith.addi %add3A_50, %add3A_60 : i32
      %mul3A_62 = arith.constant 128 : i32
      %mul3A_63 = arith.muli %add3A_61, %mul3A_62 : i32
      %dma_start3A_64 = tpu.memref_slice %arg5[%mul3A_63] : memref<2048xi32, #tpu.memory_space<vmem>> -> memref<128xi32, #tpu.memory_space<vmem>>
      %dma_start3A_65 = arith.constant 0 : i32
      %dma_start3A_66 = arith.constant 0 : i32
      %dma_start3A_67 = tpu.memref_slice %arg2[%dma_start3A_65, %dma_start3A_66] : memref<10000x128xi32, #tpu.memory_space<hbm>> -> memref<10000x128xi32, #tpu.memory_space<hbm>>
      tpu.enqueue_indirect_dma source(%dma_start3A_67 : memref<10000x128xi32, #tpu.memory_space<hbm>>) target(%arg7 : memref<128x128xi32, #tpu.memory_space<vmem>>) offsets(%dma_start3A_64 : memref<128xi32, #tpu.memory_space<vmem>>) semaphore(%arg9 : memref<!tpu.dma_semaphore, #tpu.memory_space<semaphore_mem>>)
    }
    %scan3A_14 = arith.constant 7 : i32
    %dma_wait3A = arith.constant 1792 : i32
    %dma_wait3A_15 = tpu.memref_slice %arg5[%dma_wait3A] : memref<2048xi32, #tpu.memory_space<vmem>> -> memref<128xi32, #tpu.memory_space<vmem>>
    %dma_wait3A_16 = arith.constant 0 : i32
    %dma_wait3A_17 = arith.constant 0 : i32
    %dma_wait3A_18 = tpu.memref_slice %arg2[%dma_wait3A_16, %dma_wait3A_17] : memref<10000x128xi32, #tpu.memory_space<hbm>> -> memref<10000x128xi32, #tpu.memory_space<hbm>>
    tpu.wait_indirect_dma semaphore(%arg8 : memref<!tpu.dma_semaphore, #tpu.memory_space<semaphore_mem>>) src(%dma_wait3A_18 : memref<10000x128xi32, #tpu.memory_space<hbm>>) dst(%arg6 : memref<128x128xi32, #tpu.memory_space<vmem>>)
    %add3A = arith.constant 1792 : i32
    %add3A_19 = arith.addi %mul3A_0, %add3A : i32
    "tpu.region"() ({
      %run_scoped3A = tpu.sem_alloc : memref<!tpu.dma_semaphore, #tpu.memory_space<semaphore_mem>>
      %dma_start3A_27 = arith.constant 0 : i32
      %dma_start3A_28 = tpu.memref_slice %arg4[%add3A_19, %dma_start3A_27] : memref<32768x128xi32, #tpu.memory_space<hbm>> -> memref<128x128xi32, #tpu.memory_space<hbm>>
      %dma_start3A_29 = arith.constant 0 : i32
      %dma_start3A_30 = tpu.memref_slice %arg4[%add3A_19, %dma_start3A_29] : memref<32768x128xi32, #tpu.memory_space<hbm>> -> memref<128x128xi32, #tpu.memory_space<hbm>>
      tpu.enqueue_dma source(%arg6 : memref<128x128xi32, #tpu.memory_space<vmem>>) target(%dma_start3A_30 : memref<128x128xi32, #tpu.memory_space<hbm>>) target_semaphore(%run_scoped3A : memref<!tpu.dma_semaphore, #tpu.memory_space<semaphore_mem>>)
      %dma_wait3A_31 = arith.constant 0 : i32
      %dma_wait3A_32 = tpu.memref_slice %arg4[%add3A_19, %dma_wait3A_31] : memref<32768x128xi32, #tpu.memory_space<hbm>> -> memref<128x128xi32, #tpu.memory_space<hbm>>
      %dma_wait3A_33 = arith.constant 0 : i32
      %dma_wait3A_34 = tpu.memref_slice %arg4[%add3A_19, %dma_wait3A_33] : memref<32768x128xi32, #tpu.memory_space<hbm>> -> memref<128x128xi32, #tpu.memory_space<hbm>>
      tpu.wait_dma2 semaphore(%run_scoped3A : memref<!tpu.dma_semaphore, #tpu.memory_space<semaphore_mem>>) src(%arg6 : memref<128x128xi32, #tpu.memory_space<vmem>>) dst(%dma_wait3A_34 : memref<128x128xi32, #tpu.memory_space<hbm>>)
      tpu.yield
    }) : () -> ()
    %dma_wait3A_20 = arith.constant 1920 : i32
    %dma_wait3A_21 = tpu.memref_slice %arg5[%dma_wait3A_20] : memref<2048xi32, #tpu.memory_space<vmem>> -> memref<128xi32, #tpu.memory_space<vmem>>
    %dma_wait3A_22 = arith.constant 0 : i32
    %dma_wait3A_23 = arith.constant 0 : i32
    %dma_wait3A_24 = tpu.memref_slice %arg2[%dma_wait3A_22, %dma_wait3A_23] : memref<10000x128xi32, #tpu.memory_space<hbm>> -> memref<10000x128xi32, #tpu.memory_space<hbm>>
    tpu.wait_indirect_dma semaphore(%arg9 : memref<!tpu.dma_semaphore, #tpu.memory_space<semaphore_mem>>) src(%dma_wait3A_24 : memref<10000x128xi32, #tpu.memory_space<hbm>>) dst(%arg7 : memref<128x128xi32, #tpu.memory_space<vmem>>)
    %add3A_25 = arith.constant 1920 : i32
    %add3A_26 = arith.addi %mul3A_0, %add3A_25 : i32
    "tpu.region"() ({
      %run_scoped3A = tpu.sem_alloc : memref<!tpu.dma_semaphore, #tpu.memory_space<semaphore_mem>>
      %dma_start3A_27 = arith.constant 0 : i32
      %dma_start3A_28 = tpu.memref_slice %arg4[%add3A_26, %dma_start3A_27] : memref<32768x128xi32, #tpu.memory_space<hbm>> -> memref<128x128xi32, #tpu.memory_space<hbm>>
      %dma_start3A_29 = arith.constant 0 : i32
      %dma_start3A_30 = tpu.memref_slice %arg4[%add3A_26, %dma_start3A_29] : memref<32768x128xi32, #tpu.memory_space<hbm>> -> memref<128x128xi32, #tpu.memory_space<hbm>>
      tpu.enqueue_dma source(%arg7 : memref<128x128xi32, #tpu.memory_space<vmem>>) target(%dma_start3A_30 : memref<128x128xi32, #tpu.memory_space<hbm>>) target_semaphore(%run_scoped3A : memref<!tpu.dma_semaphore, #tpu.memory_space<semaphore_mem>>)
      %dma_wait3A_31 = arith.constant 0 : i32
      %dma_wait3A_32 = tpu.memref_slice %arg4[%add3A_26, %dma_wait3A_31] : memref<32768x128xi32, #tpu.memory_space<hbm>> -> memref<128x128xi32, #tpu.memory_space<hbm>>
      %dma_wait3A_33 = arith.constant 0 : i32
      %dma_wait3A_34 = tpu.memref_slice %arg4[%add3A_26, %dma_wait3A_33] : memref<32768x128xi32, #tpu.memory_space<hbm>> -> memref<128x128xi32, #tpu.memory_space<hbm>>
      tpu.wait_dma2 semaphore(%run_scoped3A : memref<!tpu.dma_semaphore, #tpu.memory_space<semaphore_mem>>) src(%arg7 : memref<128x128xi32, #tpu.memory_space<vmem>>) dst(%dma_wait3A_34 : memref<128x128xi32, #tpu.memory_space<hbm>>)
      tpu.yield
    }) : () -> ()
    return
  }
}

#map = affine_map<(d0, d1) -> (0, 0)>
#map1 = affine_map<(d0, d1) -> (0)>
module attributes {stable_mosaic.version = 14 : i64} {
  func.func @_sc_gather_body(%arg0: i32, %arg1: i32, %arg2: memref<10000x128xi32, #tpu.memory_space<hbm>>, %arg3: memref<32768xi32, #tpu.memory_space<hbm>>, %arg4: memref<32768x128xi32, #tpu.memory_space<hbm>>, %arg5: memref<2048xi32, #tpu.memory_space<vmem>>, %arg6: memref<128x128xi32, #tpu.memory_space<vmem>>, %arg7: memref<128x128xi32, #tpu.memory_space<vmem>>, %arg8: memref<!tpu.dma_semaphore, #tpu.memory_space<semaphore_mem>>, %arg9: memref<!tpu.dma_semaphore, #tpu.memory_space<semaphore_mem>>) attributes {dimension_semantics = [#tpu.dimension_semantics<core_parallel>, #tpu.dimension_semantics<subcore_parallel>], iteration_bounds = array<i64: 1, 16>, scalar_prefetch = 0 : i64, scratch_operands = 5 : i64, tpu.core_type = #tpu.core_type<sc_vector_subcore>, window_params = [{transform_indices = #map}, {transform_indices = #map1}, {transform_indices = #map}]} {
    %mul3A = arith.constant 2048 : i32
    %mul3A_0 = arith.muli %arg1, %mul3A : i32
    "tpu.region"() ({
      %run_scoped3A = tpu.sem_alloc : memref<!tpu.dma_semaphore, #tpu.memory_space<semaphore_mem>>
      %dma_start3A_27 = tpu.memref_slice %arg3[%mul3A_0] : memref<32768xi32, #tpu.memory_space<hbm>> -> memref<2048xi32, #tpu.memory_space<hbm>>
      %dma_start3A_28 = tpu.memref_slice %arg3[%mul3A_0] : memref<32768xi32, #tpu.memory_space<hbm>> -> memref<2048xi32, #tpu.memory_space<hbm>>
      tpu.enqueue_dma source(%dma_start3A_28 : memref<2048xi32, #tpu.memory_space<hbm>>) target(%arg5 : memref<2048xi32, #tpu.memory_space<vmem>>) target_semaphore(%run_scoped3A : memref<!tpu.dma_semaphore, #tpu.memory_space<semaphore_mem>>)
      %dma_wait3A_29 = tpu.memref_slice %arg3[%mul3A_0] : memref<32768xi32, #tpu.memory_space<hbm>> -> memref<2048xi32, #tpu.memory_space<hbm>>
      %dma_wait3A_30 = tpu.memref_slice %arg3[%mul3A_0] : memref<32768xi32, #tpu.memory_space<hbm>> -> memref<2048xi32, #tpu.memory_space<hbm>>
      tpu.wait_dma2 semaphore(%run_scoped3A : memref<!tpu.dma_semaphore, #tpu.memory_space<semaphore_mem>>) src(%dma_wait3A_30 : memref<2048xi32, #tpu.memory_space<hbm>>) dst(%arg5 : memref<2048xi32, #tpu.memory_space<vmem>>)
      tpu.yield
    }) : () -> ()
    %dma_start3A = arith.constant 0 : i32
    %dma_start3A_1 = tpu.memref_slice %arg5[%dma_start3A] : memref<2048xi32, #tpu.memory_space<vmem>> -> memref<128xi32, #tpu.memory_space<vmem>>
    %dma_start3A_2 = arith.constant 0 : i32
    %dma_start3A_3 = arith.constant 0 : i32
    %dma_start3A_4 = tpu.memref_slice %arg2[%dma_start3A_2, %dma_start3A_3] : memref<10000x128xi32, #tpu.memory_space<hbm>> -> memref<10000x128xi32, #tpu.memory_space<hbm>>
    tpu.enqueue_indirect_dma source(%dma_start3A_4 : memref<10000x128xi32, #tpu.memory_space<hbm>>) target(%arg6 : memref<128x128xi32, #tpu.memory_space<vmem>>) offsets(%dma_start3A_1 : memref<128xi32, #tpu.memory_space<vmem>>) semaphore(%arg8 : memref<!tpu.dma_semaphore, #tpu.memory_space<semaphore_mem>>)
    %dma_start3A_5 = arith.constant 128 : i32
    %dma_start3A_6 = tpu.memref_slice %arg5[%dma_start3A_5] : memref<2048xi32, #tpu.memory_space<vmem>> -> memref<128xi32, #tpu.memory_space<vmem>>
    %dma_start3A_7 = arith.constant 0 : i32
    %dma_start3A_8 = arith.constant 0 : i32
    %dma_start3A_9 = tpu.memref_slice %arg2[%dma_start3A_7, %dma_start3A_8] : memref<10000x128xi32, #tpu.memory_space<hbm>> -> memref<10000x128xi32, #tpu.memory_space<hbm>>
    tpu.enqueue_indirect_dma source(%dma_start3A_9 : memref<10000x128xi32, #tpu.memory_space<hbm>>) target(%arg7 : memref<128x128xi32, #tpu.memory_space<vmem>>) offsets(%dma_start3A_6 : memref<128xi32, #tpu.memory_space<vmem>>) semaphore(%arg9 : memref<!tpu.dma_semaphore, #tpu.memory_space<semaphore_mem>>)
    %scan3A = arith.constant 0 : i32
    %scan3A_10 = arith.constant 0 : i32
    %scan3A_11 = arith.constant 7 : i32
    %scan3A_12 = arith.addi %scan3A_10, %scan3A_11 : i32
    %scan3A_13 = arith.constant 1 : i32
    scf.for %scan3A_27 = %scan3A_10 to %scan3A_12 step %scan3A_13  : i32 {
      %mul3A_28 = arith.constant 2 : i32
      %mul3A_29 = arith.muli %mul3A_28, %scan3A_27 : i32
      %add3A_30 = arith.constant 0 : i32
      %add3A_31 = arith.addi %mul3A_29, %add3A_30 : i32
      %mul3A_32 = arith.constant 128 : i32
      %mul3A_33 = arith.muli %add3A_31, %mul3A_32 : i32
      %dma_wait3A_34 = tpu.memref_slice %arg5[%mul3A_33] : memref<2048xi32, #tpu.memory_space<vmem>> -> memref<128xi32, #tpu.memory_space<vmem>>
      %dma_wait3A_35 = arith.constant 0 : i32
      %dma_wait3A_36 = arith.constant 0 : i32
      %dma_wait3A_37 = tpu.memref_slice %arg2[%dma_wait3A_35, %dma_wait3A_36] : memref<10000x128xi32, #tpu.memory_space<hbm>> -> memref<10000x128xi32, #tpu.memory_space<hbm>>
      tpu.wait_indirect_dma semaphore(%arg8 : memref<!tpu.dma_semaphore, #tpu.memory_space<semaphore_mem>>) src(%dma_wait3A_37 : memref<10000x128xi32, #tpu.memory_space<hbm>>) dst(%arg6 : memref<128x128xi32, #tpu.memory_space<vmem>>)
      %mul3A_38 = arith.constant 128 : i32
      %mul3A_39 = arith.muli %add3A_31, %mul3A_38 : i32
      %add3A_40 = arith.addi %mul3A_0, %mul3A_39 : i32
      "tpu.region"() ({
        %run_scoped3A = tpu.sem_alloc : memref<!tpu.dma_semaphore, #tpu.memory_space<semaphore_mem>>
        %dma_start3A_68 = arith.constant 0 : i32
        %dma_start3A_69 = tpu.memref_slice %arg4[%add3A_40, %dma_start3A_68] : memref<32768x128xi32, #tpu.memory_space<hbm>> -> memref<128x128xi32, #tpu.memory_space<hbm>>
        %dma_start3A_70 = arith.constant 0 : i32
        %dma_start3A_71 = tpu.memref_slice %arg4[%add3A_40, %dma_start3A_70] : memref<32768x128xi32, #tpu.memory_space<hbm>> -> memref<128x128xi32, #tpu.memory_space<hbm>>
        tpu.enqueue_dma source(%arg6 : memref<128x128xi32, #tpu.memory_space<vmem>>) target(%dma_start3A_71 : memref<128x128xi32, #tpu.memory_space<hbm>>) target_semaphore(%run_scoped3A : memref<!tpu.dma_semaphore, #tpu.memory_space<semaphore_mem>>)
        %dma_wait3A_72 = arith.constant 0 : i32
        %dma_wait3A_73 = tpu.memref_slice %arg4[%add3A_40, %dma_wait3A_72] : memref<32768x128xi32, #tpu.memory_space<hbm>> -> memref<128x128xi32, #tpu.memory_space<hbm>>
        %dma_wait3A_74 = arith.constant 0 : i32
        %dma_wait3A_75 = tpu.memref_slice %arg4[%add3A_40, %dma_wait3A_74] : memref<32768x128xi32, #tpu.memory_space<hbm>> -> memref<128x128xi32, #tpu.memory_space<hbm>>
        tpu.wait_dma2 semaphore(%run_scoped3A : memref<!tpu.dma_semaphore, #tpu.memory_space<semaphore_mem>>) src(%arg6 : memref<128x128xi32, #tpu.memory_space<vmem>>) dst(%dma_wait3A_75 : memref<128x128xi32, #tpu.memory_space<hbm>>)
        tpu.yield
      }) : () -> ()
      %add3A_41 = arith.constant 2 : i32
      %add3A_42 = arith.addi %add3A_31, %add3A_41 : i32
      %mul3A_43 = arith.constant 128 : i32
      %mul3A_44 = arith.muli %add3A_42, %mul3A_43 : i32
      %dma_start3A_45 = tpu.memref_slice %arg5[%mul3A_44] : memref<2048xi32, #tpu.memory_space<vmem>> -> memref<128xi32, #tpu.memory_space<vmem>>
      %dma_start3A_46 = arith.constant 0 : i32
      %dma_start3A_47 = arith.constant 0 : i32
      %dma_start3A_48 = tpu.memref_slice %arg2[%dma_start3A_46, %dma_start3A_47] : memref<10000x128xi32, #tpu.memory_space<hbm>> -> memref<10000x128xi32, #tpu.memory_space<hbm>>
      tpu.enqueue_indirect_dma source(%dma_start3A_48 : memref<10000x128xi32, #tpu.memory_space<hbm>>) target(%arg6 : memref<128x128xi32, #tpu.memory_space<vmem>>) offsets(%dma_start3A_45 : memref<128xi32, #tpu.memory_space<vmem>>) semaphore(%arg8 : memref<!tpu.dma_semaphore, #tpu.memory_space<semaphore_mem>>)
      %add3A_49 = arith.constant 1 : i32
      %add3A_50 = arith.addi %mul3A_29, %add3A_49 : i32
      %mul3A_51 = arith.constant 128 : i32
      %mul3A_52 = arith.muli %add3A_50, %mul3A_51 : i32
      %dma_wait3A_53 = tpu.memref_slice %arg5[%mul3A_52] : memref<2048xi32, #tpu.memory_space<vmem>> -> memref<128xi32, #tpu.memory_space<vmem>>
      %dma_wait3A_54 = arith.constant 0 : i32
      %dma_wait3A_55 = arith.constant 0 : i32
      %dma_wait3A_56 = tpu.memref_slice %arg2[%dma_wait3A_54, %dma_wait3A_55] : memref<10000x128xi32, #tpu.memory_space<hbm>> -> memref<10000x128xi32, #tpu.memory_space<hbm>>
      tpu.wait_indirect_dma semaphore(%arg9 : memref<!tpu.dma_semaphore, #tpu.memory_space<semaphore_mem>>) src(%dma_wait3A_56 : memref<10000x128xi32, #tpu.memory_space<hbm>>) dst(%arg7 : memref<128x128xi32, #tpu.memory_space<vmem>>)
      %mul3A_57 = arith.constant 128 : i32
      %mul3A_58 = arith.muli %add3A_50, %mul3A_57 : i32
      %add3A_59 = arith.addi %mul3A_0, %mul3A_58 : i32
      "tpu.region"() ({
        %run_scoped3A = tpu.sem_alloc : memref<!tpu.dma_semaphore, #tpu.memory_space<semaphore_mem>>
        %dma_start3A_68 = arith.constant 0 : i32
        %dma_start3A_69 = tpu.memref_slice %arg4[%add3A_59, %dma_start3A_68] : memref<32768x128xi32, #tpu.memory_space<hbm>> -> memref<128x128xi32, #tpu.memory_space<hbm>>
        %dma_start3A_70 = arith.constant 0 : i32
        %dma_start3A_71 = tpu.memref_slice %arg4[%add3A_59, %dma_start3A_70] : memref<32768x128xi32, #tpu.memory_space<hbm>> -> memref<128x128xi32, #tpu.memory_space<hbm>>
        tpu.enqueue_dma source(%arg7 : memref<128x128xi32, #tpu.memory_space<vmem>>) target(%dma_start3A_71 : memref<128x128xi32, #tpu.memory_space<hbm>>) target_semaphore(%run_scoped3A : memref<!tpu.dma_semaphore, #tpu.memory_space<semaphore_mem>>)
        %dma_wait3A_72 = arith.constant 0 : i32
        %dma_wait3A_73 = tpu.memref_slice %arg4[%add3A_59, %dma_wait3A_72] : memref<32768x128xi32, #tpu.memory_space<hbm>> -> memref<128x128xi32, #tpu.memory_space<hbm>>
        %dma_wait3A_74 = arith.constant 0 : i32
        %dma_wait3A_75 = tpu.memref_slice %arg4[%add3A_59, %dma_wait3A_74] : memref<32768x128xi32, #tpu.memory_space<hbm>> -> memref<128x128xi32, #tpu.memory_space<hbm>>
        tpu.wait_dma2 semaphore(%run_scoped3A : memref<!tpu.dma_semaphore, #tpu.memory_space<semaphore_mem>>) src(%arg7 : memref<128x128xi32, #tpu.memory_space<vmem>>) dst(%dma_wait3A_75 : memref<128x128xi32, #tpu.memory_space<hbm>>)
        tpu.yield
      }) : () -> ()
      %add3A_60 = arith.constant 2 : i32
      %add3A_61 = arith.addi %add3A_50, %add3A_60 : i32
      %mul3A_62 = arith.constant 128 : i32
      %mul3A_63 = arith.muli %add3A_61, %mul3A_62 : i32
      %dma_start3A_64 = tpu.memref_slice %arg5[%mul3A_63] : memref<2048xi32, #tpu.memory_space<vmem>> -> memref<128xi32, #tpu.memory_space<vmem>>
      %dma_start3A_65 = arith.constant 0 : i32
      %dma_start3A_66 = arith.constant 0 : i32
      %dma_start3A_67 = tpu.memref_slice %arg2[%dma_start3A_65, %dma_start3A_66] : memref<10000x128xi32, #tpu.memory_space<hbm>> -> memref<10000x128xi32, #tpu.memory_space<hbm>>
      tpu.enqueue_indirect_dma source(%dma_start3A_67 : memref<10000x128xi32, #tpu.memory_space<hbm>>) target(%arg7 : memref<128x128xi32, #tpu.memory_space<vmem>>) offsets(%dma_start3A_64 : memref<128xi32, #tpu.memory_space<vmem>>) semaphore(%arg9 : memref<!tpu.dma_semaphore, #tpu.memory_space<semaphore_mem>>)
    }
    %scan3A_14 = arith.constant 7 : i32
    %dma_wait3A = arith.constant 1792 : i32
    %dma_wait3A_15 = tpu.memref_slice %arg5[%dma_wait3A] : memref<2048xi32, #tpu.memory_space<vmem>> -> memref<128xi32, #tpu.memory_space<vmem>>
    %dma_wait3A_16 = arith.constant 0 : i32
    %dma_wait3A_17 = arith.constant 0 : i32
    %dma_wait3A_18 = tpu.memref_slice %arg2[%dma_wait3A_16, %dma_wait3A_17] : memref<10000x128xi32, #tpu.memory_space<hbm>> -> memref<10000x128xi32, #tpu.memory_space<hbm>>
    tpu.wait_indirect_dma semaphore(%arg8 : memref<!tpu.dma_semaphore, #tpu.memory_space<semaphore_mem>>) src(%dma_wait3A_18 : memref<10000x128xi32, #tpu.memory_space<hbm>>) dst(%arg6 : memref<128x128xi32, #tpu.memory_space<vmem>>)
    %add3A = arith.constant 1792 : i32
    %add3A_19 = arith.addi %mul3A_0, %add3A : i32
    "tpu.region"() ({
      %run_scoped3A = tpu.sem_alloc : memref<!tpu.dma_semaphore, #tpu.memory_space<semaphore_mem>>
      %dma_start3A_27 = arith.constant 0 : i32
      %dma_start3A_28 = tpu.memref_slice %arg4[%add3A_19, %dma_start3A_27] : memref<32768x128xi32, #tpu.memory_space<hbm>> -> memref<128x128xi32, #tpu.memory_space<hbm>>
      %dma_start3A_29 = arith.constant 0 : i32
      %dma_start3A_30 = tpu.memref_slice %arg4[%add3A_19, %dma_start3A_29] : memref<32768x128xi32, #tpu.memory_space<hbm>> -> memref<128x128xi32, #tpu.memory_space<hbm>>
      tpu.enqueue_dma source(%arg6 : memref<128x128xi32, #tpu.memory_space<vmem>>) target(%dma_start3A_30 : memref<128x128xi32, #tpu.memory_space<hbm>>) target_semaphore(%run_scoped3A : memref<!tpu.dma_semaphore, #tpu.memory_space<semaphore_mem>>)
      %dma_wait3A_31 = arith.constant 0 : i32
      %dma_wait3A_32 = tpu.memref_slice %arg4[%add3A_19, %dma_wait3A_31] : memref<32768x128xi32, #tpu.memory_space<hbm>> -> memref<128x128xi32, #tpu.memory_space<hbm>>
      %dma_wait3A_33 = arith.constant 0 : i32
      %dma_wait3A_34 = tpu.memref_slice %arg4[%add3A_19, %dma_wait3A_33] : memref<32768x128xi32, #tpu.memory_space<hbm>> -> memref<128x128xi32, #tpu.memory_space<hbm>>
      tpu.wait_dma2 semaphore(%run_scoped3A : memref<!tpu.dma_semaphore, #tpu.memory_space<semaphore_mem>>) src(%arg6 : memref<128x128xi32, #tpu.memory_space<vmem>>) dst(%dma_wait3A_34 : memref<128x128xi32, #tpu.memory_space<hbm>>)
      tpu.yield
    }) : () -> ()
    %dma_wait3A_20 = arith.constant 1920 : i32
    %dma_wait3A_21 = tpu.memref_slice %arg5[%dma_wait3A_20] : memref<2048xi32, #tpu.memory_space<vmem>> -> memref<128xi32, #tpu.memory_space<vmem>>
    %dma_wait3A_22 = arith.constant 0 : i32
    %dma_wait3A_23 = arith.constant 0 : i32
    %dma_wait3A_24 = tpu.memref_slice %arg2[%dma_wait3A_22, %dma_wait3A_23] : memref<10000x128xi32, #tpu.memory_space<hbm>> -> memref<10000x128xi32, #tpu.memory_space<hbm>>
    tpu.wait_indirect_dma semaphore(%arg9 : memref<!tpu.dma_semaphore, #tpu.memory_space<semaphore_mem>>) src(%dma_wait3A_24 : memref<10000x128xi32, #tpu.memory_space<hbm>>) dst(%arg7 : memref<128x128xi32, #tpu.memory_space<vmem>>)
    %add3A_25 = arith.constant 1920 : i32
    %add3A_26 = arith.addi %mul3A_0, %add3A_25 : i32
    "tpu.region"() ({
      %run_scoped3A = tpu.sem_alloc : memref<!tpu.dma_semaphore, #tpu.memory_space<semaphore_mem>>
      %dma_start3A_27 = arith.constant 0 : i32
      %dma_start3A_28 = tpu.memref_slice %arg4[%add3A_26, %dma_start3A_27] : memref<32768x128xi32, #tpu.memory_space<hbm>> -> memref<128x128xi32, #tpu.memory_space<hbm>>
      %dma_start3A_29 = arith.constant 0 : i32
      %dma_start3A_30 = tpu.memref_slice %arg4[%add3A_26, %dma_start3A_29] : memref<32768x128xi32, #tpu.memory_space<hbm>> -> memref<128x128xi32, #tpu.memory_space<hbm>>
      tpu.enqueue_dma source(%arg7 : memref<128x128xi32, #tpu.memory_space<vmem>>) target(%dma_start3A_30 : memref<128x128xi32, #tpu.memory_space<hbm>>) target_semaphore(%run_scoped3A : memref<!tpu.dma_semaphore, #tpu.memory_space<semaphore_mem>>)
      %dma_wait3A_31 = arith.constant 0 : i32
      %dma_wait3A_32 = tpu.memref_slice %arg4[%add3A_26, %dma_wait3A_31] : memref<32768x128xi32, #tpu.memory_space<hbm>> -> memref<128x128xi32, #tpu.memory_space<hbm>>
      %dma_wait3A_33 = arith.constant 0 : i32
      %dma_wait3A_34 = tpu.memref_slice %arg4[%add3A_26, %dma_wait3A_33] : memref<32768x128xi32, #tpu.memory_space<hbm>> -> memref<128x128xi32, #tpu.memory_space<hbm>>
      tpu.wait_dma2 semaphore(%run_scoped3A : memref<!tpu.dma_semaphore, #tpu.memory_space<semaphore_mem>>) src(%arg7 : memref<128x128xi32, #tpu.memory_space<vmem>>) dst(%dma_wait3A_34 : memref<128x128xi32, #tpu.memory_space<hbm>>)
      tpu.yield
    }) : () -> ()
    return
  }
}

module attributes {stable_mosaic.version = 14 : i64} {
  func.func @_pack_body(%arg0: i32, %arg1: memref<1000x256xf32, #tpu.memory_space<vmem>>, %arg2: memref<1000x128xi32, #tpu.memory_space<vmem>>) attributes {dimension_semantics = [#tpu.dimension_semantics<arbitrary>], iteration_bounds = array<i64: 10>, scalar_prefetch = 0 : i64, scratch_operands = 0 : i64, tpu.core_type = #tpu.core_type<tc>, window_params = [{transform_indices = @transform_0, window_bounds = array<i64: 1000, 256>}, {transform_indices = @transform_1, window_bounds = array<i64: 1000, 128>}]} {
    %get3A = arith.constant 0 : index
    %get3A_0 = arith.constant 0 : index
    %get3A_1 = vector.load %arg1[%get3A, %get3A_0] : memref<1000x256xf32, #tpu.memory_space<vmem>>, vector<1000x256xf32>
    %bitcast_convert_type3A = tpu.bitcast %get3A_1 : vector<1000x256xf32> -> vector<1000x256xi32>
    %slice3A = vector.extract_strided_slice %bitcast_convert_type3A {offsets = [0, 0], sizes = [1000, 128], strides = [1, 1]} : vector<1000x256xi32> to vector<1000x128xi32>
    %slice3A_2 = vector.extract_strided_slice %bitcast_convert_type3A {offsets = [0, 128], sizes = [1000, 128], strides = [1, 1]} : vector<1000x256xi32> to vector<1000x128xi32>
    %add3A = arith.constant 32767 : i32
    %add3A_3 = vector.broadcast %add3A : i32 to vector<1000x128xi32>
    %add3A_4 = arith.addi %slice3A, %add3A_3 : vector<1000x128xi32>
    %shift_right_arithmetic3A = arith.constant 16 : i32
    %shift_right_arithmetic3A_5 = vector.broadcast %shift_right_arithmetic3A : i32 to vector<1000x128xi32>
    %shift_right_arithmetic3A_6 = arith.shrsi %slice3A, %shift_right_arithmetic3A_5 : vector<1000x128xi32>
    %and3A = arith.constant 1 : i32
    %and3A_7 = vector.broadcast %and3A : i32 to vector<1000x128xi32>
    %and3A_8 = arith.andi %shift_right_arithmetic3A_6, %and3A_7 : vector<1000x128xi32>
    %add3A_9 = arith.addi %add3A_4, %and3A_8 : vector<1000x128xi32>
    %and3A_10 = arith.constant -65536 : i32
    %and3A_11 = vector.broadcast %and3A_10 : i32 to vector<1000x128xi32>
    %and3A_12 = arith.andi %add3A_9, %and3A_11 : vector<1000x128xi32>
    %shift_right_logical3A = arith.constant 16 : i32
    %shift_right_logical3A_13 = vector.broadcast %shift_right_logical3A : i32 to vector<1000x128xi32>
    %shift_right_logical3A_14 = arith.shrui %and3A_12, %shift_right_logical3A_13 : vector<1000x128xi32>
    %add3A_15 = arith.constant 32767 : i32
    %add3A_16 = vector.broadcast %add3A_15 : i32 to vector<1000x128xi32>
    %add3A_17 = arith.addi %slice3A_2, %add3A_16 : vector<1000x128xi32>
    %shift_right_arithmetic3A_18 = arith.constant 16 : i32
    %shift_right_arithmetic3A_19 = vector.broadcast %shift_right_arithmetic3A_18 : i32 to vector<1000x128xi32>
    %shift_right_arithmetic3A_20 = arith.shrsi %slice3A_2, %shift_right_arithmetic3A_19 : vector<1000x128xi32>
    %and3A_21 = arith.constant 1 : i32
    %and3A_22 = vector.broadcast %and3A_21 : i32 to vector<1000x128xi32>
    %and3A_23 = arith.andi %shift_right_arithmetic3A_20, %and3A_22 : vector<1000x128xi32>
    %add3A_24 = arith.addi %add3A_17, %and3A_23 : vector<1000x128xi32>
    %and3A_25 = arith.constant -65536 : i32
    %and3A_26 = vector.broadcast %and3A_25 : i32 to vector<1000x128xi32>
    %and3A_27 = arith.andi %add3A_24, %and3A_26 : vector<1000x128xi32>
    %or3A = arith.ori %shift_right_logical3A_14, %and3A_27 : vector<1000x128xi32>
    %swap3A = arith.constant 0 : index
    %swap3A_28 = arith.constant 0 : index
    %swap3A_29 = vector.load %arg2[%swap3A, %swap3A_28] : memref<1000x128xi32, #tpu.memory_space<vmem>>, vector<1000x128xi32>
    tpu.vector_store %arg2[%swap3A, %swap3A_28], %or3A {strides = array<i32>} : memref<1000x128xi32, #tpu.memory_space<vmem>>, vector<1000x128xi32>,
    return
  }
  func.func @transform_0(%arg0: i32) -> (i32, i32) {
    %c0_i32 = arith.constant 0 : i32
    %c0_i32_0 = arith.constant 0 : i32
    return %arg0, %c0_i32 : i32, i32
  }
  func.func @transform_1(%arg0: i32) -> (i32, i32) {
    %c0_i32 = arith.constant 0 : i32
    %c0_i32_0 = arith.constant 0 : i32
    return %arg0, %c0_i32 : i32, i32
  }
}

module attributes {stable_mosaic.version = 14 : i64} {
  func.func @_attn_body(%arg0: i32, %arg1: memref<400x256xf32, #tpu.memory_space<vmem>>, %arg2: memref<6400x128xi32, #tpu.memory_space<vmem>>, %arg3: memref<256x256xf32, #tpu.memory_space<vmem>>, %arg4: memref<1x256xf32, #tpu.memory_space<vmem>>, %arg5: memref<256x256xbf16, #tpu.memory_space<vmem>>, %arg6: memref<256x8xf32, #tpu.memory_space<vmem>>, %arg7: memref<256x256xbf16, #tpu.memory_space<vmem>>, %arg8: memref<1x256xf32, #tpu.memory_space<vmem>>, %arg9: memref<400x256xf32, #tpu.memory_space<vmem>>, %arg10: memref<400x1xf32, #tpu.memory_space<vmem>>) attributes {dimension_semantics = [#tpu.dimension_semantics<arbitrary>], iteration_bounds = array<i64: 5>, scalar_prefetch = 0 : i64, scratch_operands = 0 : i64, tpu.core_type = #tpu.core_type<tc>, window_params = [{transform_indices = @transform_0, window_bounds = array<i64: 400, 256>}, {transform_indices = @transform_1, window_bounds = array<i64: 6400, 128>}, {pipeline_mode = #tpu.pipeline_mode<synchronous>, transform_indices = @transform_2, window_bounds = array<i64: 256, 256>}, {pipeline_mode = #tpu.pipeline_mode<synchronous>, transform_indices = @transform_3, window_bounds = array<i64: 1, 256>}, {pipeline_mode = #tpu.pipeline_mode<synchronous>, transform_indices = @transform_4, window_bounds = array<i64: 256, 256>}, {pipeline_mode = #tpu.pipeline_mode<synchronous>, transform_indices = @transform_5, window_bounds = array<i64: 256, 8>}, {pipeline_mode = #tpu.pipeline_mode<synchronous>, transform_indices = @transform_6, window_bounds = array<i64: 256, 256>}, {pipeline_mode = #tpu.pipeline_mode<synchronous>, transform_indices = @transform_7, window_bounds = array<i64: 1, 256>}, {transform_indices = @transform_8, window_bounds = array<i64: 400, 256>}, {transform_indices = @transform_9, window_bounds = array<i64: 400, 1>}]} {
    %get3A = arith.constant 0 : index
    %get3A_0 = arith.constant 0 : index
    %get3A_1 = vector.load %arg1[%get3A, %get3A_0] : memref<400x256xf32, #tpu.memory_space<vmem>>, vector<400x256xf32>
    %get3A_2 = arith.constant 0 : index
    %get3A_3 = arith.constant 0 : index
    %get3A_4 = vector.load %arg2[%get3A_2, %get3A_3] : memref<6400x128xi32, #tpu.memory_space<vmem>>, vector<6400x128xi32>
    %shift_left3A = arith.constant 16 : i32
    %shift_left3A_5 = vector.broadcast %shift_left3A : i32 to vector<6400x128xi32>
    %shift_left3A_6 = arith.shli %get3A_4, %shift_left3A_5 : vector<6400x128xi32>
    %bitcast_convert_type3A = tpu.bitcast %shift_left3A_6 : vector<6400x128xi32> -> vector<6400x128xf32>
    %convert_element_type3A = arith.truncf %bitcast_convert_type3A : vector<6400x128xf32> to vector<6400x128xbf16>
    %and3A = arith.constant -65536 : i32
    %and3A_7 = vector.broadcast %and3A : i32 to vector<6400x128xi32>
    %and3A_8 = arith.andi %get3A_4, %and3A_7 : vector<6400x128xi32>
    %bitcast_convert_type3A_9 = tpu.bitcast %and3A_8 : vector<6400x128xi32> -> vector<6400x128xf32>
    %convert_element_type3A_10 = arith.truncf %bitcast_convert_type3A_9 : vector<6400x128xf32> to vector<6400x128xbf16>
    %concatenate3A = tpu.concatenate %convert_element_type3A, %convert_element_type3A_10 in 1 : vector<6400x128xbf16>, vector<6400x128xbf16> -> vector<6400x256xbf16>
    %get3A_11 = arith.constant 0 : index
    %get3A_12 = arith.constant 0 : index
    %get3A_13 = vector.load %arg3[%get3A_11, %get3A_12] : memref<256x256xf32, #tpu.memory_space<vmem>>, vector<256x256xf32>
    %dot_general3A = arith.constant dense<0.000000e+00> : vector<400x256xf32>
    %dot_general3A_14 = tpu.matmul %get3A_1, %get3A_13, %dot_general3A {dimension_numbers = #tpu.dot_dimension_numbers<[1], [1], [0], [0], [0, 0, 1, 0], [], []>, transpose_lhs_hint = false} : vector<400x256xf32>, vector<256x256xf32>, vector<400x256xf32> -> vector<400x256xf32>
    %get3A_15 = arith.constant 0 : index
    %get3A_16 = arith.constant 0 : index
    %get3A_17 = vector.load %arg4[%get3A_15, %get3A_16] : memref<1x256xf32, #tpu.memory_space<vmem>>, vector<1x256xf32>
    %add3A = vector.broadcast %get3A_17 : vector<1x256xf32> to vector<400x256xf32>
    %add3A_18 = arith.addf %dot_general3A_14, %add3A : vector<400x256xf32>
    %get3A_19 = arith.constant 0 : index
    %get3A_20 = arith.constant 0 : index
    %get3A_21 = vector.load %arg5[%get3A_19, %get3A_20] : memref<256x256xbf16, #tpu.memory_space<vmem>>, vector<256x256xbf16>
    %dot_general3A_22 = arith.constant dense<0.000000e+00> : vector<6400x256xf32>
    %dot_general3A_23 = tpu.matmul %concatenate3A, %get3A_21, %dot_general3A_22 {dimension_numbers = #tpu.dot_dimension_numbers<[1], [1], [0], [0], [0, 0, 1, 0], [], []>, transpose_lhs_hint = false} : vector<6400x256xbf16>, vector<256x256xbf16>, vector<6400x256xf32> -> vector<6400x256xf32>
    %get3A_24 = arith.constant 0 : index
    %get3A_25 = arith.constant 0 : index
    %get3A_26 = vector.load %arg7[%get3A_24, %get3A_25] : memref<256x256xbf16, #tpu.memory_space<vmem>>, vector<256x256xbf16>
    %dot_general3A_27 = arith.constant dense<0.000000e+00> : vector<6400x256xf32>
    %dot_general3A_28 = tpu.matmul %concatenate3A, %get3A_26, %dot_general3A_27 {dimension_numbers = #tpu.dot_dimension_numbers<[1], [1], [0], [0], [0, 0, 1, 0], [], []>, transpose_lhs_hint = false} : vector<6400x256xbf16>, vector<256x256xbf16>, vector<6400x256xf32> -> vector<6400x256xf32>
    %iota3A = tpu.iota {dimensions = array<i32: 0>} : vector<256x8xi32>
    %jit3A = arith.constant 32 : i32
    %div3A = vector.broadcast %jit3A : i32 to vector<256x8xi32>
    %div3A_29 = arith.divsi %iota3A, %div3A : vector<256x8xi32>
    %sign3A = arith.constant 0 : i32
    %sign3A_30 = vector.broadcast %sign3A : i32 to vector<256x8xi32>
    %sign3A_31 = arith.cmpi sgt, %iota3A, %sign3A_30 : vector<256x8xi32>
    %sign3A_32 = arith.extui %sign3A_31 : vector<256x8xi1> to vector<256x8xi32>
    %sign3A_33 = arith.constant 0 : i32
    %sign3A_34 = vector.broadcast %sign3A_33 : i32 to vector<256x8xi32>
    %sign3A_35 = arith.cmpi slt, %iota3A, %sign3A_34 : vector<256x8xi32>
    %sign3A_36 = arith.extui %sign3A_35 : vector<256x8xi1> to vector<256x8xi32>
    %sign3A_37 = arith.subi %sign3A_32, %sign3A_36 : vector<256x8xi32>
    %sign3A_38 = arith.constant 0 : i32
    %sign3A_39 = arith.cmpi sgt, %jit3A, %sign3A_38 : i32
    %sign3A_40 = arith.extui %sign3A_39 : i1 to i32
    %sign3A_41 = arith.constant 0 : i32
    %sign3A_42 = arith.cmpi slt, %jit3A, %sign3A_41 : i32
    %sign3A_43 = arith.extui %sign3A_42 : i1 to i32
    %sign3A_44 = arith.subi %sign3A_40, %sign3A_43 : i32
    %ne3A = vector.broadcast %sign3A_44 : i32 to vector<256x8xi32>
    %ne3A_45 = arith.cmpi ne, %sign3A_37, %ne3A : vector<256x8xi32>
    %rem3A = vector.broadcast %jit3A : i32 to vector<256x8xi32>
    %rem3A_46 = arith.remsi %iota3A, %rem3A : vector<256x8xi32>
    %ne3A_47 = arith.constant 0 : i32
    %ne3A_48 = vector.broadcast %ne3A_47 : i32 to vector<256x8xi32>
    %ne3A_49 = arith.cmpi ne, %rem3A_46, %ne3A_48 : vector<256x8xi32>
    %and3A_50 = arith.andi %ne3A_45, %ne3A_49 : vector<256x8xi1>
    %sub3A = arith.constant 1 : i32
    %sub3A_51 = vector.broadcast %sub3A : i32 to vector<256x8xi32>
    %sub3A_52 = arith.subi %div3A_29, %sub3A_51 : vector<256x8xi32>
    %select_n3A = arith.select %and3A_50, %sub3A_52, %div3A_29 : vector<256x8xi1>, vector<256x8xi32>
    %iota3A_53 = tpu.iota {dimensions = array<i32: 1>} : vector<256x8xi32>
    %eq3A = arith.cmpi eq, %select_n3A, %iota3A_53 : vector<256x8xi32>
    %convert_element_type3A_54 = arith.extui %eq3A : vector<256x8xi1> to vector<256x8xi32>
    %convert_element_type3A_55 = arith.sitofp %convert_element_type3A_54 : vector<256x8xi32> to vector<256x8xf32>
    %broadcast_in_dim3A = vector.shape_cast %add3A_18 : vector<400x256xf32> to vector<400x1x256xf32>
    %broadcast_in_dim3A_56 = vector.shape_cast %broadcast_in_dim3A : vector<400x1x256xf32> to vector<400x1x256xf32>
    %broadcast_in_dim3A_57 = vector.broadcast %broadcast_in_dim3A_56 : vector<400x1x256xf32> to vector<400x16x256xf32>
    %reshape3A = vector.shape_cast %broadcast_in_dim3A_57 : vector<400x16x256xf32> to vector<6400x256xf32>
    %mul3A = arith.mulf %reshape3A, %dot_general3A_23 : vector<6400x256xf32>
    %dot_general3A_58 = arith.constant dense<0.000000e+00> : vector<6400x8xf32>
    %dot_general3A_59 = tpu.matmul %mul3A, %convert_element_type3A_55, %dot_general3A_58 {dimension_numbers = #tpu.dot_dimension_numbers<[1], [0], [0], [1], [0, 0, 1, 1], [], []>, transpose_lhs_hint = false} : vector<6400x256xf32>, vector<256x8xf32>, vector<6400x8xf32> -> vector<6400x8xf32>
    %get3A_60 = arith.constant 0 : index
    %get3A_61 = arith.constant 0 : index
    %get3A_62 = vector.load %arg6[%get3A_60, %get3A_61] : memref<256x8xf32, #tpu.memory_space<vmem>>, vector<256x8xf32>
    %dot_general3A_63 = arith.constant dense<0.000000e+00> : vector<6400x8xf32>
    %dot_general3A_64 = tpu.matmul %reshape3A, %get3A_62, %dot_general3A_63 {dimension_numbers = #tpu.dot_dimension_numbers<[1], [0], [0], [1], [0, 0, 1, 1], [], []>, transpose_lhs_hint = false} : vector<6400x256xf32>, vector<256x8xf32>, vector<6400x8xf32> -> vector<6400x8xf32>
    %add3A_65 = arith.addf %dot_general3A_59, %dot_general3A_64 : vector<6400x8xf32>
    %reshape3A_66 = vector.shape_cast %add3A_65 : vector<6400x8xf32> to vector<400x16x8xf32>
    %exp3A = math.exp %reshape3A_66 : vector<400x16x8xf32>
    %reduce_sum3A = arith.constant dense<0.000000e+00> : vector<400x8xf32>
    %reduce_sum3A_67 = vector.multi_reduction <add>, %exp3A, %reduce_sum3A [1] : vector<400x16x8xf32> to vector<400x8xf32>
    %broadcast_in_dim3A_68 = vector.shape_cast %reduce_sum3A_67 : vector<400x8xf32> to vector<400x1x8xf32>
    %div3A_69 = arith.constant 6.250000e-02 : f32
    %div3A_70 = vector.broadcast %div3A_69 : f32 to vector<400x1x8xf32>
    %div3A_71 = arith.divf %div3A_70, %broadcast_in_dim3A_68 : vector<400x1x8xf32>
    %mul3A_72 = vector.broadcast %div3A_71 : vector<400x1x8xf32> to vector<400x16x8xf32>
    %mul3A_73 = arith.mulf %exp3A, %mul3A_72 : vector<400x16x8xf32>
    %reduce_sum3A_74 = arith.constant dense<0.000000e+00> : vector<400xf32>
    %reduce_sum3A_75 = vector.multi_reduction <add>, %mul3A_73, %reduce_sum3A_74 [1, 2] : vector<400x16x8xf32> to vector<400xf32>
    %reshape3A_76 = vector.shape_cast %reduce_sum3A_75 : vector<400xf32> to vector<400x1xf32>
    %swap3A = arith.constant 0 : index
    %swap3A_77 = arith.constant 0 : index
    %swap3A_78 = vector.load %arg10[%swap3A, %swap3A_77] : memref<400x1xf32, #tpu.memory_space<vmem>>, vector<400x1xf32>
    tpu.vector_store %arg10[%swap3A, %swap3A_77], %reshape3A_76 {strides = array<i32>} : memref<400x1xf32, #tpu.memory_space<vmem>>, vector<400x1xf32>,
    %reshape3A_79 = vector.shape_cast %mul3A_73 : vector<400x16x8xf32> to vector<6400x8xf32>
    %transpose3A = tpu.transpose %convert_element_type3A_55, [1, 0] : vector<256x8xf32> -> vector<8x256xf32>
    %dot_general3A_80 = arith.constant dense<0.000000e+00> : vector<6400x256xf32>
    %dot_general3A_81 = tpu.matmul %reshape3A_79, %transpose3A, %dot_general3A_80 {dimension_numbers = #tpu.dot_dimension_numbers<[1], [0], [0], [1], [0, 0, 1, 1], [], []>, transpose_lhs_hint = false} : vector<6400x8xf32>, vector<8x256xf32>, vector<6400x256xf32> -> vector<6400x256xf32>
    %mul3A_82 = arith.mulf %dot_general3A_81, %dot_general3A_28 : vector<6400x256xf32>
    %reshape3A_83 = vector.shape_cast %mul3A_82 : vector<6400x256xf32> to vector<400x16x256xf32>
    %reduce_sum3A_84 = arith.constant dense<0.000000e+00> : vector<400x256xf32>
    %reduce_sum3A_85 = vector.multi_reduction <add>, %reshape3A_83, %reduce_sum3A_84 [1] : vector<400x16x256xf32> to vector<400x256xf32>
    %get3A_86 = arith.constant 0 : index
    %get3A_87 = arith.constant 0 : index
    %get3A_88 = vector.load %arg8[%get3A_86, %get3A_87] : memref<1x256xf32, #tpu.memory_space<vmem>>, vector<1x256xf32>
    %mul3A_89 = arith.constant 6.250000e-02 : f32
    %mul3A_90 = vector.broadcast %mul3A_89 : f32 to vector<1x256xf32>
    %mul3A_91 = arith.mulf %get3A_88, %mul3A_90 : vector<1x256xf32>
    %add3A_92 = vector.broadcast %mul3A_91 : vector<1x256xf32> to vector<400x256xf32>
    %add3A_93 = arith.addf %reduce_sum3A_85, %add3A_92 : vector<400x256xf32>
    %swap3A_94 = arith.constant 0 : index
    %swap3A_95 = arith.constant 0 : index
    %swap3A_96 = vector.load %arg9[%swap3A_94, %swap3A_95] : memref<400x256xf32, #tpu.memory_space<vmem>>, vector<400x256xf32>
    tpu.vector_store %arg9[%swap3A_94, %swap3A_95], %add3A_93 {strides = array<i32>} : memref<400x256xf32, #tpu.memory_space<vmem>>, vector<400x256xf32>,
    return
  }
  func.func @transform_0(%arg0: i32) -> (i32, i32) {
    %add3A = arith.constant 20 : i32
    %add3A_0 = arith.addi %arg0, %add3A : i32
    %c0_i32 = arith.constant 0 : i32
    %c0_i32_1 = arith.constant 0 : i32
    return %add3A_0, %c0_i32 : i32, i32
  }
  func.func @transform_1(%arg0: i32) -> (i32, i32) {
    %c0_i32 = arith.constant 0 : i32
    %c0_i32_0 = arith.constant 0 : i32
    return %arg0, %c0_i32 : i32, i32
  }
  func.func @transform_2(%arg0: i32) -> (i32, i32) {
    %c0_i32 = arith.constant 0 : i32
    %c0_i32_0 = arith.constant 0 : i32
    %c0_i32_1 = arith.constant 0 : i32
    return %c0_i32, %c0_i32_0 : i32, i32
  }
  func.func @transform_3(%arg0: i32) -> (i32, i32) {
    %c0_i32 = arith.constant 0 : i32
    %c0_i32_0 = arith.constant 0 : i32
    %c0_i32_1 = arith.constant 0 : i32
    return %c0_i32, %c0_i32_0 : i32, i32
  }
  func.func @transform_4(%arg0: i32) -> (i32, i32) {
    %c0_i32 = arith.constant 0 : i32
    %c0_i32_0 = arith.constant 0 : i32
    %c0_i32_1 = arith.constant 0 : i32
    return %c0_i32, %c0_i32_0 : i32, i32
  }
  func.func @transform_5(%arg0: i32) -> (i32, i32) {
    %c0_i32 = arith.constant 0 : i32
    %c0_i32_0 = arith.constant 0 : i32
    %c0_i32_1 = arith.constant 0 : i32
    return %c0_i32, %c0_i32_0 : i32, i32
  }
  func.func @transform_6(%arg0: i32) -> (i32, i32) {
    %c0_i32 = arith.constant 0 : i32
    %c0_i32_0 = arith.constant 0 : i32
    %c0_i32_1 = arith.constant 0 : i32
    return %c0_i32, %c0_i32_0 : i32, i32
  }
  func.func @transform_7(%arg0: i32) -> (i32, i32) {
    %c0_i32 = arith.constant 0 : i32
    %c0_i32_0 = arith.constant 0 : i32
    %c0_i32_1 = arith.constant 0 : i32
    return %c0_i32, %c0_i32_0 : i32, i32
  }
  func.func @transform_8(%arg0: i32) -> (i32, i32) {
    %c0_i32 = arith.constant 0 : i32
    %c0_i32_0 = arith.constant 0 : i32
    return %arg0, %c0_i32 : i32, i32
  }
  func.func @transform_9(%arg0: i32) -> (i32, i32) {
    %c0_i32 = arith.constant 0 : i32
    %c0_i32_0 = arith.constant 0 : i32
    return %arg0, %c0_i32 : i32, i32
  }
}

module attributes {stable_mosaic.version = 14 : i64} {
  func.func @_attn_body(%arg0: i32, %arg1: memref<400x256xf32, #tpu.memory_space<vmem>>, %arg2: memref<6400x128xi32, #tpu.memory_space<vmem>>, %arg3: memref<256x256xf32, #tpu.memory_space<vmem>>, %arg4: memref<1x256xf32, #tpu.memory_space<vmem>>, %arg5: memref<256x256xbf16, #tpu.memory_space<vmem>>, %arg6: memref<256x8xf32, #tpu.memory_space<vmem>>, %arg7: memref<256x256xbf16, #tpu.memory_space<vmem>>, %arg8: memref<1x256xf32, #tpu.memory_space<vmem>>, %arg9: memref<400x256xf32, #tpu.memory_space<vmem>>, %arg10: memref<400x1xf32, #tpu.memory_space<vmem>>) attributes {dimension_semantics = [#tpu.dimension_semantics<arbitrary>], iteration_bounds = array<i64: 5>, scalar_prefetch = 0 : i64, scratch_operands = 0 : i64, tpu.core_type = #tpu.core_type<tc>, window_params = [{transform_indices = @transform_0, window_bounds = array<i64: 400, 256>}, {transform_indices = @transform_1, window_bounds = array<i64: 6400, 128>}, {pipeline_mode = #tpu.pipeline_mode<synchronous>, transform_indices = @transform_2, window_bounds = array<i64: 256, 256>}, {pipeline_mode = #tpu.pipeline_mode<synchronous>, transform_indices = @transform_3, window_bounds = array<i64: 1, 256>}, {pipeline_mode = #tpu.pipeline_mode<synchronous>, transform_indices = @transform_4, window_bounds = array<i64: 256, 256>}, {pipeline_mode = #tpu.pipeline_mode<synchronous>, transform_indices = @transform_5, window_bounds = array<i64: 256, 8>}, {pipeline_mode = #tpu.pipeline_mode<synchronous>, transform_indices = @transform_6, window_bounds = array<i64: 256, 256>}, {pipeline_mode = #tpu.pipeline_mode<synchronous>, transform_indices = @transform_7, window_bounds = array<i64: 1, 256>}, {transform_indices = @transform_8, window_bounds = array<i64: 400, 256>}, {transform_indices = @transform_9, window_bounds = array<i64: 400, 1>}]} {
    %get3A = arith.constant 0 : index
    %get3A_0 = arith.constant 0 : index
    %get3A_1 = vector.load %arg1[%get3A, %get3A_0] : memref<400x256xf32, #tpu.memory_space<vmem>>, vector<400x256xf32>
    %get3A_2 = arith.constant 0 : index
    %get3A_3 = arith.constant 0 : index
    %get3A_4 = vector.load %arg2[%get3A_2, %get3A_3] : memref<6400x128xi32, #tpu.memory_space<vmem>>, vector<6400x128xi32>
    %shift_left3A = arith.constant 16 : i32
    %shift_left3A_5 = vector.broadcast %shift_left3A : i32 to vector<6400x128xi32>
    %shift_left3A_6 = arith.shli %get3A_4, %shift_left3A_5 : vector<6400x128xi32>
    %bitcast_convert_type3A = tpu.bitcast %shift_left3A_6 : vector<6400x128xi32> -> vector<6400x128xf32>
    %convert_element_type3A = arith.truncf %bitcast_convert_type3A : vector<6400x128xf32> to vector<6400x128xbf16>
    %and3A = arith.constant -65536 : i32
    %and3A_7 = vector.broadcast %and3A : i32 to vector<6400x128xi32>
    %and3A_8 = arith.andi %get3A_4, %and3A_7 : vector<6400x128xi32>
    %bitcast_convert_type3A_9 = tpu.bitcast %and3A_8 : vector<6400x128xi32> -> vector<6400x128xf32>
    %convert_element_type3A_10 = arith.truncf %bitcast_convert_type3A_9 : vector<6400x128xf32> to vector<6400x128xbf16>
    %concatenate3A = tpu.concatenate %convert_element_type3A, %convert_element_type3A_10 in 1 : vector<6400x128xbf16>, vector<6400x128xbf16> -> vector<6400x256xbf16>
    %get3A_11 = arith.constant 0 : index
    %get3A_12 = arith.constant 0 : index
    %get3A_13 = vector.load %arg3[%get3A_11, %get3A_12] : memref<256x256xf32, #tpu.memory_space<vmem>>, vector<256x256xf32>
    %dot_general3A = arith.constant dense<0.000000e+00> : vector<400x256xf32>
    %dot_general3A_14 = tpu.matmul %get3A_1, %get3A_13, %dot_general3A {dimension_numbers = #tpu.dot_dimension_numbers<[1], [1], [0], [0], [0, 0, 1, 0], [], []>, transpose_lhs_hint = false} : vector<400x256xf32>, vector<256x256xf32>, vector<400x256xf32> -> vector<400x256xf32>
    %get3A_15 = arith.constant 0 : index
    %get3A_16 = arith.constant 0 : index
    %get3A_17 = vector.load %arg4[%get3A_15, %get3A_16] : memref<1x256xf32, #tpu.memory_space<vmem>>, vector<1x256xf32>
    %add3A = vector.broadcast %get3A_17 : vector<1x256xf32> to vector<400x256xf32>
    %add3A_18 = arith.addf %dot_general3A_14, %add3A : vector<400x256xf32>
    %get3A_19 = arith.constant 0 : index
    %get3A_20 = arith.constant 0 : index
    %get3A_21 = vector.load %arg5[%get3A_19, %get3A_20] : memref<256x256xbf16, #tpu.memory_space<vmem>>, vector<256x256xbf16>
    %dot_general3A_22 = arith.constant dense<0.000000e+00> : vector<6400x256xf32>
    %dot_general3A_23 = tpu.matmul %concatenate3A, %get3A_21, %dot_general3A_22 {dimension_numbers = #tpu.dot_dimension_numbers<[1], [1], [0], [0], [0, 0, 1, 0], [], []>, transpose_lhs_hint = false} : vector<6400x256xbf16>, vector<256x256xbf16>, vector<6400x256xf32> -> vector<6400x256xf32>
    %get3A_24 = arith.constant 0 : index
    %get3A_25 = arith.constant 0 : index
    %get3A_26 = vector.load %arg7[%get3A_24, %get3A_25] : memref<256x256xbf16, #tpu.memory_space<vmem>>, vector<256x256xbf16>
    %dot_general3A_27 = arith.constant dense<0.000000e+00> : vector<6400x256xf32>
    %dot_general3A_28 = tpu.matmul %concatenate3A, %get3A_26, %dot_general3A_27 {dimension_numbers = #tpu.dot_dimension_numbers<[1], [1], [0], [0], [0, 0, 1, 0], [], []>, transpose_lhs_hint = false} : vector<6400x256xbf16>, vector<256x256xbf16>, vector<6400x256xf32> -> vector<6400x256xf32>
    %iota3A = tpu.iota {dimensions = array<i32: 0>} : vector<256x8xi32>
    %jit3A = arith.constant 32 : i32
    %div3A = vector.broadcast %jit3A : i32 to vector<256x8xi32>
    %div3A_29 = arith.divsi %iota3A, %div3A : vector<256x8xi32>
    %sign3A = arith.constant 0 : i32
    %sign3A_30 = vector.broadcast %sign3A : i32 to vector<256x8xi32>
    %sign3A_31 = arith.cmpi sgt, %iota3A, %sign3A_30 : vector<256x8xi32>
    %sign3A_32 = arith.extui %sign3A_31 : vector<256x8xi1> to vector<256x8xi32>
    %sign3A_33 = arith.constant 0 : i32
    %sign3A_34 = vector.broadcast %sign3A_33 : i32 to vector<256x8xi32>
    %sign3A_35 = arith.cmpi slt, %iota3A, %sign3A_34 : vector<256x8xi32>
    %sign3A_36 = arith.extui %sign3A_35 : vector<256x8xi1> to vector<256x8xi32>
    %sign3A_37 = arith.subi %sign3A_32, %sign3A_36 : vector<256x8xi32>
    %sign3A_38 = arith.constant 0 : i32
    %sign3A_39 = arith.cmpi sgt, %jit3A, %sign3A_38 : i32
    %sign3A_40 = arith.extui %sign3A_39 : i1 to i32
    %sign3A_41 = arith.constant 0 : i32
    %sign3A_42 = arith.cmpi slt, %jit3A, %sign3A_41 : i32
    %sign3A_43 = arith.extui %sign3A_42 : i1 to i32
    %sign3A_44 = arith.subi %sign3A_40, %sign3A_43 : i32
    %ne3A = vector.broadcast %sign3A_44 : i32 to vector<256x8xi32>
    %ne3A_45 = arith.cmpi ne, %sign3A_37, %ne3A : vector<256x8xi32>
    %rem3A = vector.broadcast %jit3A : i32 to vector<256x8xi32>
    %rem3A_46 = arith.remsi %iota3A, %rem3A : vector<256x8xi32>
    %ne3A_47 = arith.constant 0 : i32
    %ne3A_48 = vector.broadcast %ne3A_47 : i32 to vector<256x8xi32>
    %ne3A_49 = arith.cmpi ne, %rem3A_46, %ne3A_48 : vector<256x8xi32>
    %and3A_50 = arith.andi %ne3A_45, %ne3A_49 : vector<256x8xi1>
    %sub3A = arith.constant 1 : i32
    %sub3A_51 = vector.broadcast %sub3A : i32 to vector<256x8xi32>
    %sub3A_52 = arith.subi %div3A_29, %sub3A_51 : vector<256x8xi32>
    %select_n3A = arith.select %and3A_50, %sub3A_52, %div3A_29 : vector<256x8xi1>, vector<256x8xi32>
    %iota3A_53 = tpu.iota {dimensions = array<i32: 1>} : vector<256x8xi32>
    %eq3A = arith.cmpi eq, %select_n3A, %iota3A_53 : vector<256x8xi32>
    %convert_element_type3A_54 = arith.extui %eq3A : vector<256x8xi1> to vector<256x8xi32>
    %convert_element_type3A_55 = arith.sitofp %convert_element_type3A_54 : vector<256x8xi32> to vector<256x8xf32>
    %broadcast_in_dim3A = vector.shape_cast %add3A_18 : vector<400x256xf32> to vector<400x1x256xf32>
    %broadcast_in_dim3A_56 = vector.shape_cast %broadcast_in_dim3A : vector<400x1x256xf32> to vector<400x1x256xf32>
    %broadcast_in_dim3A_57 = vector.broadcast %broadcast_in_dim3A_56 : vector<400x1x256xf32> to vector<400x16x256xf32>
    %reshape3A = vector.shape_cast %broadcast_in_dim3A_57 : vector<400x16x256xf32> to vector<6400x256xf32>
    %mul3A = arith.mulf %reshape3A, %dot_general3A_23 : vector<6400x256xf32>
    %dot_general3A_58 = arith.constant dense<0.000000e+00> : vector<6400x8xf32>
    %dot_general3A_59 = tpu.matmul %mul3A, %convert_element_type3A_55, %dot_general3A_58 {dimension_numbers = #tpu.dot_dimension_numbers<[1], [0], [0], [1], [0, 0, 1, 1], [], []>, transpose_lhs_hint = false} : vector<6400x256xf32>, vector<256x8xf32>, vector<6400x8xf32> -> vector<6400x8xf32>
    %get3A_60 = arith.constant 0 : index
    %get3A_61 = arith.constant 0 : index
    %get3A_62 = vector.load %arg6[%get3A_60, %get3A_61] : memref<256x8xf32, #tpu.memory_space<vmem>>, vector<256x8xf32>
    %dot_general3A_63 = arith.constant dense<0.000000e+00> : vector<6400x8xf32>
    %dot_general3A_64 = tpu.matmul %reshape3A, %get3A_62, %dot_general3A_63 {dimension_numbers = #tpu.dot_dimension_numbers<[1], [0], [0], [1], [0, 0, 1, 1], [], []>, transpose_lhs_hint = false} : vector<6400x256xf32>, vector<256x8xf32>, vector<6400x8xf32> -> vector<6400x8xf32>
    %add3A_65 = arith.addf %dot_general3A_59, %dot_general3A_64 : vector<6400x8xf32>
    %reshape3A_66 = vector.shape_cast %add3A_65 : vector<6400x8xf32> to vector<400x16x8xf32>
    %exp3A = math.exp %reshape3A_66 : vector<400x16x8xf32>
    %reduce_sum3A = arith.constant dense<0.000000e+00> : vector<400x8xf32>
    %reduce_sum3A_67 = vector.multi_reduction <add>, %exp3A, %reduce_sum3A [1] : vector<400x16x8xf32> to vector<400x8xf32>
    %broadcast_in_dim3A_68 = vector.shape_cast %reduce_sum3A_67 : vector<400x8xf32> to vector<400x1x8xf32>
    %div3A_69 = arith.constant 6.250000e-02 : f32
    %div3A_70 = vector.broadcast %div3A_69 : f32 to vector<400x1x8xf32>
    %div3A_71 = arith.divf %div3A_70, %broadcast_in_dim3A_68 : vector<400x1x8xf32>
    %mul3A_72 = vector.broadcast %div3A_71 : vector<400x1x8xf32> to vector<400x16x8xf32>
    %mul3A_73 = arith.mulf %exp3A, %mul3A_72 : vector<400x16x8xf32>
    %reduce_sum3A_74 = arith.constant dense<0.000000e+00> : vector<400xf32>
    %reduce_sum3A_75 = vector.multi_reduction <add>, %mul3A_73, %reduce_sum3A_74 [1, 2] : vector<400x16x8xf32> to vector<400xf32>
    %reshape3A_76 = vector.shape_cast %reduce_sum3A_75 : vector<400xf32> to vector<400x1xf32>
    %swap3A = arith.constant 0 : index
    %swap3A_77 = arith.constant 0 : index
    %swap3A_78 = vector.load %arg10[%swap3A, %swap3A_77] : memref<400x1xf32, #tpu.memory_space<vmem>>, vector<400x1xf32>
    tpu.vector_store %arg10[%swap3A, %swap3A_77], %reshape3A_76 {strides = array<i32>} : memref<400x1xf32, #tpu.memory_space<vmem>>, vector<400x1xf32>,
    %reshape3A_79 = vector.shape_cast %mul3A_73 : vector<400x16x8xf32> to vector<6400x8xf32>
    %transpose3A = tpu.transpose %convert_element_type3A_55, [1, 0] : vector<256x8xf32> -> vector<8x256xf32>
    %dot_general3A_80 = arith.constant dense<0.000000e+00> : vector<6400x256xf32>
    %dot_general3A_81 = tpu.matmul %reshape3A_79, %transpose3A, %dot_general3A_80 {dimension_numbers = #tpu.dot_dimension_numbers<[1], [0], [0], [1], [0, 0, 1, 1], [], []>, transpose_lhs_hint = false} : vector<6400x8xf32>, vector<8x256xf32>, vector<6400x256xf32> -> vector<6400x256xf32>
    %mul3A_82 = arith.mulf %dot_general3A_81, %dot_general3A_28 : vector<6400x256xf32>
    %reshape3A_83 = vector.shape_cast %mul3A_82 : vector<6400x256xf32> to vector<400x16x256xf32>
    %reduce_sum3A_84 = arith.constant dense<0.000000e+00> : vector<400x256xf32>
    %reduce_sum3A_85 = vector.multi_reduction <add>, %reshape3A_83, %reduce_sum3A_84 [1] : vector<400x16x256xf32> to vector<400x256xf32>
    %get3A_86 = arith.constant 0 : index
    %get3A_87 = arith.constant 0 : index
    %get3A_88 = vector.load %arg8[%get3A_86, %get3A_87] : memref<1x256xf32, #tpu.memory_space<vmem>>, vector<1x256xf32>
    %mul3A_89 = arith.constant 6.250000e-02 : f32
    %mul3A_90 = vector.broadcast %mul3A_89 : f32 to vector<1x256xf32>
    %mul3A_91 = arith.mulf %get3A_88, %mul3A_90 : vector<1x256xf32>
    %add3A_92 = vector.broadcast %mul3A_91 : vector<1x256xf32> to vector<400x256xf32>
    %add3A_93 = arith.addf %reduce_sum3A_85, %add3A_92 : vector<400x256xf32>
    %swap3A_94 = arith.constant 0 : index
    %swap3A_95 = arith.constant 0 : index
    %swap3A_96 = vector.load %arg9[%swap3A_94, %swap3A_95] : memref<400x256xf32, #tpu.memory_space<vmem>>, vector<400x256xf32>
    tpu.vector_store %arg9[%swap3A_94, %swap3A_95], %add3A_93 {strides = array<i32>} : memref<400x256xf32, #tpu.memory_space<vmem>>, vector<400x256xf32>,
    return
  }
  func.func @transform_0(%arg0: i32) -> (i32, i32) {
    %add3A = arith.constant 15 : i32
    %add3A_0 = arith.addi %arg0, %add3A : i32
    %c0_i32 = arith.constant 0 : i32
    %c0_i32_1 = arith.constant 0 : i32
    return %add3A_0, %c0_i32 : i32, i32
  }
  func.func @transform_1(%arg0: i32) -> (i32, i32) {
    %c0_i32 = arith.constant 0 : i32
    %c0_i32_0 = arith.constant 0 : i32
    return %arg0, %c0_i32 : i32, i32
  }
  func.func @transform_2(%arg0: i32) -> (i32, i32) {
    %c0_i32 = arith.constant 0 : i32
    %c0_i32_0 = arith.constant 0 : i32
    %c0_i32_1 = arith.constant 0 : i32
    return %c0_i32, %c0_i32_0 : i32, i32
  }
  func.func @transform_3(%arg0: i32) -> (i32, i32) {
    %c0_i32 = arith.constant 0 : i32
    %c0_i32_0 = arith.constant 0 : i32
    %c0_i32_1 = arith.constant 0 : i32
    return %c0_i32, %c0_i32_0 : i32, i32
  }
  func.func @transform_4(%arg0: i32) -> (i32, i32) {
    %c0_i32 = arith.constant 0 : i32
    %c0_i32_0 = arith.constant 0 : i32
    %c0_i32_1 = arith.constant 0 : i32
    return %c0_i32, %c0_i32_0 : i32, i32
  }
  func.func @transform_5(%arg0: i32) -> (i32, i32) {
    %c0_i32 = arith.constant 0 : i32
    %c0_i32_0 = arith.constant 0 : i32
    %c0_i32_1 = arith.constant 0 : i32
    return %c0_i32, %c0_i32_0 : i32, i32
  }
  func.func @transform_6(%arg0: i32) -> (i32, i32) {
    %c0_i32 = arith.constant 0 : i32
    %c0_i32_0 = arith.constant 0 : i32
    %c0_i32_1 = arith.constant 0 : i32
    return %c0_i32, %c0_i32_0 : i32, i32
  }
  func.func @transform_7(%arg0: i32) -> (i32, i32) {
    %c0_i32 = arith.constant 0 : i32
    %c0_i32_0 = arith.constant 0 : i32
    %c0_i32_1 = arith.constant 0 : i32
    return %c0_i32, %c0_i32_0 : i32, i32
  }
  func.func @transform_8(%arg0: i32) -> (i32, i32) {
    %c0_i32 = arith.constant 0 : i32
    %c0_i32_0 = arith.constant 0 : i32
    return %arg0, %c0_i32 : i32, i32
  }
  func.func @transform_9(%arg0: i32) -> (i32, i32) {
    %c0_i32 = arith.constant 0 : i32
    %c0_i32_0 = arith.constant 0 : i32
    return %arg0, %c0_i32 : i32, i32
  }
}

module attributes {stable_mosaic.version = 14 : i64} {
  func.func @_attn_body(%arg0: i32, %arg1: memref<400x256xf32, #tpu.memory_space<vmem>>, %arg2: memref<6400x128xi32, #tpu.memory_space<vmem>>, %arg3: memref<256x256xf32, #tpu.memory_space<vmem>>, %arg4: memref<1x256xf32, #tpu.memory_space<vmem>>, %arg5: memref<256x256xbf16, #tpu.memory_space<vmem>>, %arg6: memref<256x8xf32, #tpu.memory_space<vmem>>, %arg7: memref<256x256xbf16, #tpu.memory_space<vmem>>, %arg8: memref<1x256xf32, #tpu.memory_space<vmem>>, %arg9: memref<400x256xf32, #tpu.memory_space<vmem>>, %arg10: memref<400x1xf32, #tpu.memory_space<vmem>>) attributes {dimension_semantics = [#tpu.dimension_semantics<arbitrary>], iteration_bounds = array<i64: 5>, scalar_prefetch = 0 : i64, scratch_operands = 0 : i64, tpu.core_type = #tpu.core_type<tc>, window_params = [{transform_indices = @transform_0, window_bounds = array<i64: 400, 256>}, {transform_indices = @transform_1, window_bounds = array<i64: 6400, 128>}, {pipeline_mode = #tpu.pipeline_mode<synchronous>, transform_indices = @transform_2, window_bounds = array<i64: 256, 256>}, {pipeline_mode = #tpu.pipeline_mode<synchronous>, transform_indices = @transform_3, window_bounds = array<i64: 1, 256>}, {pipeline_mode = #tpu.pipeline_mode<synchronous>, transform_indices = @transform_4, window_bounds = array<i64: 256, 256>}, {pipeline_mode = #tpu.pipeline_mode<synchronous>, transform_indices = @transform_5, window_bounds = array<i64: 256, 8>}, {pipeline_mode = #tpu.pipeline_mode<synchronous>, transform_indices = @transform_6, window_bounds = array<i64: 256, 256>}, {pipeline_mode = #tpu.pipeline_mode<synchronous>, transform_indices = @transform_7, window_bounds = array<i64: 1, 256>}, {transform_indices = @transform_8, window_bounds = array<i64: 400, 256>}, {transform_indices = @transform_9, window_bounds = array<i64: 400, 1>}]} {
    %get3A = arith.constant 0 : index
    %get3A_0 = arith.constant 0 : index
    %get3A_1 = vector.load %arg1[%get3A, %get3A_0] : memref<400x256xf32, #tpu.memory_space<vmem>>, vector<400x256xf32>
    %get3A_2 = arith.constant 0 : index
    %get3A_3 = arith.constant 0 : index
    %get3A_4 = vector.load %arg2[%get3A_2, %get3A_3] : memref<6400x128xi32, #tpu.memory_space<vmem>>, vector<6400x128xi32>
    %shift_left3A = arith.constant 16 : i32
    %shift_left3A_5 = vector.broadcast %shift_left3A : i32 to vector<6400x128xi32>
    %shift_left3A_6 = arith.shli %get3A_4, %shift_left3A_5 : vector<6400x128xi32>
    %bitcast_convert_type3A = tpu.bitcast %shift_left3A_6 : vector<6400x128xi32> -> vector<6400x128xf32>
    %convert_element_type3A = arith.truncf %bitcast_convert_type3A : vector<6400x128xf32> to vector<6400x128xbf16>
    %and3A = arith.constant -65536 : i32
    %and3A_7 = vector.broadcast %and3A : i32 to vector<6400x128xi32>
    %and3A_8 = arith.andi %get3A_4, %and3A_7 : vector<6400x128xi32>
    %bitcast_convert_type3A_9 = tpu.bitcast %and3A_8 : vector<6400x128xi32> -> vector<6400x128xf32>
    %convert_element_type3A_10 = arith.truncf %bitcast_convert_type3A_9 : vector<6400x128xf32> to vector<6400x128xbf16>
    %concatenate3A = tpu.concatenate %convert_element_type3A, %convert_element_type3A_10 in 1 : vector<6400x128xbf16>, vector<6400x128xbf16> -> vector<6400x256xbf16>
    %get3A_11 = arith.constant 0 : index
    %get3A_12 = arith.constant 0 : index
    %get3A_13 = vector.load %arg3[%get3A_11, %get3A_12] : memref<256x256xf32, #tpu.memory_space<vmem>>, vector<256x256xf32>
    %dot_general3A = arith.constant dense<0.000000e+00> : vector<400x256xf32>
    %dot_general3A_14 = tpu.matmul %get3A_1, %get3A_13, %dot_general3A {dimension_numbers = #tpu.dot_dimension_numbers<[1], [1], [0], [0], [0, 0, 1, 0], [], []>, transpose_lhs_hint = false} : vector<400x256xf32>, vector<256x256xf32>, vector<400x256xf32> -> vector<400x256xf32>
    %get3A_15 = arith.constant 0 : index
    %get3A_16 = arith.constant 0 : index
    %get3A_17 = vector.load %arg4[%get3A_15, %get3A_16] : memref<1x256xf32, #tpu.memory_space<vmem>>, vector<1x256xf32>
    %add3A = vector.broadcast %get3A_17 : vector<1x256xf32> to vector<400x256xf32>
    %add3A_18 = arith.addf %dot_general3A_14, %add3A : vector<400x256xf32>
    %get3A_19 = arith.constant 0 : index
    %get3A_20 = arith.constant 0 : index
    %get3A_21 = vector.load %arg5[%get3A_19, %get3A_20] : memref<256x256xbf16, #tpu.memory_space<vmem>>, vector<256x256xbf16>
    %dot_general3A_22 = arith.constant dense<0.000000e+00> : vector<6400x256xf32>
    %dot_general3A_23 = tpu.matmul %concatenate3A, %get3A_21, %dot_general3A_22 {dimension_numbers = #tpu.dot_dimension_numbers<[1], [1], [0], [0], [0, 0, 1, 0], [], []>, transpose_lhs_hint = false} : vector<6400x256xbf16>, vector<256x256xbf16>, vector<6400x256xf32> -> vector<6400x256xf32>
    %get3A_24 = arith.constant 0 : index
    %get3A_25 = arith.constant 0 : index
    %get3A_26 = vector.load %arg7[%get3A_24, %get3A_25] : memref<256x256xbf16, #tpu.memory_space<vmem>>, vector<256x256xbf16>
    %dot_general3A_27 = arith.constant dense<0.000000e+00> : vector<6400x256xf32>
    %dot_general3A_28 = tpu.matmul %concatenate3A, %get3A_26, %dot_general3A_27 {dimension_numbers = #tpu.dot_dimension_numbers<[1], [1], [0], [0], [0, 0, 1, 0], [], []>, transpose_lhs_hint = false} : vector<6400x256xbf16>, vector<256x256xbf16>, vector<6400x256xf32> -> vector<6400x256xf32>
    %iota3A = tpu.iota {dimensions = array<i32: 0>} : vector<256x8xi32>
    %jit3A = arith.constant 32 : i32
    %div3A = vector.broadcast %jit3A : i32 to vector<256x8xi32>
    %div3A_29 = arith.divsi %iota3A, %div3A : vector<256x8xi32>
    %sign3A = arith.constant 0 : i32
    %sign3A_30 = vector.broadcast %sign3A : i32 to vector<256x8xi32>
    %sign3A_31 = arith.cmpi sgt, %iota3A, %sign3A_30 : vector<256x8xi32>
    %sign3A_32 = arith.extui %sign3A_31 : vector<256x8xi1> to vector<256x8xi32>
    %sign3A_33 = arith.constant 0 : i32
    %sign3A_34 = vector.broadcast %sign3A_33 : i32 to vector<256x8xi32>
    %sign3A_35 = arith.cmpi slt, %iota3A, %sign3A_34 : vector<256x8xi32>
    %sign3A_36 = arith.extui %sign3A_35 : vector<256x8xi1> to vector<256x8xi32>
    %sign3A_37 = arith.subi %sign3A_32, %sign3A_36 : vector<256x8xi32>
    %sign3A_38 = arith.constant 0 : i32
    %sign3A_39 = arith.cmpi sgt, %jit3A, %sign3A_38 : i32
    %sign3A_40 = arith.extui %sign3A_39 : i1 to i32
    %sign3A_41 = arith.constant 0 : i32
    %sign3A_42 = arith.cmpi slt, %jit3A, %sign3A_41 : i32
    %sign3A_43 = arith.extui %sign3A_42 : i1 to i32
    %sign3A_44 = arith.subi %sign3A_40, %sign3A_43 : i32
    %ne3A = vector.broadcast %sign3A_44 : i32 to vector<256x8xi32>
    %ne3A_45 = arith.cmpi ne, %sign3A_37, %ne3A : vector<256x8xi32>
    %rem3A = vector.broadcast %jit3A : i32 to vector<256x8xi32>
    %rem3A_46 = arith.remsi %iota3A, %rem3A : vector<256x8xi32>
    %ne3A_47 = arith.constant 0 : i32
    %ne3A_48 = vector.broadcast %ne3A_47 : i32 to vector<256x8xi32>
    %ne3A_49 = arith.cmpi ne, %rem3A_46, %ne3A_48 : vector<256x8xi32>
    %and3A_50 = arith.andi %ne3A_45, %ne3A_49 : vector<256x8xi1>
    %sub3A = arith.constant 1 : i32
    %sub3A_51 = vector.broadcast %sub3A : i32 to vector<256x8xi32>
    %sub3A_52 = arith.subi %div3A_29, %sub3A_51 : vector<256x8xi32>
    %select_n3A = arith.select %and3A_50, %sub3A_52, %div3A_29 : vector<256x8xi1>, vector<256x8xi32>
    %iota3A_53 = tpu.iota {dimensions = array<i32: 1>} : vector<256x8xi32>
    %eq3A = arith.cmpi eq, %select_n3A, %iota3A_53 : vector<256x8xi32>
    %convert_element_type3A_54 = arith.extui %eq3A : vector<256x8xi1> to vector<256x8xi32>
    %convert_element_type3A_55 = arith.sitofp %convert_element_type3A_54 : vector<256x8xi32> to vector<256x8xf32>
    %broadcast_in_dim3A = vector.shape_cast %add3A_18 : vector<400x256xf32> to vector<400x1x256xf32>
    %broadcast_in_dim3A_56 = vector.shape_cast %broadcast_in_dim3A : vector<400x1x256xf32> to vector<400x1x256xf32>
    %broadcast_in_dim3A_57 = vector.broadcast %broadcast_in_dim3A_56 : vector<400x1x256xf32> to vector<400x16x256xf32>
    %reshape3A = vector.shape_cast %broadcast_in_dim3A_57 : vector<400x16x256xf32> to vector<6400x256xf32>
    %mul3A = arith.mulf %reshape3A, %dot_general3A_23 : vector<6400x256xf32>
    %dot_general3A_58 = arith.constant dense<0.000000e+00> : vector<6400x8xf32>
    %dot_general3A_59 = tpu.matmul %mul3A, %convert_element_type3A_55, %dot_general3A_58 {dimension_numbers = #tpu.dot_dimension_numbers<[1], [0], [0], [1], [0, 0, 1, 1], [], []>, transpose_lhs_hint = false} : vector<6400x256xf32>, vector<256x8xf32>, vector<6400x8xf32> -> vector<6400x8xf32>
    %get3A_60 = arith.constant 0 : index
    %get3A_61 = arith.constant 0 : index
    %get3A_62 = vector.load %arg6[%get3A_60, %get3A_61] : memref<256x8xf32, #tpu.memory_space<vmem>>, vector<256x8xf32>
    %dot_general3A_63 = arith.constant dense<0.000000e+00> : vector<6400x8xf32>
    %dot_general3A_64 = tpu.matmul %reshape3A, %get3A_62, %dot_general3A_63 {dimension_numbers = #tpu.dot_dimension_numbers<[1], [0], [0], [1], [0, 0, 1, 1], [], []>, transpose_lhs_hint = false} : vector<6400x256xf32>, vector<256x8xf32>, vector<6400x8xf32> -> vector<6400x8xf32>
    %add3A_65 = arith.addf %dot_general3A_59, %dot_general3A_64 : vector<6400x8xf32>
    %reshape3A_66 = vector.shape_cast %add3A_65 : vector<6400x8xf32> to vector<400x16x8xf32>
    %exp3A = math.exp %reshape3A_66 : vector<400x16x8xf32>
    %reduce_sum3A = arith.constant dense<0.000000e+00> : vector<400x8xf32>
    %reduce_sum3A_67 = vector.multi_reduction <add>, %exp3A, %reduce_sum3A [1] : vector<400x16x8xf32> to vector<400x8xf32>
    %broadcast_in_dim3A_68 = vector.shape_cast %reduce_sum3A_67 : vector<400x8xf32> to vector<400x1x8xf32>
    %div3A_69 = arith.constant 6.250000e-02 : f32
    %div3A_70 = vector.broadcast %div3A_69 : f32 to vector<400x1x8xf32>
    %div3A_71 = arith.divf %div3A_70, %broadcast_in_dim3A_68 : vector<400x1x8xf32>
    %mul3A_72 = vector.broadcast %div3A_71 : vector<400x1x8xf32> to vector<400x16x8xf32>
    %mul3A_73 = arith.mulf %exp3A, %mul3A_72 : vector<400x16x8xf32>
    %reduce_sum3A_74 = arith.constant dense<0.000000e+00> : vector<400xf32>
    %reduce_sum3A_75 = vector.multi_reduction <add>, %mul3A_73, %reduce_sum3A_74 [1, 2] : vector<400x16x8xf32> to vector<400xf32>
    %reshape3A_76 = vector.shape_cast %reduce_sum3A_75 : vector<400xf32> to vector<400x1xf32>
    %swap3A = arith.constant 0 : index
    %swap3A_77 = arith.constant 0 : index
    %swap3A_78 = vector.load %arg10[%swap3A, %swap3A_77] : memref<400x1xf32, #tpu.memory_space<vmem>>, vector<400x1xf32>
    tpu.vector_store %arg10[%swap3A, %swap3A_77], %reshape3A_76 {strides = array<i32>} : memref<400x1xf32, #tpu.memory_space<vmem>>, vector<400x1xf32>,
    %reshape3A_79 = vector.shape_cast %mul3A_73 : vector<400x16x8xf32> to vector<6400x8xf32>
    %transpose3A = tpu.transpose %convert_element_type3A_55, [1, 0] : vector<256x8xf32> -> vector<8x256xf32>
    %dot_general3A_80 = arith.constant dense<0.000000e+00> : vector<6400x256xf32>
    %dot_general3A_81 = tpu.matmul %reshape3A_79, %transpose3A, %dot_general3A_80 {dimension_numbers = #tpu.dot_dimension_numbers<[1], [0], [0], [1], [0, 0, 1, 1], [], []>, transpose_lhs_hint = false} : vector<6400x8xf32>, vector<8x256xf32>, vector<6400x256xf32> -> vector<6400x256xf32>
    %mul3A_82 = arith.mulf %dot_general3A_81, %dot_general3A_28 : vector<6400x256xf32>
    %reshape3A_83 = vector.shape_cast %mul3A_82 : vector<6400x256xf32> to vector<400x16x256xf32>
    %reduce_sum3A_84 = arith.constant dense<0.000000e+00> : vector<400x256xf32>
    %reduce_sum3A_85 = vector.multi_reduction <add>, %reshape3A_83, %reduce_sum3A_84 [1] : vector<400x16x256xf32> to vector<400x256xf32>
    %get3A_86 = arith.constant 0 : index
    %get3A_87 = arith.constant 0 : index
    %get3A_88 = vector.load %arg8[%get3A_86, %get3A_87] : memref<1x256xf32, #tpu.memory_space<vmem>>, vector<1x256xf32>
    %mul3A_89 = arith.constant 6.250000e-02 : f32
    %mul3A_90 = vector.broadcast %mul3A_89 : f32 to vector<1x256xf32>
    %mul3A_91 = arith.mulf %get3A_88, %mul3A_90 : vector<1x256xf32>
    %add3A_92 = vector.broadcast %mul3A_91 : vector<1x256xf32> to vector<400x256xf32>
    %add3A_93 = arith.addf %reduce_sum3A_85, %add3A_92 : vector<400x256xf32>
    %swap3A_94 = arith.constant 0 : index
    %swap3A_95 = arith.constant 0 : index
    %swap3A_96 = vector.load %arg9[%swap3A_94, %swap3A_95] : memref<400x256xf32, #tpu.memory_space<vmem>>, vector<400x256xf32>
    tpu.vector_store %arg9[%swap3A_94, %swap3A_95], %add3A_93 {strides = array<i32>} : memref<400x256xf32, #tpu.memory_space<vmem>>, vector<400x256xf32>,
    return
  }
  func.func @transform_0(%arg0: i32) -> (i32, i32) {
    %add3A = arith.constant 10 : i32
    %add3A_0 = arith.addi %arg0, %add3A : i32
    %c0_i32 = arith.constant 0 : i32
    %c0_i32_1 = arith.constant 0 : i32
    return %add3A_0, %c0_i32 : i32, i32
  }
  func.func @transform_1(%arg0: i32) -> (i32, i32) {
    %c0_i32 = arith.constant 0 : i32
    %c0_i32_0 = arith.constant 0 : i32
    return %arg0, %c0_i32 : i32, i32
  }
  func.func @transform_2(%arg0: i32) -> (i32, i32) {
    %c0_i32 = arith.constant 0 : i32
    %c0_i32_0 = arith.constant 0 : i32
    %c0_i32_1 = arith.constant 0 : i32
    return %c0_i32, %c0_i32_0 : i32, i32
  }
  func.func @transform_3(%arg0: i32) -> (i32, i32) {
    %c0_i32 = arith.constant 0 : i32
    %c0_i32_0 = arith.constant 0 : i32
    %c0_i32_1 = arith.constant 0 : i32
    return %c0_i32, %c0_i32_0 : i32, i32
  }
  func.func @transform_4(%arg0: i32) -> (i32, i32) {
    %c0_i32 = arith.constant 0 : i32
    %c0_i32_0 = arith.constant 0 : i32
    %c0_i32_1 = arith.constant 0 : i32
    return %c0_i32, %c0_i32_0 : i32, i32
  }
  func.func @transform_5(%arg0: i32) -> (i32, i32) {
    %c0_i32 = arith.constant 0 : i32
    %c0_i32_0 = arith.constant 0 : i32
    %c0_i32_1 = arith.constant 0 : i32
    return %c0_i32, %c0_i32_0 : i32, i32
  }
  func.func @transform_6(%arg0: i32) -> (i32, i32) {
    %c0_i32 = arith.constant 0 : i32
    %c0_i32_0 = arith.constant 0 : i32
    %c0_i32_1 = arith.constant 0 : i32
    return %c0_i32, %c0_i32_0 : i32, i32
  }
  func.func @transform_7(%arg0: i32) -> (i32, i32) {
    %c0_i32 = arith.constant 0 : i32
    %c0_i32_0 = arith.constant 0 : i32
    %c0_i32_1 = arith.constant 0 : i32
    return %c0_i32, %c0_i32_0 : i32, i32
  }
  func.func @transform_8(%arg0: i32) -> (i32, i32) {
    %c0_i32 = arith.constant 0 : i32
    %c0_i32_0 = arith.constant 0 : i32
    return %arg0, %c0_i32 : i32, i32
  }
  func.func @transform_9(%arg0: i32) -> (i32, i32) {
    %c0_i32 = arith.constant 0 : i32
    %c0_i32_0 = arith.constant 0 : i32
    return %arg0, %c0_i32 : i32, i32
  }
}

module attributes {stable_mosaic.version = 14 : i64} {
  func.func @_attn_body(%arg0: i32, %arg1: memref<400x256xf32, #tpu.memory_space<vmem>>, %arg2: memref<6400x128xi32, #tpu.memory_space<vmem>>, %arg3: memref<256x256xf32, #tpu.memory_space<vmem>>, %arg4: memref<1x256xf32, #tpu.memory_space<vmem>>, %arg5: memref<256x256xbf16, #tpu.memory_space<vmem>>, %arg6: memref<256x8xf32, #tpu.memory_space<vmem>>, %arg7: memref<256x256xbf16, #tpu.memory_space<vmem>>, %arg8: memref<1x256xf32, #tpu.memory_space<vmem>>, %arg9: memref<400x256xf32, #tpu.memory_space<vmem>>, %arg10: memref<400x1xf32, #tpu.memory_space<vmem>>) attributes {dimension_semantics = [#tpu.dimension_semantics<arbitrary>], iteration_bounds = array<i64: 5>, scalar_prefetch = 0 : i64, scratch_operands = 0 : i64, tpu.core_type = #tpu.core_type<tc>, window_params = [{transform_indices = @transform_0, window_bounds = array<i64: 400, 256>}, {transform_indices = @transform_1, window_bounds = array<i64: 6400, 128>}, {pipeline_mode = #tpu.pipeline_mode<synchronous>, transform_indices = @transform_2, window_bounds = array<i64: 256, 256>}, {pipeline_mode = #tpu.pipeline_mode<synchronous>, transform_indices = @transform_3, window_bounds = array<i64: 1, 256>}, {pipeline_mode = #tpu.pipeline_mode<synchronous>, transform_indices = @transform_4, window_bounds = array<i64: 256, 256>}, {pipeline_mode = #tpu.pipeline_mode<synchronous>, transform_indices = @transform_5, window_bounds = array<i64: 256, 8>}, {pipeline_mode = #tpu.pipeline_mode<synchronous>, transform_indices = @transform_6, window_bounds = array<i64: 256, 256>}, {pipeline_mode = #tpu.pipeline_mode<synchronous>, transform_indices = @transform_7, window_bounds = array<i64: 1, 256>}, {transform_indices = @transform_8, window_bounds = array<i64: 400, 256>}, {transform_indices = @transform_9, window_bounds = array<i64: 400, 1>}]} {
    %get3A = arith.constant 0 : index
    %get3A_0 = arith.constant 0 : index
    %get3A_1 = vector.load %arg1[%get3A, %get3A_0] : memref<400x256xf32, #tpu.memory_space<vmem>>, vector<400x256xf32>
    %get3A_2 = arith.constant 0 : index
    %get3A_3 = arith.constant 0 : index
    %get3A_4 = vector.load %arg2[%get3A_2, %get3A_3] : memref<6400x128xi32, #tpu.memory_space<vmem>>, vector<6400x128xi32>
    %shift_left3A = arith.constant 16 : i32
    %shift_left3A_5 = vector.broadcast %shift_left3A : i32 to vector<6400x128xi32>
    %shift_left3A_6 = arith.shli %get3A_4, %shift_left3A_5 : vector<6400x128xi32>
    %bitcast_convert_type3A = tpu.bitcast %shift_left3A_6 : vector<6400x128xi32> -> vector<6400x128xf32>
    %convert_element_type3A = arith.truncf %bitcast_convert_type3A : vector<6400x128xf32> to vector<6400x128xbf16>
    %and3A = arith.constant -65536 : i32
    %and3A_7 = vector.broadcast %and3A : i32 to vector<6400x128xi32>
    %and3A_8 = arith.andi %get3A_4, %and3A_7 : vector<6400x128xi32>
    %bitcast_convert_type3A_9 = tpu.bitcast %and3A_8 : vector<6400x128xi32> -> vector<6400x128xf32>
    %convert_element_type3A_10 = arith.truncf %bitcast_convert_type3A_9 : vector<6400x128xf32> to vector<6400x128xbf16>
    %concatenate3A = tpu.concatenate %convert_element_type3A, %convert_element_type3A_10 in 1 : vector<6400x128xbf16>, vector<6400x128xbf16> -> vector<6400x256xbf16>
    %get3A_11 = arith.constant 0 : index
    %get3A_12 = arith.constant 0 : index
    %get3A_13 = vector.load %arg3[%get3A_11, %get3A_12] : memref<256x256xf32, #tpu.memory_space<vmem>>, vector<256x256xf32>
    %dot_general3A = arith.constant dense<0.000000e+00> : vector<400x256xf32>
    %dot_general3A_14 = tpu.matmul %get3A_1, %get3A_13, %dot_general3A {dimension_numbers = #tpu.dot_dimension_numbers<[1], [1], [0], [0], [0, 0, 1, 0], [], []>, transpose_lhs_hint = false} : vector<400x256xf32>, vector<256x256xf32>, vector<400x256xf32> -> vector<400x256xf32>
    %get3A_15 = arith.constant 0 : index
    %get3A_16 = arith.constant 0 : index
    %get3A_17 = vector.load %arg4[%get3A_15, %get3A_16] : memref<1x256xf32, #tpu.memory_space<vmem>>, vector<1x256xf32>
    %add3A = vector.broadcast %get3A_17 : vector<1x256xf32> to vector<400x256xf32>
    %add3A_18 = arith.addf %dot_general3A_14, %add3A : vector<400x256xf32>
    %get3A_19 = arith.constant 0 : index
    %get3A_20 = arith.constant 0 : index
    %get3A_21 = vector.load %arg5[%get3A_19, %get3A_20] : memref<256x256xbf16, #tpu.memory_space<vmem>>, vector<256x256xbf16>
    %dot_general3A_22 = arith.constant dense<0.000000e+00> : vector<6400x256xf32>
    %dot_general3A_23 = tpu.matmul %concatenate3A, %get3A_21, %dot_general3A_22 {dimension_numbers = #tpu.dot_dimension_numbers<[1], [1], [0], [0], [0, 0, 1, 0], [], []>, transpose_lhs_hint = false} : vector<6400x256xbf16>, vector<256x256xbf16>, vector<6400x256xf32> -> vector<6400x256xf32>
    %get3A_24 = arith.constant 0 : index
    %get3A_25 = arith.constant 0 : index
    %get3A_26 = vector.load %arg7[%get3A_24, %get3A_25] : memref<256x256xbf16, #tpu.memory_space<vmem>>, vector<256x256xbf16>
    %dot_general3A_27 = arith.constant dense<0.000000e+00> : vector<6400x256xf32>
    %dot_general3A_28 = tpu.matmul %concatenate3A, %get3A_26, %dot_general3A_27 {dimension_numbers = #tpu.dot_dimension_numbers<[1], [1], [0], [0], [0, 0, 1, 0], [], []>, transpose_lhs_hint = false} : vector<6400x256xbf16>, vector<256x256xbf16>, vector<6400x256xf32> -> vector<6400x256xf32>
    %iota3A = tpu.iota {dimensions = array<i32: 0>} : vector<256x8xi32>
    %jit3A = arith.constant 32 : i32
    %div3A = vector.broadcast %jit3A : i32 to vector<256x8xi32>
    %div3A_29 = arith.divsi %iota3A, %div3A : vector<256x8xi32>
    %sign3A = arith.constant 0 : i32
    %sign3A_30 = vector.broadcast %sign3A : i32 to vector<256x8xi32>
    %sign3A_31 = arith.cmpi sgt, %iota3A, %sign3A_30 : vector<256x8xi32>
    %sign3A_32 = arith.extui %sign3A_31 : vector<256x8xi1> to vector<256x8xi32>
    %sign3A_33 = arith.constant 0 : i32
    %sign3A_34 = vector.broadcast %sign3A_33 : i32 to vector<256x8xi32>
    %sign3A_35 = arith.cmpi slt, %iota3A, %sign3A_34 : vector<256x8xi32>
    %sign3A_36 = arith.extui %sign3A_35 : vector<256x8xi1> to vector<256x8xi32>
    %sign3A_37 = arith.subi %sign3A_32, %sign3A_36 : vector<256x8xi32>
    %sign3A_38 = arith.constant 0 : i32
    %sign3A_39 = arith.cmpi sgt, %jit3A, %sign3A_38 : i32
    %sign3A_40 = arith.extui %sign3A_39 : i1 to i32
    %sign3A_41 = arith.constant 0 : i32
    %sign3A_42 = arith.cmpi slt, %jit3A, %sign3A_41 : i32
    %sign3A_43 = arith.extui %sign3A_42 : i1 to i32
    %sign3A_44 = arith.subi %sign3A_40, %sign3A_43 : i32
    %ne3A = vector.broadcast %sign3A_44 : i32 to vector<256x8xi32>
    %ne3A_45 = arith.cmpi ne, %sign3A_37, %ne3A : vector<256x8xi32>
    %rem3A = vector.broadcast %jit3A : i32 to vector<256x8xi32>
    %rem3A_46 = arith.remsi %iota3A, %rem3A : vector<256x8xi32>
    %ne3A_47 = arith.constant 0 : i32
    %ne3A_48 = vector.broadcast %ne3A_47 : i32 to vector<256x8xi32>
    %ne3A_49 = arith.cmpi ne, %rem3A_46, %ne3A_48 : vector<256x8xi32>
    %and3A_50 = arith.andi %ne3A_45, %ne3A_49 : vector<256x8xi1>
    %sub3A = arith.constant 1 : i32
    %sub3A_51 = vector.broadcast %sub3A : i32 to vector<256x8xi32>
    %sub3A_52 = arith.subi %div3A_29, %sub3A_51 : vector<256x8xi32>
    %select_n3A = arith.select %and3A_50, %sub3A_52, %div3A_29 : vector<256x8xi1>, vector<256x8xi32>
    %iota3A_53 = tpu.iota {dimensions = array<i32: 1>} : vector<256x8xi32>
    %eq3A = arith.cmpi eq, %select_n3A, %iota3A_53 : vector<256x8xi32>
    %convert_element_type3A_54 = arith.extui %eq3A : vector<256x8xi1> to vector<256x8xi32>
    %convert_element_type3A_55 = arith.sitofp %convert_element_type3A_54 : vector<256x8xi32> to vector<256x8xf32>
    %broadcast_in_dim3A = vector.shape_cast %add3A_18 : vector<400x256xf32> to vector<400x1x256xf32>
    %broadcast_in_dim3A_56 = vector.shape_cast %broadcast_in_dim3A : vector<400x1x256xf32> to vector<400x1x256xf32>
    %broadcast_in_dim3A_57 = vector.broadcast %broadcast_in_dim3A_56 : vector<400x1x256xf32> to vector<400x16x256xf32>
    %reshape3A = vector.shape_cast %broadcast_in_dim3A_57 : vector<400x16x256xf32> to vector<6400x256xf32>
    %mul3A = arith.mulf %reshape3A, %dot_general3A_23 : vector<6400x256xf32>
    %dot_general3A_58 = arith.constant dense<0.000000e+00> : vector<6400x8xf32>
    %dot_general3A_59 = tpu.matmul %mul3A, %convert_element_type3A_55, %dot_general3A_58 {dimension_numbers = #tpu.dot_dimension_numbers<[1], [0], [0], [1], [0, 0, 1, 1], [], []>, transpose_lhs_hint = false} : vector<6400x256xf32>, vector<256x8xf32>, vector<6400x8xf32> -> vector<6400x8xf32>
    %get3A_60 = arith.constant 0 : index
    %get3A_61 = arith.constant 0 : index
    %get3A_62 = vector.load %arg6[%get3A_60, %get3A_61] : memref<256x8xf32, #tpu.memory_space<vmem>>, vector<256x8xf32>
    %dot_general3A_63 = arith.constant dense<0.000000e+00> : vector<6400x8xf32>
    %dot_general3A_64 = tpu.matmul %reshape3A, %get3A_62, %dot_general3A_63 {dimension_numbers = #tpu.dot_dimension_numbers<[1], [0], [0], [1], [0, 0, 1, 1], [], []>, transpose_lhs_hint = false} : vector<6400x256xf32>, vector<256x8xf32>, vector<6400x8xf32> -> vector<6400x8xf32>
    %add3A_65 = arith.addf %dot_general3A_59, %dot_general3A_64 : vector<6400x8xf32>
    %reshape3A_66 = vector.shape_cast %add3A_65 : vector<6400x8xf32> to vector<400x16x8xf32>
    %exp3A = math.exp %reshape3A_66 : vector<400x16x8xf32>
    %reduce_sum3A = arith.constant dense<0.000000e+00> : vector<400x8xf32>
    %reduce_sum3A_67 = vector.multi_reduction <add>, %exp3A, %reduce_sum3A [1] : vector<400x16x8xf32> to vector<400x8xf32>
    %broadcast_in_dim3A_68 = vector.shape_cast %reduce_sum3A_67 : vector<400x8xf32> to vector<400x1x8xf32>
    %div3A_69 = arith.constant 6.250000e-02 : f32
    %div3A_70 = vector.broadcast %div3A_69 : f32 to vector<400x1x8xf32>
    %div3A_71 = arith.divf %div3A_70, %broadcast_in_dim3A_68 : vector<400x1x8xf32>
    %mul3A_72 = vector.broadcast %div3A_71 : vector<400x1x8xf32> to vector<400x16x8xf32>
    %mul3A_73 = arith.mulf %exp3A, %mul3A_72 : vector<400x16x8xf32>
    %reduce_sum3A_74 = arith.constant dense<0.000000e+00> : vector<400xf32>
    %reduce_sum3A_75 = vector.multi_reduction <add>, %mul3A_73, %reduce_sum3A_74 [1, 2] : vector<400x16x8xf32> to vector<400xf32>
    %reshape3A_76 = vector.shape_cast %reduce_sum3A_75 : vector<400xf32> to vector<400x1xf32>
    %swap3A = arith.constant 0 : index
    %swap3A_77 = arith.constant 0 : index
    %swap3A_78 = vector.load %arg10[%swap3A, %swap3A_77] : memref<400x1xf32, #tpu.memory_space<vmem>>, vector<400x1xf32>
    tpu.vector_store %arg10[%swap3A, %swap3A_77], %reshape3A_76 {strides = array<i32>} : memref<400x1xf32, #tpu.memory_space<vmem>>, vector<400x1xf32>,
    %reshape3A_79 = vector.shape_cast %mul3A_73 : vector<400x16x8xf32> to vector<6400x8xf32>
    %transpose3A = tpu.transpose %convert_element_type3A_55, [1, 0] : vector<256x8xf32> -> vector<8x256xf32>
    %dot_general3A_80 = arith.constant dense<0.000000e+00> : vector<6400x256xf32>
    %dot_general3A_81 = tpu.matmul %reshape3A_79, %transpose3A, %dot_general3A_80 {dimension_numbers = #tpu.dot_dimension_numbers<[1], [0], [0], [1], [0, 0, 1, 1], [], []>, transpose_lhs_hint = false} : vector<6400x8xf32>, vector<8x256xf32>, vector<6400x256xf32> -> vector<6400x256xf32>
    %mul3A_82 = arith.mulf %dot_general3A_81, %dot_general3A_28 : vector<6400x256xf32>
    %reshape3A_83 = vector.shape_cast %mul3A_82 : vector<6400x256xf32> to vector<400x16x256xf32>
    %reduce_sum3A_84 = arith.constant dense<0.000000e+00> : vector<400x256xf32>
    %reduce_sum3A_85 = vector.multi_reduction <add>, %reshape3A_83, %reduce_sum3A_84 [1] : vector<400x16x256xf32> to vector<400x256xf32>
    %get3A_86 = arith.constant 0 : index
    %get3A_87 = arith.constant 0 : index
    %get3A_88 = vector.load %arg8[%get3A_86, %get3A_87] : memref<1x256xf32, #tpu.memory_space<vmem>>, vector<1x256xf32>
    %mul3A_89 = arith.constant 6.250000e-02 : f32
    %mul3A_90 = vector.broadcast %mul3A_89 : f32 to vector<1x256xf32>
    %mul3A_91 = arith.mulf %get3A_88, %mul3A_90 : vector<1x256xf32>
    %add3A_92 = vector.broadcast %mul3A_91 : vector<1x256xf32> to vector<400x256xf32>
    %add3A_93 = arith.addf %reduce_sum3A_85, %add3A_92 : vector<400x256xf32>
    %swap3A_94 = arith.constant 0 : index
    %swap3A_95 = arith.constant 0 : index
    %swap3A_96 = vector.load %arg9[%swap3A_94, %swap3A_95] : memref<400x256xf32, #tpu.memory_space<vmem>>, vector<400x256xf32>
    tpu.vector_store %arg9[%swap3A_94, %swap3A_95], %add3A_93 {strides = array<i32>} : memref<400x256xf32, #tpu.memory_space<vmem>>, vector<400x256xf32>,
    return
  }
  func.func @transform_0(%arg0: i32) -> (i32, i32) {
    %add3A = arith.constant 5 : i32
    %add3A_0 = arith.addi %arg0, %add3A : i32
    %c0_i32 = arith.constant 0 : i32
    %c0_i32_1 = arith.constant 0 : i32
    return %add3A_0, %c0_i32 : i32, i32
  }
  func.func @transform_1(%arg0: i32) -> (i32, i32) {
    %c0_i32 = arith.constant 0 : i32
    %c0_i32_0 = arith.constant 0 : i32
    return %arg0, %c0_i32 : i32, i32
  }
  func.func @transform_2(%arg0: i32) -> (i32, i32) {
    %c0_i32 = arith.constant 0 : i32
    %c0_i32_0 = arith.constant 0 : i32
    %c0_i32_1 = arith.constant 0 : i32
    return %c0_i32, %c0_i32_0 : i32, i32
  }
  func.func @transform_3(%arg0: i32) -> (i32, i32) {
    %c0_i32 = arith.constant 0 : i32
    %c0_i32_0 = arith.constant 0 : i32
    %c0_i32_1 = arith.constant 0 : i32
    return %c0_i32, %c0_i32_0 : i32, i32
  }
  func.func @transform_4(%arg0: i32) -> (i32, i32) {
    %c0_i32 = arith.constant 0 : i32
    %c0_i32_0 = arith.constant 0 : i32
    %c0_i32_1 = arith.constant 0 : i32
    return %c0_i32, %c0_i32_0 : i32, i32
  }
  func.func @transform_5(%arg0: i32) -> (i32, i32) {
    %c0_i32 = arith.constant 0 : i32
    %c0_i32_0 = arith.constant 0 : i32
    %c0_i32_1 = arith.constant 0 : i32
    return %c0_i32, %c0_i32_0 : i32, i32
  }
  func.func @transform_6(%arg0: i32) -> (i32, i32) {
    %c0_i32 = arith.constant 0 : i32
    %c0_i32_0 = arith.constant 0 : i32
    %c0_i32_1 = arith.constant 0 : i32
    return %c0_i32, %c0_i32_0 : i32, i32
  }
  func.func @transform_7(%arg0: i32) -> (i32, i32) {
    %c0_i32 = arith.constant 0 : i32
    %c0_i32_0 = arith.constant 0 : i32
    %c0_i32_1 = arith.constant 0 : i32
    return %c0_i32, %c0_i32_0 : i32, i32
  }
  func.func @transform_8(%arg0: i32) -> (i32, i32) {
    %c0_i32 = arith.constant 0 : i32
    %c0_i32_0 = arith.constant 0 : i32
    return %arg0, %c0_i32 : i32, i32
  }
  func.func @transform_9(%arg0: i32) -> (i32, i32) {
    %c0_i32 = arith.constant 0 : i32
    %c0_i32_0 = arith.constant 0 : i32
    return %arg0, %c0_i32 : i32, i32
  }
}

module attributes {stable_mosaic.version = 14 : i64} {
  func.func @_attn_body(%arg0: i32, %arg1: memref<400x256xf32, #tpu.memory_space<vmem>>, %arg2: memref<6400x128xi32, #tpu.memory_space<vmem>>, %arg3: memref<256x256xf32, #tpu.memory_space<vmem>>, %arg4: memref<1x256xf32, #tpu.memory_space<vmem>>, %arg5: memref<256x256xbf16, #tpu.memory_space<vmem>>, %arg6: memref<256x8xf32, #tpu.memory_space<vmem>>, %arg7: memref<256x256xbf16, #tpu.memory_space<vmem>>, %arg8: memref<1x256xf32, #tpu.memory_space<vmem>>, %arg9: memref<400x256xf32, #tpu.memory_space<vmem>>, %arg10: memref<400x1xf32, #tpu.memory_space<vmem>>) attributes {dimension_semantics = [#tpu.dimension_semantics<arbitrary>], iteration_bounds = array<i64: 5>, scalar_prefetch = 0 : i64, scratch_operands = 0 : i64, tpu.core_type = #tpu.core_type<tc>, window_params = [{transform_indices = @transform_0, window_bounds = array<i64: 400, 256>}, {transform_indices = @transform_1, window_bounds = array<i64: 6400, 128>}, {pipeline_mode = #tpu.pipeline_mode<synchronous>, transform_indices = @transform_2, window_bounds = array<i64: 256, 256>}, {pipeline_mode = #tpu.pipeline_mode<synchronous>, transform_indices = @transform_3, window_bounds = array<i64: 1, 256>}, {pipeline_mode = #tpu.pipeline_mode<synchronous>, transform_indices = @transform_4, window_bounds = array<i64: 256, 256>}, {pipeline_mode = #tpu.pipeline_mode<synchronous>, transform_indices = @transform_5, window_bounds = array<i64: 256, 8>}, {pipeline_mode = #tpu.pipeline_mode<synchronous>, transform_indices = @transform_6, window_bounds = array<i64: 256, 256>}, {pipeline_mode = #tpu.pipeline_mode<synchronous>, transform_indices = @transform_7, window_bounds = array<i64: 1, 256>}, {transform_indices = @transform_8, window_bounds = array<i64: 400, 256>}, {transform_indices = @transform_9, window_bounds = array<i64: 400, 1>}]} {
    %get3A = arith.constant 0 : index
    %get3A_0 = arith.constant 0 : index
    %get3A_1 = vector.load %arg1[%get3A, %get3A_0] : memref<400x256xf32, #tpu.memory_space<vmem>>, vector<400x256xf32>
    %get3A_2 = arith.constant 0 : index
    %get3A_3 = arith.constant 0 : index
    %get3A_4 = vector.load %arg2[%get3A_2, %get3A_3] : memref<6400x128xi32, #tpu.memory_space<vmem>>, vector<6400x128xi32>
    %shift_left3A = arith.constant 16 : i32
    %shift_left3A_5 = vector.broadcast %shift_left3A : i32 to vector<6400x128xi32>
    %shift_left3A_6 = arith.shli %get3A_4, %shift_left3A_5 : vector<6400x128xi32>
    %bitcast_convert_type3A = tpu.bitcast %shift_left3A_6 : vector<6400x128xi32> -> vector<6400x128xf32>
    %convert_element_type3A = arith.truncf %bitcast_convert_type3A : vector<6400x128xf32> to vector<6400x128xbf16>
    %and3A = arith.constant -65536 : i32
    %and3A_7 = vector.broadcast %and3A : i32 to vector<6400x128xi32>
    %and3A_8 = arith.andi %get3A_4, %and3A_7 : vector<6400x128xi32>
    %bitcast_convert_type3A_9 = tpu.bitcast %and3A_8 : vector<6400x128xi32> -> vector<6400x128xf32>
    %convert_element_type3A_10 = arith.truncf %bitcast_convert_type3A_9 : vector<6400x128xf32> to vector<6400x128xbf16>
    %concatenate3A = tpu.concatenate %convert_element_type3A, %convert_element_type3A_10 in 1 : vector<6400x128xbf16>, vector<6400x128xbf16> -> vector<6400x256xbf16>
    %get3A_11 = arith.constant 0 : index
    %get3A_12 = arith.constant 0 : index
    %get3A_13 = vector.load %arg3[%get3A_11, %get3A_12] : memref<256x256xf32, #tpu.memory_space<vmem>>, vector<256x256xf32>
    %dot_general3A = arith.constant dense<0.000000e+00> : vector<400x256xf32>
    %dot_general3A_14 = tpu.matmul %get3A_1, %get3A_13, %dot_general3A {dimension_numbers = #tpu.dot_dimension_numbers<[1], [1], [0], [0], [0, 0, 1, 0], [], []>, transpose_lhs_hint = false} : vector<400x256xf32>, vector<256x256xf32>, vector<400x256xf32> -> vector<400x256xf32>
    %get3A_15 = arith.constant 0 : index
    %get3A_16 = arith.constant 0 : index
    %get3A_17 = vector.load %arg4[%get3A_15, %get3A_16] : memref<1x256xf32, #tpu.memory_space<vmem>>, vector<1x256xf32>
    %add3A = vector.broadcast %get3A_17 : vector<1x256xf32> to vector<400x256xf32>
    %add3A_18 = arith.addf %dot_general3A_14, %add3A : vector<400x256xf32>
    %get3A_19 = arith.constant 0 : index
    %get3A_20 = arith.constant 0 : index
    %get3A_21 = vector.load %arg5[%get3A_19, %get3A_20] : memref<256x256xbf16, #tpu.memory_space<vmem>>, vector<256x256xbf16>
    %dot_general3A_22 = arith.constant dense<0.000000e+00> : vector<6400x256xf32>
    %dot_general3A_23 = tpu.matmul %concatenate3A, %get3A_21, %dot_general3A_22 {dimension_numbers = #tpu.dot_dimension_numbers<[1], [1], [0], [0], [0, 0, 1, 0], [], []>, transpose_lhs_hint = false} : vector<6400x256xbf16>, vector<256x256xbf16>, vector<6400x256xf32> -> vector<6400x256xf32>
    %get3A_24 = arith.constant 0 : index
    %get3A_25 = arith.constant 0 : index
    %get3A_26 = vector.load %arg7[%get3A_24, %get3A_25] : memref<256x256xbf16, #tpu.memory_space<vmem>>, vector<256x256xbf16>
    %dot_general3A_27 = arith.constant dense<0.000000e+00> : vector<6400x256xf32>
    %dot_general3A_28 = tpu.matmul %concatenate3A, %get3A_26, %dot_general3A_27 {dimension_numbers = #tpu.dot_dimension_numbers<[1], [1], [0], [0], [0, 0, 1, 0], [], []>, transpose_lhs_hint = false} : vector<6400x256xbf16>, vector<256x256xbf16>, vector<6400x256xf32> -> vector<6400x256xf32>
    %iota3A = tpu.iota {dimensions = array<i32: 0>} : vector<256x8xi32>
    %jit3A = arith.constant 32 : i32
    %div3A = vector.broadcast %jit3A : i32 to vector<256x8xi32>
    %div3A_29 = arith.divsi %iota3A, %div3A : vector<256x8xi32>
    %sign3A = arith.constant 0 : i32
    %sign3A_30 = vector.broadcast %sign3A : i32 to vector<256x8xi32>
    %sign3A_31 = arith.cmpi sgt, %iota3A, %sign3A_30 : vector<256x8xi32>
    %sign3A_32 = arith.extui %sign3A_31 : vector<256x8xi1> to vector<256x8xi32>
    %sign3A_33 = arith.constant 0 : i32
    %sign3A_34 = vector.broadcast %sign3A_33 : i32 to vector<256x8xi32>
    %sign3A_35 = arith.cmpi slt, %iota3A, %sign3A_34 : vector<256x8xi32>
    %sign3A_36 = arith.extui %sign3A_35 : vector<256x8xi1> to vector<256x8xi32>
    %sign3A_37 = arith.subi %sign3A_32, %sign3A_36 : vector<256x8xi32>
    %sign3A_38 = arith.constant 0 : i32
    %sign3A_39 = arith.cmpi sgt, %jit3A, %sign3A_38 : i32
    %sign3A_40 = arith.extui %sign3A_39 : i1 to i32
    %sign3A_41 = arith.constant 0 : i32
    %sign3A_42 = arith.cmpi slt, %jit3A, %sign3A_41 : i32
    %sign3A_43 = arith.extui %sign3A_42 : i1 to i32
    %sign3A_44 = arith.subi %sign3A_40, %sign3A_43 : i32
    %ne3A = vector.broadcast %sign3A_44 : i32 to vector<256x8xi32>
    %ne3A_45 = arith.cmpi ne, %sign3A_37, %ne3A : vector<256x8xi32>
    %rem3A = vector.broadcast %jit3A : i32 to vector<256x8xi32>
    %rem3A_46 = arith.remsi %iota3A, %rem3A : vector<256x8xi32>
    %ne3A_47 = arith.constant 0 : i32
    %ne3A_48 = vector.broadcast %ne3A_47 : i32 to vector<256x8xi32>
    %ne3A_49 = arith.cmpi ne, %rem3A_46, %ne3A_48 : vector<256x8xi32>
    %and3A_50 = arith.andi %ne3A_45, %ne3A_49 : vector<256x8xi1>
    %sub3A = arith.constant 1 : i32
    %sub3A_51 = vector.broadcast %sub3A : i32 to vector<256x8xi32>
    %sub3A_52 = arith.subi %div3A_29, %sub3A_51 : vector<256x8xi32>
    %select_n3A = arith.select %and3A_50, %sub3A_52, %div3A_29 : vector<256x8xi1>, vector<256x8xi32>
    %iota3A_53 = tpu.iota {dimensions = array<i32: 1>} : vector<256x8xi32>
    %eq3A = arith.cmpi eq, %select_n3A, %iota3A_53 : vector<256x8xi32>
    %convert_element_type3A_54 = arith.extui %eq3A : vector<256x8xi1> to vector<256x8xi32>
    %convert_element_type3A_55 = arith.sitofp %convert_element_type3A_54 : vector<256x8xi32> to vector<256x8xf32>
    %broadcast_in_dim3A = vector.shape_cast %add3A_18 : vector<400x256xf32> to vector<400x1x256xf32>
    %broadcast_in_dim3A_56 = vector.shape_cast %broadcast_in_dim3A : vector<400x1x256xf32> to vector<400x1x256xf32>
    %broadcast_in_dim3A_57 = vector.broadcast %broadcast_in_dim3A_56 : vector<400x1x256xf32> to vector<400x16x256xf32>
    %reshape3A = vector.shape_cast %broadcast_in_dim3A_57 : vector<400x16x256xf32> to vector<6400x256xf32>
    %mul3A = arith.mulf %reshape3A, %dot_general3A_23 : vector<6400x256xf32>
    %dot_general3A_58 = arith.constant dense<0.000000e+00> : vector<6400x8xf32>
    %dot_general3A_59 = tpu.matmul %mul3A, %convert_element_type3A_55, %dot_general3A_58 {dimension_numbers = #tpu.dot_dimension_numbers<[1], [0], [0], [1], [0, 0, 1, 1], [], []>, transpose_lhs_hint = false} : vector<6400x256xf32>, vector<256x8xf32>, vector<6400x8xf32> -> vector<6400x8xf32>
    %get3A_60 = arith.constant 0 : index
    %get3A_61 = arith.constant 0 : index
    %get3A_62 = vector.load %arg6[%get3A_60, %get3A_61] : memref<256x8xf32, #tpu.memory_space<vmem>>, vector<256x8xf32>
    %dot_general3A_63 = arith.constant dense<0.000000e+00> : vector<6400x8xf32>
    %dot_general3A_64 = tpu.matmul %reshape3A, %get3A_62, %dot_general3A_63 {dimension_numbers = #tpu.dot_dimension_numbers<[1], [0], [0], [1], [0, 0, 1, 1], [], []>, transpose_lhs_hint = false} : vector<6400x256xf32>, vector<256x8xf32>, vector<6400x8xf32> -> vector<6400x8xf32>
    %add3A_65 = arith.addf %dot_general3A_59, %dot_general3A_64 : vector<6400x8xf32>
    %reshape3A_66 = vector.shape_cast %add3A_65 : vector<6400x8xf32> to vector<400x16x8xf32>
    %exp3A = math.exp %reshape3A_66 : vector<400x16x8xf32>
    %reduce_sum3A = arith.constant dense<0.000000e+00> : vector<400x8xf32>
    %reduce_sum3A_67 = vector.multi_reduction <add>, %exp3A, %reduce_sum3A [1] : vector<400x16x8xf32> to vector<400x8xf32>
    %broadcast_in_dim3A_68 = vector.shape_cast %reduce_sum3A_67 : vector<400x8xf32> to vector<400x1x8xf32>
    %div3A_69 = arith.constant 6.250000e-02 : f32
    %div3A_70 = vector.broadcast %div3A_69 : f32 to vector<400x1x8xf32>
    %div3A_71 = arith.divf %div3A_70, %broadcast_in_dim3A_68 : vector<400x1x8xf32>
    %mul3A_72 = vector.broadcast %div3A_71 : vector<400x1x8xf32> to vector<400x16x8xf32>
    %mul3A_73 = arith.mulf %exp3A, %mul3A_72 : vector<400x16x8xf32>
    %reduce_sum3A_74 = arith.constant dense<0.000000e+00> : vector<400xf32>
    %reduce_sum3A_75 = vector.multi_reduction <add>, %mul3A_73, %reduce_sum3A_74 [1, 2] : vector<400x16x8xf32> to vector<400xf32>
    %reshape3A_76 = vector.shape_cast %reduce_sum3A_75 : vector<400xf32> to vector<400x1xf32>
    %swap3A = arith.constant 0 : index
    %swap3A_77 = arith.constant 0 : index
    %swap3A_78 = vector.load %arg10[%swap3A, %swap3A_77] : memref<400x1xf32, #tpu.memory_space<vmem>>, vector<400x1xf32>
    tpu.vector_store %arg10[%swap3A, %swap3A_77], %reshape3A_76 {strides = array<i32>} : memref<400x1xf32, #tpu.memory_space<vmem>>, vector<400x1xf32>,
    %reshape3A_79 = vector.shape_cast %mul3A_73 : vector<400x16x8xf32> to vector<6400x8xf32>
    %transpose3A = tpu.transpose %convert_element_type3A_55, [1, 0] : vector<256x8xf32> -> vector<8x256xf32>
    %dot_general3A_80 = arith.constant dense<0.000000e+00> : vector<6400x256xf32>
    %dot_general3A_81 = tpu.matmul %reshape3A_79, %transpose3A, %dot_general3A_80 {dimension_numbers = #tpu.dot_dimension_numbers<[1], [0], [0], [1], [0, 0, 1, 1], [], []>, transpose_lhs_hint = false} : vector<6400x8xf32>, vector<8x256xf32>, vector<6400x256xf32> -> vector<6400x256xf32>
    %mul3A_82 = arith.mulf %dot_general3A_81, %dot_general3A_28 : vector<6400x256xf32>
    %reshape3A_83 = vector.shape_cast %mul3A_82 : vector<6400x256xf32> to vector<400x16x256xf32>
    %reduce_sum3A_84 = arith.constant dense<0.000000e+00> : vector<400x256xf32>
    %reduce_sum3A_85 = vector.multi_reduction <add>, %reshape3A_83, %reduce_sum3A_84 [1] : vector<400x16x256xf32> to vector<400x256xf32>
    %get3A_86 = arith.constant 0 : index
    %get3A_87 = arith.constant 0 : index
    %get3A_88 = vector.load %arg8[%get3A_86, %get3A_87] : memref<1x256xf32, #tpu.memory_space<vmem>>, vector<1x256xf32>
    %mul3A_89 = arith.constant 6.250000e-02 : f32
    %mul3A_90 = vector.broadcast %mul3A_89 : f32 to vector<1x256xf32>
    %mul3A_91 = arith.mulf %get3A_88, %mul3A_90 : vector<1x256xf32>
    %add3A_92 = vector.broadcast %mul3A_91 : vector<1x256xf32> to vector<400x256xf32>
    %add3A_93 = arith.addf %reduce_sum3A_85, %add3A_92 : vector<400x256xf32>
    %swap3A_94 = arith.constant 0 : index
    %swap3A_95 = arith.constant 0 : index
    %swap3A_96 = vector.load %arg9[%swap3A_94, %swap3A_95] : memref<400x256xf32, #tpu.memory_space<vmem>>, vector<400x256xf32>
    tpu.vector_store %arg9[%swap3A_94, %swap3A_95], %add3A_93 {strides = array<i32>} : memref<400x256xf32, #tpu.memory_space<vmem>>, vector<400x256xf32>,
    return
  }
  func.func @transform_0(%arg0: i32) -> (i32, i32) {
    %add3A = arith.constant 0 : i32
    %add3A_0 = arith.addi %arg0, %add3A : i32
    %c0_i32 = arith.constant 0 : i32
    %c0_i32_1 = arith.constant 0 : i32
    return %add3A_0, %c0_i32 : i32, i32
  }
  func.func @transform_1(%arg0: i32) -> (i32, i32) {
    %c0_i32 = arith.constant 0 : i32
    %c0_i32_0 = arith.constant 0 : i32
    return %arg0, %c0_i32 : i32, i32
  }
  func.func @transform_2(%arg0: i32) -> (i32, i32) {
    %c0_i32 = arith.constant 0 : i32
    %c0_i32_0 = arith.constant 0 : i32
    %c0_i32_1 = arith.constant 0 : i32
    return %c0_i32, %c0_i32_0 : i32, i32
  }
  func.func @transform_3(%arg0: i32) -> (i32, i32) {
    %c0_i32 = arith.constant 0 : i32
    %c0_i32_0 = arith.constant 0 : i32
    %c0_i32_1 = arith.constant 0 : i32
    return %c0_i32, %c0_i32_0 : i32, i32
  }
  func.func @transform_4(%arg0: i32) -> (i32, i32) {
    %c0_i32 = arith.constant 0 : i32
    %c0_i32_0 = arith.constant 0 : i32
    %c0_i32_1 = arith.constant 0 : i32
    return %c0_i32, %c0_i32_0 : i32, i32
  }
  func.func @transform_5(%arg0: i32) -> (i32, i32) {
    %c0_i32 = arith.constant 0 : i32
    %c0_i32_0 = arith.constant 0 : i32
    %c0_i32_1 = arith.constant 0 : i32
    return %c0_i32, %c0_i32_0 : i32, i32
  }
  func.func @transform_6(%arg0: i32) -> (i32, i32) {
    %c0_i32 = arith.constant 0 : i32
    %c0_i32_0 = arith.constant 0 : i32
    %c0_i32_1 = arith.constant 0 : i32
    return %c0_i32, %c0_i32_0 : i32, i32
  }
  func.func @transform_7(%arg0: i32) -> (i32, i32) {
    %c0_i32 = arith.constant 0 : i32
    %c0_i32_0 = arith.constant 0 : i32
    %c0_i32_1 = arith.constant 0 : i32
    return %c0_i32, %c0_i32_0 : i32, i32
  }
  func.func @transform_8(%arg0: i32) -> (i32, i32) {
    %c0_i32 = arith.constant 0 : i32
    %c0_i32_0 = arith.constant 0 : i32
    return %arg0, %c0_i32 : i32, i32
  }
  func.func @transform_9(%arg0: i32) -> (i32, i32) {
    %c0_i32 = arith.constant 0 : i32
    %c0_i32_0 = arith.constant 0 : i32
    return %arg0, %c0_i32 : i32, i32
  }
}

</mosaic_0001>

<sc_bundles>
// kernel: kernel.13.cloned.1.call-start
scs
__scs_entry_jumppad:
0x0: {  	(pc) =	sbr.rel $0x88, $3  }
0x1: {  	(tag) =	ssettag $0x0;
	lr =	simm.s32 $0x1  }
0x2: {  	[smem:$0x3F99] =	sst lr;
	_ =	strace $0xD0000000  }
0x3: {  	_ = 	snop  }
0x4: {  	_ = 	snop  }
0x5: {  	_ = 	snop  }
0x6: {  	_ = 	snop  }
0x7: {  	_ = 	snop  }
__scs_overlays_trampoline_lowered:
0x8: {  	[smem:$0x3FA8] =	sst s0  }
0x9: {  	[smem:$0x3FA9] =	sst s1  }
0xa: {  	[smem:$0x3FAA] =	sst s2  }
0xb: {  	[smem:$0x3FAB] =	sst s3  }
0xc: {  	[smem:$0x3FAC] =	sst s4  }
0xd: {  	[smem:$0x3FAD] =	sst s5  }
0xe: {  	[smem:$0x3FAE] =	sst s6  }
0xf: {  	[smem:$0x3FAF] =	sst s7  }
0x10: {  	[smem:$0x3FB0] =	sst s8  }
0x11: {  	[smem:$0x3FB1] =	sst s9;
	s0 =	simm.s32 @!p0 $0x0  }
0x12: {  	s1 =	sld [smem:$0x3F97];
	s0 =	simm.s32 @p0 $0x1  }
0x13: {  	[smem:$0x3FB2] =	sst s0;
	s0 =	simm.s32 @!p1 $0x0  }
0x14: {  	s2 =	sld [smem:$0x3F96];
	s0 =	simm.s32 @p1 $0x1  }
0x15: {  	[smem:$0x3FB3] =	sst s0;
	s0 =	simm.s32 @!p2 $0x0  }
0x16: {  	s3 =	sld [smem:$0x3FDB];
	s0 =	simm.s32 @p2 $0x1  }
0x17: {  	s4 =	simm.s32 $0x1BF5;
	[smem:$0x3FB5] =	sst s0  }
0x18: {  	s0 =	sld [smem:$0x3F98];
	_ =	swait.ge [sflag:s4], $0x0  }
0x19: {  	s7 =	sld [smem:$0x3F99]  }
0x1a: {  	s8 =	sadd.s32 $0xFFFFE003, lr  }
0x1b: {  	s9 =	sadd.s32 $0xFFFFFEF7, lr;
	s5 =	simm.s32 $0xFFFFFFFF;
	p2 =	slt.u32 s8, $0xFFFFF086  }
0x1c: {  	p1 =	slt.u32 s9, $0xF7A;
	s5 =	simm.s32 @!p2 $0x0  }
0x1d: {  	s5 =	simm.s32 @p1 $0x1;
	p0 =	seq.s32 s7, s2  }
0x1e: {  	s7 =	smul.u32 @!p0 $0xF7A, s2;
	p2 =	seq.s32 @!p0 s5, $0x0  }
0x1f: {  	s9 =	smul.u32 $0xF7A, s1;
	s8 =	simm.s32 @!p0 $0x1BF5;
	p2 =	por !p2, p0  }
0x20: {  	[sflag:s8] =	ssyncset.s32 @!p0 $0xFFFFF086;
	s6 =	sadd.s32 @!p0 s3, s7;
	s7 =	simm.s32 @!p0 $0x108  }
0x21: {  	s3 =	sadd.s32 s3, s9;
	s6 =	sadd.s32 @!p0 $0x88, s6;
	s7 =	simm.s32 @p2 $0x1082  }
0x22: {  	[simem:s7], [sflag:s8] =	dma.local @!p0 [hbm:s6], $0xF7A  }
0x23: {  	s9 =	sor.u32 $0xD0000000, s2;
	s6 =	simm.s32 $0x108;
	_ =	swait.ge @!p0 [sflag:s8], $0x0  }
0x24: {  	s3 =	sadd.s32 $0x88, s3;
	s6 =	simm.s32 @!p1 $0x1082;
	[sflag:s4] =	ssyncset.s32 $0xFFFFF086  }
0x25: {  	[simem:s6], [sflag:s4] =	dma.local [hbm:s3], $0xF7A  }
0x26: {  	[smem:$0x3F99] =	sst s1;
	(tag) =	ssettag s2;
	_ =	strace s9  }
0x27: {  	s1 =	sld [smem:$0x3FA9]  }
0x28: {  	s2 =	sld [smem:$0x3FAA]  }
0x29: {  	s4 =	sld [smem:$0x3FAC]  }
0x2a: {  	p0 =	seq.s32 s5, $0x0;
	s5 =	sld [smem:$0x3FAD]  }
0x2b: {  	s6 =	sld [smem:$0x3FAE]  }
0x2c: {  	s7 =	sld [smem:$0x3FAF]  }
0x2d: {  	s3 =	simm.s32 $0x108;
	s8 =	sld [smem:$0x3FB0]  }
0x2e: {  	s3 =	simm.s32 @!p0 $0x1082;
	s9 =	sld [smem:$0x3FB1]  }
0x2f: {  	lr =	sadd.s32 s0, s3;
	s0 =	sld [smem:$0x3FA8]  }
0x30: {  	s3 =	sld [smem:$0x3FAB]  }
0x31: {  	[smem:$0x3FB4] =	sst s10  }
0x32: {  	s10 =	sld [smem:$0x3FB2];
	_ =	sdelay $0x3  }
0x33: {  	p0 =	seq.s32 s10, $0x1;
	s10 =	sld [smem:$0x3FB4];
	_ =	sdelay $0x3  }
0x34: {  	[smem:$0x3FB4] =	sst s10  }
0x35: {  	s10 =	sld [smem:$0x3FB3];
	_ =	sdelay $0x3  }
0x36: {  	p1 =	seq.s32 s10, $0x1;
	s10 =	sld [smem:$0x3FB4];
	_ =	sdelay $0x3  }
0x37: {  	[smem:$0x3FB4] =	sst s10  }
0x38: {  	s10 =	sld [smem:$0x3FB5]  }
0x39: {  	_ = 	snop;
	(pc) =	sbr.ind lr, $3  }
0x3a: {  	_ = 	snop  }
0x3b: {  	_ = 	snop  }
0x3c: {  	p2 =	seq.s32 s10, $0x1;
	s10 =	sld [smem:$0x3FB4]  }
0x3d: {  	_ =	shalt  }
0x3e: {  	_ =	shalt  }
0x3f: {  	_ =	shalt  }
0x40: {  	_ =	shalt  }
0x41: {  	_ =	shalt  }
0x42: {  	_ =	shalt  }
0x43: {  	_ =	shalt  }
0x44: {  	_ =	shalt  }
0x45: {  	_ =	shalt  }
0x46: {  	_ =	shalt  }
0x47: {  	_ =	shalt  }
0x48: {  	_ =	shalt  }
0x49: {  	_ =	shalt  }
0x4a: {  	_ =	shalt  }
0x4b: {  	_ =	shalt  }
0x4c: {  	_ =	shalt  }
0x4d: {  	_ =	shalt  }
0x4e: {  	_ =	shalt  }
0x4f: {  	_ =	shalt  }
0x50: {  	_ =	shalt  }
0x51: {  	_ =	shalt  }
0x52: {  	_ =	shalt  }
0x53: {  	_ =	shalt  }
0x54: {  	_ =	shalt  }
0x55: {  	_ =	shalt  }
0x56: {  	_ =	shalt  }
0x57: {  	_ =	shalt  }
0x58: {  	_ =	shalt  }
0x59: {  	_ =	shalt  }
0x5a: {  	_ =	shalt  }
0x5b: {  	_ =	shalt  }
0x5c: {  	_ =	shalt  }
0x5d: {  	_ =	shalt  }
0x5e: {  	_ =	shalt  }
0x5f: {  	_ =	shalt  }
0x60: {  	_ =	shalt  }
0x61: {  	_ =	shalt  }
0x62: {  	_ =	shalt  }
0x63: {  	_ =	shalt  }
0x64: {  	_ =	shalt  }
0x65: {  	_ =	shalt  }
0x66: {  	_ =	shalt  }
0x67: {  	_ =	shalt  }
0x68: {  	_ =	shalt  }
0x69: {  	_ =	shalt  }
0x6a: {  	_ =	shalt  }
0x6b: {  	_ =	shalt  }
0x6c: {  	_ =	shalt  }
0x6d: {  	_ =	shalt  }
0x6e: {  	_ =	shalt  }
0x6f: {  	_ =	shalt  }
0x70: {  	_ =	shalt  }
0x71: {  	_ =	shalt  }
0x72: {  	_ =	shalt  }
0x73: {  	_ =	shalt  }
0x74: {  	_ =	shalt  }
0x75: {  	_ =	shalt  }
0x76: {  	_ =	shalt  }
0x77: {  	_ =	shalt  }
0x78: {  	_ =	shalt  }
0x79: {  	_ =	shalt  }
0x7a: {  	_ =	shalt  }
0x7b: {  	_ =	shalt  }
0x7c: {  	_ =	shalt  }
0x7d: {  	_ =	shalt  }
0x7e: {  	_ =	shalt  }
0x7f: {  	_ =	shalt  }
0x80: {  	_ =	shalt  }
0x81: {  	_ =	shalt  }
0x82: {  	_ =	shalt  }
0x83: {  	_ =	shalt  }
0x84: {  	_ =	shalt  }
0x85: {  	_ =	shalt  }
0x86: {  	_ =	shalt  }
0x87: {  	_ =	shalt  }
.Lfunc_end0:
.L_simem_size_0:
called_computation_lowered:
.L_overlay_start_0:
0x88: {  	s0 =	sld [smem:$0x3FD9]  }
0x89: {  	s1 =	sld [smem:$0x3FFE];
	_ =	sdelay $0x3  }
0x8a: {  	s0 =	sadd.s32 s1, s0  }
0x8b: {  	[smem:$0x3FC0] =	sst s0  }
0x8c: {  	_ = 	snop  }
0x8d: {  	s0 =	sld [smem:$0x3FD0];
	_ =	sdelay $0x2  }
0x8e: {  	s13 =	simm.s32 $0xE;
	s2 =	simm.s32 $0x10  }
0x8f: {  	[smem:s2], [sflag:s13] =	dma.local [hbm:s0], $0x1  }
0x90: {  	_ =	swait.eq [sflag:s13], $0x1  }
0x91: {  	[sflag:s13] =	ssyncset.done $0x0  }
0x92: {  	[sflag:s13] =	ssyncadd.s32 $0xFFFFFFFF  }
0x93: {  	s14 =	sld [smem:$0x10];
	(tm) =	ssettm $0x1  }
0x94: {  	s15 =	sld [smem:$0x3FFB];
	_ =	sdelay $0x3  }
0x95: {  	_ =	strace s15  }
0x96: {  	s1 =	sld [smem:$0x3FFC];
	_ =	sdelay $0x3  }
0x97: {  	_ =	strace s1  }
0x98: {  	s1 =	sld [smem:$0x3FFD];
	_ =	sdelay $0x3  }
0x99: {  	_ =	strace s1  }
0x9a: {  	_ =	strace $0x8FFFFFFF  }
0x9b: {  	s16 =	sld [smem:$0x3FDB];
	_ =	sdelay $0x1  }
0x9c: {  	s17 =	simm.s32 $_scs_section_size  }
0x9d: {  	s3 =	simm.s32 $_size__tile_overlayer_lowered;
	s4 =	simm.s32 $_tile_overlayer_lowered  }
0x9e: {  	s20 =	simm.s32 $0x1BFF;
	s19 =	sshll.u32 s4, $0x1;
	s1 =	sadd.s32 s17, s16  }
0x9f: {  	s5 =	simm.s32 $0x0;
	s18 =	sshll.u32 s3, $0x1;
	s3 =	sadd.s32 s19, s1  }
0xa0: {  	[timem:s5], [sflag:s20] =	dma.local [hbm:s3], s18  }
0xa1: {  	_ =	swait.ge [sflag:s20], s18  }
0xa2: {  	s2 =	ssub.s32 $0x0, s18;
	[sflag:s20] =	ssyncset.done $0x0  }
0xa3: {  	[sflag:s20] =	ssyncadd.s32 s2;
	_ =	sdelay $0x1  }
0xa4: {  	s21 =	simm.s32 $0x1B8B  }
0xa5: {  	_ =	swait.ge [sflag:s21], $0x1  }
0xa6: {  	[sflag:s21] =	ssyncset.done $0x0  }
0xa7: {  	s23 =	simm.s32 $0x1B8E;
	s22 =	sld [smem:$0x3FFE];
	[sflag:s21] =	ssyncadd.s32 $0xFFFFFFFF  }
0xa8: {  	s24 =	simm.s32 $execute0_lowered;
	[smem:$0x3FD2] =	sst s23  }
0xa9: {  	s3 =	sshll.u32 s24, $0x1;
	_ =	strace $0x80000052;
	[dreg:$0x1] =	wrdreg $0xFFFFFFFF  }
0xaa: {  	s25 =	simm.s32 $_size_execute0_lowered;
	s1 =	sadd.s32 s1, s3;
	[dreg:$0x0] =	wrdreg $0x0  }
0xab: {  	s3 =	sshll.u32 s25, $0x1;
	[dreg:$0x2] =	wrdreg s1  }
0xac: {  	[dreg:$0x3] =	wrdreg s3  }
0xad: {  	[dreg:$0x4] =	wrdreg $0xC0  }
0xae: {  	_ =	task [dreg:s5], $0x5FFFF  }
0xaf: {  	[dreg:$0x1] =	wrdreg $0xFFFFFFFF  }
0xb0: {  	[dreg:$0x0] =	wrdreg $0x60  }
0xb1: {  	[dreg:$0x2] =	wrdreg s14  }
0xb2: {  	[dreg:$0x3] =	wrdreg s22  }
0xb3: {  	[dreg:$0x4] =	wrdreg $0x9  }
0xb4: {  	_ =	task.clear_ibuf [dreg:s5], $0x5FFFF;
	_ =	strace $0x90000052  }
0xb5: {  	s26 =	simm.s32 $0x9;
	_ =	strace $0x80000054  }
0xb6: {  	_ =	swait.ge [sflag:s26], $0x1  }
0xb7: {  	[sflag:s26] =	ssyncadd.s32 $0xFFFFFFFF  }
0xb8: {  	_ =	strace $0x90000054  }
0xb9: {  	_ =	sfence  }
0xba: {  	s28 =	sld [smem:$0x0];
	_ =	sdelay $0x1  }
0xbb: {  	s29 =	srdreg.scid  }
0xbc: {  	s30 =	sshll.u32 s29, $0xD;
	s31 =	sshrl.u32 s29, $0x2  }
0xbd: {  	s2 =	sand.u32 $0x4000, s30;
	s1 =	sand.u32 $0x1, s29;
	s0 =	sadd.s32 s31, s28  }
0xbe: {  	s1 =	sor.u32 s2, s1;
	s0 =	sshll.u32 s0, $0x11  }
0xbf: {  	s0 =	sor.u32 s0, s1  }
0xc0: {  	s0 =	sadd.s32 $0x8F2B, s0  }
0xc1: {  	[sflag:s0] =	ssyncadd.remote.s32 $0x1  }
0xc2: {  	_ =	sfence.sel $0xFFFF  }
0xc3: {  	[dreg:$0x0] =	wrdreg $0xFFFFFFFF;
	(pc) =	sbr.abs _section_cstart, $3  }
0xc4: {  	[dreg:$0x1] =	wrdreg $0xFFFFFFFF  }
0xc5: {  	_ =	task.clear_ibuf [dreg:s5], $0x2FFFF;
	_ =	strace $0x9FFFFFFF  }
0xc6: {  	(tm) =	ssettm $0x7FFFFFFF  }
0xc7: {  	_ =	shalt  }
tec
execute0_lowered:
.L_overlay_start_1:
0x0: {  	(tag) =	ssettag $0x1  }
0x1: {  	s4 =	rddreg [dreg:$0x0];
	s1 =	stileid.u32  }
0x2: {  	s7 =	rddreg [dreg:$0x1];
	s2 =	simm.s32 $0x0;
	s3 =	sshll.u32 s1, $0x8  }
0x3: {  	[smem:$0x7FF] =	sst s2;
	s3 =	sadd.s32 s3, s7  }
0x4: {  	s0 =	rddreg [dreg:$0x2];
	_ =	strace $0x80000053;
	s3 =	sadd.s32 $0x208600, s3  }
0x5: {  	[tilespmem:s2], [sflag:$0x3] =	stream.linear.gather [hbm4b:s3+s2], $0x800, $0x38;
	[tilespmem:$0x8800] =	vst v63  }
0x6: {  	s3 =	simm.s32 $0x3  }
0x7: {  	_ =	swait.ge [sflag:s3], $0x800  }
0x8: {  	[sflag:s3] =	ssyncset.done $0x0  }
0x9: {  	s8 =	simm.s32 $0x80;
	s6 =	simm.s32 $0x800;
	[sflag:s3] =	ssyncadd.s32 $0xFFFFF800  }
0xa: {  	[tilespmem:s6], [sflag:$0x1] =	stream.indirect.gather [hbm4b:s4+s8], $0x80, s2, s8, $0xb8;
	[tilespmem:$0x8800] =	vst v63  }
0xb: {  	s5 =	simm.s32 $0x4800;
	s9 =	simm.s32 $0x1  }
0xc: {  	[tilespmem:s5], [sflag:$0x2] =	stream.indirect.gather [hbm4b:s4+s8], $0x80, s8, s8, $0xb8;
	[tilespmem:$0x8800] =	vst v63  }
0xd: {  	s10 =	sshll.u32 s1, $0xF;
	_ =	swait.ge [sflag:s9], $0x4000  }
0xe: {  	s7 =	sadd.s32 s10, s7;
	[sflag:s9] =	ssyncset.done $0x0  }
0xf: {  	s7 =	sadd.s32 $0x209600, s7;
	[sflag:s9] =	ssyncadd.s32 $0xFFFFC000  }
0x10: {  	[hbm4b:s7+s2] =	stream.linear.scatter [tilespmem:s6], [sflag:$0x3], $0x4000, $0x38;
	[tilespmem:$0x8800] =	vst v63  }
0x11: {  	_ =	swait.ge [sflag:s3], $0x4000  }
0x12: {  	[sflag:s3] =	ssyncset.done $0x0  }
0x13: {  	s22 =	simm.s32 $0x100;
	s10 =	simm.s32 $0x2;
	[sflag:s3] =	ssyncadd.s32 $0xFFFFC000  }
0x14: {  	[tilespmem:s6], [sflag:$0x1] =	stream.indirect.gather [hbm4b:s4+s8], $0x80, s22, s8, $0xb8;
	[tilespmem:$0x8800] =	vst v63  }
0x15: {  	_ =	swait.ge [sflag:s10], $0x4000  }
0x16: {  	[sflag:s10] =	ssyncset.done $0x0  }
0x17: {  	s11 =	sadd.s32 $0x800, s7;
	[sflag:s10] =	ssyncadd.s32 $0xFFFFC000  }
0x18: {  	[hbm4b:s11+s2] =	stream.linear.scatter [tilespmem:s5], [sflag:$0x3], $0x4000, $0x38;
	[tilespmem:$0x8800] =	vst v63  }
0x19: {  	_ =	swait.ge [sflag:s3], $0x4000  }
0x1a: {  	[sflag:s3] =	ssyncset.done $0x0  }
0x1b: {  	s23 =	simm.s32 $0x180;
	[sflag:s3] =	ssyncadd.s32 $0xFFFFC000  }
0x1c: {  	[tilespmem:s5], [sflag:$0x2] =	stream.indirect.gather [hbm4b:s4+s8], $0x80, s23, s8, $0xb8;
	[tilespmem:$0x8800] =	vst v63  }
0x1d: {  	_ =	swait.ge [sflag:s9], $0x4000  }
0x1e: {  	[sflag:s9] =	ssyncset.done $0x0  }
0x1f: {  	s24 =	sadd.s32 $0x1000, s7;
	[sflag:s9] =	ssyncadd.s32 $0xFFFFC000  }
0x20: {  	[hbm4b:s24+s2] =	stream.linear.scatter [tilespmem:s6], [sflag:$0x3], $0x4000, $0x38;
	[tilespmem:$0x8800] =	vst v63  }
0x21: {  	_ =	swait.ge [sflag:s3], $0x4000  }
0x22: {  	[sflag:s3] =	ssyncset.done $0x0  }
0x23: {  	s25 =	simm.s32 $0x200;
	[sflag:s3] =	ssyncadd.s32 $0xFFFFC000  }
0x24: {  	[tilespmem:s6], [sflag:$0x1] =	stream.indirect.gather [hbm4b:s4+s8], $0x80, s25, s8, $0xb8;
	[tilespmem:$0x8800] =	vst v63  }
0x25: {  	_ =	swait.ge [sflag:s10], $0x4000  }
0x26: {  	[sflag:s10] =	ssyncset.done $0x0  }
0x27: {  	s26 =	sadd.s32 $0x1800, s7;
	[sflag:s10] =	ssyncadd.s32 $0xFFFFC000  }
0x28: {  	[hbm4b:s26+s2] =	stream.linear.scatter [tilespmem:s5], [sflag:$0x3], $0x4000, $0x38;
	[tilespmem:$0x8800] =	vst v63  }
0x29: {  	_ =	swait.ge [sflag:s3], $0x4000  }
0x2a: {  	[sflag:s3] =	ssyncset.done $0x0  }
0x2b: {  	s28 =	simm.s32 $0x280;
	[sflag:s3] =	ssyncadd.s32 $0xFFFFC000  }
0x2c: {  	[tilespmem:s5], [sflag:$0x2] =	stream.indirect.gather [hbm4b:s4+s8], $0x80, s28, s8, $0xb8;
	[tilespmem:$0x8800] =	vst v63  }
0x2d: {  	_ =	swait.ge [sflag:s9], $0x4000  }
0x2e: {  	[sflag:s9] =	ssyncset.done $0x0  }
0x2f: {  	s29 =	sadd.s32 $0x2000, s7;
	[sflag:s9] =	ssyncadd.s32 $0xFFFFC000  }
0x30: {  	[hbm4b:s29+s2] =	stream.linear.scatter [tilespmem:s6], [sflag:$0x3], $0x4000, $0x38;
	[tilespmem:$0x8800] =	vst v63  }
0x31: {  	_ =	swait.ge [sflag:s3], $0x4000  }
0x32: {  	[sflag:s3] =	ssyncset.done $0x0  }
0x33: {  	s30 =	simm.s32 $0x300;
	[sflag:s3] =	ssyncadd.s32 $0xFFFFC000  }
0x34: {  	[tilespmem:s6], [sflag:$0x1] =	stream.indirect.gather [hbm4b:s4+s8], $0x80, s30, s8, $0xb8;
	[tilespmem:$0x8800] =	vst v63  }
0x35: {  	_ =	swait.ge [sflag:s10], $0x4000  }
0x36: {  	[sflag:s10] =	ssyncset.done $0x0  }
0x37: {  	s31 =	sadd.s32 $0x2800, s7;
	[sflag:s10] =	ssyncadd.s32 $0xFFFFC000  }
0x38: {  	[hbm4b:s31+s2] =	stream.linear.scatter [tilespmem:s5], [sflag:$0x3], $0x4000, $0x38;
	[tilespmem:$0x8800] =	vst v63  }
0x39: {  	_ =	swait.ge [sflag:s3], $0x4000  }
0x3a: {  	[sflag:s3] =	ssyncset.done $0x0  }
0x3b: {  	s12 =	simm.s32 $0x380;
	[sflag:s3] =	ssyncadd.s32 $0xFFFFC000  }
0x3c: {  	[tilespmem:s5], [sflag:$0x2] =	stream.indirect.gather [hbm4b:s4+s8], $0x80, s12, s8, $0xb8;
	[tilespmem:$0x8800] =	vst v63  }
0x3d: {  	_ =	swait.ge [sflag:s9], $0x4000  }
0x3e: {  	[sflag:s9] =	ssyncset.done $0x0  }
0x3f: {  	s13 =	sadd.s32 $0x3000, s7;
	[sflag:s9] =	ssyncadd.s32 $0xFFFFC000  }
0x40: {  	[hbm4b:s13+s2] =	stream.linear.scatter [tilespmem:s6], [sflag:$0x3], $0x4000, $0x38;
	[tilespmem:$0x8800] =	vst v63  }
0x41: {  	_ =	swait.ge [sflag:s3], $0x4000  }
0x42: {  	[sflag:s3] =	ssyncset.done $0x0  }
0x43: {  	s14 =	simm.s32 $0x400;
	[sflag:s3] =	ssyncadd.s32 $0xFFFFC000  }
0x44: {  	[tilespmem:s6], [sflag:$0x1] =	stream.indirect.gather [hbm4b:s4+s8], $0x80, s14, s8, $0xb8;
	[tilespmem:$0x8800] =	vst v63  }
0x45: {  	_ =	swait.ge [sflag:s10], $0x4000  }
0x46: {  	[sflag:s10] =	ssyncset.done $0x0  }
0x47: {  	s15 =	sadd.s32 $0x3800, s7;
	[sflag:s10] =	ssyncadd.s32 $0xFFFFC000  }
0x48: {  	[hbm4b:s15+s2] =	stream.linear.scatter [tilespmem:s5], [sflag:$0x3], $0x4000, $0x38;
	[tilespmem:$0x8800] =	vst v63  }
0x49: {  	_ =	swait.ge [sflag:s3], $0x4000  }
0x4a: {  	[sflag:s3] =	ssyncset.done $0x0  }
0x4b: {  	s16 =	simm.s32 $0x480;
	[sflag:s3] =	ssyncadd.s32 $0xFFFFC000  }
0x4c: {  	[tilespmem:s5], [sflag:$0x2] =	stream.indirect.gather [hbm4b:s4+s8], $0x80, s16, s8, $0xb8;
	[tilespmem:$0x8800] =	vst v63  }
0x4d: {  	_ =	swait.ge [sflag:s9], $0x4000  }
0x4e: {  	[sflag:s9] =	ssyncset.done $0x0  }
0x4f: {  	s17 =	sadd.s32 $0x4000, s7;
	[sflag:s9] =	ssyncadd.s32 $0xFFFFC000  }
0x50: {  	[hbm4b:s17+s2] =	stream.linear.scatter [tilespmem:s6], [sflag:$0x3], $0x4000, $0x38;
	[tilespmem:$0x8800] =	vst v63  }
0x51: {  	_ =	swait.ge [sflag:s3], $0x4000  }
0x52: {  	[sflag:s3] =	ssyncset.done $0x0  }
0x53: {  	s18 =	simm.s32 $0x500;
	[sflag:s3] =	ssyncadd.s32 $0xFFFFC000  }
0x54: {  	[tilespmem:s6], [sflag:$0x1] =	stream.indirect.gather [hbm4b:s4+s8], $0x80, s18, s8, $0xb8;
	[tilespmem:$0x8800] =	vst v63  }
0x55: {  	_ =	swait.ge [sflag:s10], $0x4000  }
0x56: {  	[sflag:s10] =	ssyncset.done $0x0  }
0x57: {  	s19 =	sadd.s32 $0x4800, s7;
	[sflag:s10] =	ssyncadd.s32 $0xFFFFC000  }
0x58: {  	[hbm4b:s19+s2] =	stream.linear.scatter [tilespmem:s5], [sflag:$0x3], $0x4000, $0x38;
	[tilespmem:$0x8800] =	vst v63  }
0x59: {  	_ =	swait.ge [sflag:s3], $0x4000  }
0x5a: {  	[sflag:s3] =	ssyncset.done $0x0  }
0x5b: {  	s20 =	simm.s32 $0x580;
	[sflag:s3] =	ssyncadd.s32 $0xFFFFC000  }
0x5c: {  	[tilespmem:s5], [sflag:$0x2] =	stream.indirect.gather [hbm4b:s4+s8], $0x80, s20, s8, $0xb8;
	[tilespmem:$0x8800] =	vst v63  }
0x5d: {  	_ =	swait.ge [sflag:s9], $0x4000  }
0x5e: {  	[sflag:s9] =	ssyncset.done $0x0  }
0x5f: {  	s21 =	sadd.s32 $0x5000, s7;
	[sflag:s9] =	ssyncadd.s32 $0xFFFFC000  }
0x60: {  	[hbm4b:s21+s2] =	stream.linear.scatter [tilespmem:s6], [sflag:$0x3], $0x4000, $0x38;
	[tilespmem:$0x8800] =	vst v63  }
0x61: {  	_ =	swait.ge [sflag:s3], $0x4000  }
0x62: {  	[sflag:s3] =	ssyncset.done $0x0  }
0x63: {  	s22 =	simm.s32 $0x600;
	[sflag:s3] =	ssyncadd.s32 $0xFFFFC000  }
0x64: {  	[tilespmem:s6], [sflag:$0x1] =	stream.indirect.gather [hbm4b:s4+s8], $0x80, s22, s8, $0xb8;
	[tilespmem:$0x8800] =	vst v63  }
0x65: {  	_ =	swait.ge [sflag:s10], $0x4000  }
0x66: {  	[sflag:s10] =	ssyncset.done $0x0  }
0x67: {  	s23 =	sadd.s32 $0x5800, s7;
	[sflag:s10] =	ssyncadd.s32 $0xFFFFC000  }
0x68: {  	[hbm4b:s23+s2] =	stream.linear.scatter [tilespmem:s5], [sflag:$0x3], $0x4000, $0x38;
	[tilespmem:$0x8800] =	vst v63  }
0x69: {  	_ =	swait.ge [sflag:s3], $0x4000  }
0x6a: {  	[sflag:s3] =	ssyncset.done $0x0  }
0x6b: {  	s24 =	simm.s32 $0x680;
	[sflag:s3] =	ssyncadd.s32 $0xFFFFC000  }
0x6c: {  	[tilespmem:s5], [sflag:$0x2] =	stream.indirect.gather [hbm4b:s4+s8], $0x80, s24, s8, $0xb8;
	[tilespmem:$0x8800] =	vst v63  }
0x6d: {  	_ =	swait.ge [sflag:s9], $0x4000  }
0x6e: {  	[sflag:s9] =	ssyncset.done $0x0  }
0x6f: {  	s25 =	sadd.s32 $0x6000, s7;
	[sflag:s9] =	ssyncadd.s32 $0xFFFFC000  }
0x70: {  	[hbm4b:s25+s2] =	stream.linear.scatter [tilespmem:s6], [sflag:$0x3], $0x4000, $0x38;
	[tilespmem:$0x8800] =	vst v63  }
0x71: {  	_ =	swait.ge [sflag:s3], $0x4000  }
0x72: {  	[sflag:s3] =	ssyncset.done $0x0  }
0x73: {  	s26 =	simm.s32 $0x700;
	[sflag:s3] =	ssyncadd.s32 $0xFFFFC000  }
0x74: {  	[tilespmem:s6], [sflag:$0x1] =	stream.indirect.gather [hbm4b:s4+s8], $0x80, s26, s8, $0xb8;
	[tilespmem:$0x8800] =	vst v63  }
0x75: {  	_ =	swait.ge [sflag:s10], $0x4000  }
0x76: {  	[sflag:s10] =	ssyncset.done $0x0  }
0x77: {  	s28 =	sadd.s32 $0x6800, s7;
	[sflag:s10] =	ssyncadd.s32 $0xFFFFC000  }
0x78: {  	[hbm4b:s28+s2] =	stream.linear.scatter [tilespmem:s5], [sflag:$0x3], $0x4000, $0x38;
	[tilespmem:$0x8800] =	vst v63  }
0x79: {  	_ =	swait.ge [sflag:s3], $0x4000  }
0x7a: {  	[sflag:s3] =	ssyncset.done $0x0  }
0x7b: {  	s29 =	simm.s32 $0x780;
	[sflag:s3] =	ssyncadd.s32 $0xFFFFC000  }
0x7c: {  	[tilespmem:s5], [sflag:$0x2] =	stream.indirect.gather [hbm4b:s4+s8], $0x80, s29, s8, $0xb8;
	[tilespmem:$0x8800] =	vst v63  }
0x7d: {  	_ =	swait.ge [sflag:s9], $0x4000  }
0x7e: {  	[sflag:s9] =	ssyncset.done $0x0  }
0x7f: {  	s30 =	sadd.s32 $0x7000, s7;
	[sflag:s9] =	ssyncadd.s32 $0xFFFFC000  }
0x80: {  	[hbm4b:s30+s2] =	stream.linear.scatter [tilespmem:s6], [sflag:$0x3], $0x4000, $0x38;
	[tilespmem:$0x8800] =	vst v63  }
0x81: {  	_ =	swait.ge [sflag:s3], $0x4000  }
0x82: {  	[sflag:s3] =	ssyncset.done $0x0  }
0x83: {  	[sflag:s3] =	ssyncadd.s32 $0xFFFFC000  }
0x84: {  	_ =	swait.ge [sflag:s10], $0x4000  }
0x85: {  	[sflag:s10] =	ssyncset.done $0x0  }
0x86: {  	s31 =	sadd.s32 $0x7800, s7;
	[sflag:s10] =	ssyncadd.s32 $0xFFFFC000  }
0x87: {  	[hbm4b:s31+s2] =	stream.linear.scatter [tilespmem:s5], [sflag:$0x3], $0x4000, $0x38;
	[tilespmem:$0x8800] =	vst v63  }
0x88: {  	_ =	swait.ge [sflag:s3], $0x4000  }
0x89: {  	[sflag:s3] =	ssyncset.done $0x0  }
0x8a: {  	[sflag:s3] =	ssyncadd.s32 $0xFFFFC000  }
0x8b: {  	_ =	sfence.sel $0x180000  }
0x8c: {  	[bflag:$0x0] =	sbarrier.arrive $0xFFFF  }
0x8d: {  	p0 =	sne.s32 s1, $0x0;
	_ =	strace $0x90000053  }
0x8e: {  	s0 =	sadd.s32 @!p0 $0x100000, s0;
	[bflag:$0x2] =	sbarrier.arrive $0xFFFF  }
0x8f: {  	[sflag:s0] =	ssyncadd.tile.s32 @!p0 $0x1;
	_ =	shalt  }
.Lfunc_end2:
_tile_overlayer_lowered:
.L_overlay_start_2:
0x90: {  	(tag) =	ssettag $0x2  }
0x91: {  	s0 =	rddreg [dreg:$0x0];
	s2 =	stileid.u32  }
0x92: {  	s1 =	rddreg [dreg:$0x1];
	p0 =	sne.s32 s2, $0x0  }
0x93: {  	s3 =	rddreg [dreg:$0x2];
	[bflag:$0x3] =	sbarrier.arrive $0xFFFF;
	s2 =	simm.s32 @!p0 $0x1C03  }
0x94: {  	[timem:s3], [sflag:s2] =	dma.local @!p0 [hbm:s0], s1  }
0x95: {  	s0 =	simm.s32 @!p0 $0x3  }
0x96: {  	_ =	swait.ge @!p0 [sflag:s0], s1  }
0x97: {  	s1 =	ssub.s32 @!p0 $0x0, s1;
	[sflag:s0] =	ssyncset.done @!p0 $0x0  }
0x98: {  	[sflag:s0] =	ssyncadd.s32 @!p0 s1  }
0x99: {  	[bflag:$0x3] =	sbarrier.arrive $0xFFFF  }
0x9a: {  	_ =	shalt  }

// kernel: kernel.16.cloned.1.call-start
scs
__scs_entry_jumppad:
0x0: {  	(pc) =	sbr.rel $0x88, $3  }
0x1: {  	(tag) =	ssettag $0x0;
	lr =	simm.s32 $0x1  }
0x2: {  	[smem:$0x3F99] =	sst lr;
	_ =	strace $0xD0000000  }
0x3: {  	_ = 	snop  }
0x4: {  	_ = 	snop  }
0x5: {  	_ = 	snop  }
0x6: {  	_ = 	snop  }
0x7: {  	_ = 	snop  }
__scs_overlays_trampoline_lowered:
0x8: {  	[smem:$0x3FA8] =	sst s0  }
0x9: {  	[smem:$0x3FA9] =	sst s1  }
0xa: {  	[smem:$0x3FAA] =	sst s2  }
0xb: {  	[smem:$0x3FAB] =	sst s3  }
0xc: {  	[smem:$0x3FAC] =	sst s4  }
0xd: {  	[smem:$0x3FAD] =	sst s5  }
0xe: {  	[smem:$0x3FAE] =	sst s6  }
0xf: {  	[smem:$0x3FAF] =	sst s7  }
0x10: {  	[smem:$0x3FB0] =	sst s8  }
0x11: {  	[smem:$0x3FB1] =	sst s9;
	s0 =	simm.s32 @!p0 $0x0  }
0x12: {  	s1 =	sld [smem:$0x3F97];
	s0 =	simm.s32 @p0 $0x1  }
0x13: {  	[smem:$0x3FB2] =	sst s0;
	s0 =	simm.s32 @!p1 $0x0  }
0x14: {  	s2 =	sld [smem:$0x3F96];
	s0 =	simm.s32 @p1 $0x1  }
0x15: {  	[smem:$0x3FB3] =	sst s0;
	s0 =	simm.s32 @!p2 $0x0  }
0x16: {  	s3 =	sld [smem:$0x3FDB];
	s0 =	simm.s32 @p2 $0x1  }
0x17: {  	s4 =	simm.s32 $0x1BF5;
	[smem:$0x3FB5] =	sst s0  }
0x18: {  	s0 =	sld [smem:$0x3F98];
	_ =	swait.ge [sflag:s4], $0x0  }
0x19: {  	s7 =	sld [smem:$0x3F99]  }
0x1a: {  	s8 =	sadd.s32 $0xFFFFE003, lr  }
0x1b: {  	s9 =	sadd.s32 $0xFFFFFEF7, lr;
	s5 =	simm.s32 $0xFFFFFFFF;
	p2 =	slt.u32 s8, $0xFFFFF086  }
0x1c: {  	p1 =	slt.u32 s9, $0xF7A;
	s5 =	simm.s32 @!p2 $0x0  }
0x1d: {  	s5 =	simm.s32 @p1 $0x1;
	p0 =	seq.s32 s7, s2  }
0x1e: {  	s7 =	smul.u32 @!p0 $0xF7A, s2;
	p2 =	seq.s32 @!p0 s5, $0x0  }
0x1f: {  	s9 =	smul.u32 $0xF7A, s1;
	s8 =	simm.s32 @!p0 $0x1BF5;
	p2 =	por !p2, p0  }
0x20: {  	[sflag:s8] =	ssyncset.s32 @!p0 $0xFFFFF086;
	s6 =	sadd.s32 @!p0 s3, s7;
	s7 =	simm.s32 @!p0 $0x108  }
0x21: {  	s3 =	sadd.s32 s3, s9;
	s6 =	sadd.s32 @!p0 $0x88, s6;
	s7 =	simm.s32 @p2 $0x1082  }
0x22: {  	[simem:s7], [sflag:s8] =	dma.local @!p0 [hbm:s6], $0xF7A  }
0x23: {  	s9 =	sor.u32 $0xD0000000, s2;
	s6 =	simm.s32 $0x108;
	_ =	swait.ge @!p0 [sflag:s8], $0x0  }
0x24: {  	s3 =	sadd.s32 $0x88, s3;
	s6 =	simm.s32 @!p1 $0x1082;
	[sflag:s4] =	ssyncset.s32 $0xFFFFF086  }
0x25: {  	[simem:s6], [sflag:s4] =	dma.local [hbm:s3], $0xF7A  }
0x26: {  	[smem:$0x3F99] =	sst s1;
	(tag) =	ssettag s2;
	_ =	strace s9  }
0x27: {  	s1 =	sld [smem:$0x3FA9]  }
0x28: {  	s2 =	sld [smem:$0x3FAA]  }
0x29: {  	s4 =	sld [smem:$0x3FAC]  }
0x2a: {  	p0 =	seq.s32 s5, $0x0;
	s5 =	sld [smem:$0x3FAD]  }
0x2b: {  	s6 =	sld [smem:$0x3FAE]  }
0x2c: {  	s7 =	sld [smem:$0x3FAF]  }
0x2d: {  	s3 =	simm.s32 $0x108;
	s8 =	sld [smem:$0x3FB0]  }
0x2e: {  	s3 =	simm.s32 @!p0 $0x1082;
	s9 =	sld [smem:$0x3FB1]  }
0x2f: {  	lr =	sadd.s32 s0, s3;
	s0 =	sld [smem:$0x3FA8]  }
0x30: {  	s3 =	sld [smem:$0x3FAB]  }
0x31: {  	[smem:$0x3FB4] =	sst s10  }
0x32: {  	s10 =	sld [smem:$0x3FB2];
	_ =	sdelay $0x3  }
0x33: {  	p0 =	seq.s32 s10, $0x1;
	s10 =	sld [smem:$0x3FB4];
	_ =	sdelay $0x3  }
0x34: {  	[smem:$0x3FB4] =	sst s10  }
0x35: {  	s10 =	sld [smem:$0x3FB3];
	_ =	sdelay $0x3  }
0x36: {  	p1 =	seq.s32 s10, $0x1;
	s10 =	sld [smem:$0x3FB4];
	_ =	sdelay $0x3  }
0x37: {  	[smem:$0x3FB4] =	sst s10  }
0x38: {  	s10 =	sld [smem:$0x3FB5]  }
0x39: {  	_ = 	snop;
	(pc) =	sbr.ind lr, $3  }
0x3a: {  	_ = 	snop  }
0x3b: {  	_ = 	snop  }
0x3c: {  	p2 =	seq.s32 s10, $0x1;
	s10 =	sld [smem:$0x3FB4]  }
0x3d: {  	_ =	shalt  }
0x3e: {  	_ =	shalt  }
0x3f: {  	_ =	shalt  }
0x40: {  	_ =	shalt  }
0x41: {  	_ =	shalt  }
0x42: {  	_ =	shalt  }
0x43: {  	_ =	shalt  }
0x44: {  	_ =	shalt  }
0x45: {  	_ =	shalt  }
0x46: {  	_ =	shalt  }
0x47: {  	_ =	shalt  }
0x48: {  	_ =	shalt  }
0x49: {  	_ =	shalt  }
0x4a: {  	_ =	shalt  }
0x4b: {  	_ =	shalt  }
0x4c: {  	_ =	shalt  }
0x4d: {  	_ =	shalt  }
0x4e: {  	_ =	shalt  }
0x4f: {  	_ =	shalt  }
0x50: {  	_ =	shalt  }
0x51: {  	_ =	shalt  }
0x52: {  	_ =	shalt  }
0x53: {  	_ =	shalt  }
0x54: {  	_ =	shalt  }
0x55: {  	_ =	shalt  }
0x56: {  	_ =	shalt  }
0x57: {  	_ =	shalt  }
0x58: {  	_ =	shalt  }
0x59: {  	_ =	shalt  }
0x5a: {  	_ =	shalt  }
0x5b: {  	_ =	shalt  }
0x5c: {  	_ =	shalt  }
0x5d: {  	_ =	shalt  }
0x5e: {  	_ =	shalt  }
0x5f: {  	_ =	shalt  }
0x60: {  	_ =	shalt  }
0x61: {  	_ =	shalt  }
0x62: {  	_ =	shalt  }
0x63: {  	_ =	shalt  }
0x64: {  	_ =	shalt  }
0x65: {  	_ =	shalt  }
0x66: {  	_ =	shalt  }
0x67: {  	_ =	shalt  }
0x68: {  	_ =	shalt  }
0x69: {  	_ =	shalt  }
0x6a: {  	_ =	shalt  }
0x6b: {  	_ =	shalt  }
0x6c: {  	_ =	shalt  }
0x6d: {  	_ =	shalt  }
0x6e: {  	_ =	shalt  }
0x6f: {  	_ =	shalt  }
0x70: {  	_ =	shalt  }
0x71: {  	_ =	shalt  }
0x72: {  	_ =	shalt  }
0x73: {  	_ =	shalt  }
0x74: {  	_ =	shalt  }
0x75: {  	_ =	shalt  }
0x76: {  	_ =	shalt  }
0x77: {  	_ =	shalt  }
0x78: {  	_ =	shalt  }
0x79: {  	_ =	shalt  }
0x7a: {  	_ =	shalt  }
0x7b: {  	_ =	shalt  }
0x7c: {  	_ =	shalt  }
0x7d: {  	_ =	shalt  }
0x7e: {  	_ =	shalt  }
0x7f: {  	_ =	shalt  }
0x80: {  	_ =	shalt  }
0x81: {  	_ =	shalt  }
0x82: {  	_ =	shalt  }
0x83: {  	_ =	shalt  }
0x84: {  	_ =	shalt  }
0x85: {  	_ =	shalt  }
0x86: {  	_ =	shalt  }
0x87: {  	_ =	shalt  }
.Lfunc_end0:
.L_simem_size_0:
called_computation.1_lowered:
.L_overlay_start_0:
0x88: {  	s0 =	sld [smem:$0x3FD9]  }
0x89: {  	s1 =	sld [smem:$0x3FFE];
	_ =	sdelay $0x3  }
0x8a: {  	s0 =	sadd.s32 s1, s0  }
0x8b: {  	[smem:$0x3FC0] =	sst s0  }
0x8c: {  	_ = 	snop  }
0x8d: {  	s0 =	sld [smem:$0x3FD0];
	_ =	sdelay $0x2  }
0x8e: {  	s13 =	simm.s32 $0xE;
	s2 =	simm.s32 $0x10  }
0x8f: {  	[smem:s2], [sflag:s13] =	dma.local [hbm:s0], $0x1  }
0x90: {  	_ =	swait.eq [sflag:s13], $0x1  }
0x91: {  	[sflag:s13] =	ssyncset.done $0x0  }
0x92: {  	[sflag:s13] =	ssyncadd.s32 $0xFFFFFFFF  }
0x93: {  	s14 =	sld [smem:$0x10];
	(tm) =	ssettm $0x1  }
0x94: {  	s15 =	sld [smem:$0x3FFB];
	_ =	sdelay $0x3  }
0x95: {  	_ =	strace s15  }
0x96: {  	s1 =	sld [smem:$0x3FFC];
	_ =	sdelay $0x3  }
0x97: {  	_ =	strace s1  }
0x98: {  	s1 =	sld [smem:$0x3FFD];
	_ =	sdelay $0x3  }
0x99: {  	_ =	strace s1  }
0x9a: {  	_ =	strace $0x8FFFFFFF  }
0x9b: {  	s16 =	sld [smem:$0x3FDB];
	_ =	sdelay $0x1  }
0x9c: {  	s17 =	simm.s32 $_scs_section_size  }
0x9d: {  	s3 =	simm.s32 $_size__tile_overlayer_lowered;
	s4 =	simm.s32 $_tile_overlayer_lowered  }
0x9e: {  	s20 =	simm.s32 $0x1BFF;
	s19 =	sshll.u32 s4, $0x1;
	s1 =	sadd.s32 s17, s16  }
0x9f: {  	s5 =	simm.s32 $0x0;
	s18 =	sshll.u32 s3, $0x1;
	s3 =	sadd.s32 s19, s1  }
0xa0: {  	[timem:s5], [sflag:s20] =	dma.local [hbm:s3], s18  }
0xa1: {  	_ =	swait.ge [sflag:s20], s18  }
0xa2: {  	s2 =	ssub.s32 $0x0, s18;
	[sflag:s20] =	ssyncset.done $0x0  }
0xa3: {  	[sflag:s20] =	ssyncadd.s32 s2;
	_ =	sdelay $0x1  }
0xa4: {  	s21 =	simm.s32 $0x1B8B  }
0xa5: {  	_ =	swait.ge [sflag:s21], $0x1  }
0xa6: {  	[sflag:s21] =	ssyncset.done $0x0  }
0xa7: {  	s23 =	simm.s32 $0x1B8E;
	s22 =	sld [smem:$0x3FFE];
	[sflag:s21] =	ssyncadd.s32 $0xFFFFFFFF  }
0xa8: {  	s24 =	simm.s32 $execute0_lowered;
	[smem:$0x3FD2] =	sst s23  }
0xa9: {  	s3 =	sshll.u32 s24, $0x1;
	_ =	strace $0x8000004F;
	[dreg:$0x1] =	wrdreg $0xFFFFFFFF  }
0xaa: {  	s25 =	simm.s32 $_size_execute0_lowered;
	s1 =	sadd.s32 s1, s3;
	[dreg:$0x0] =	wrdreg $0x0  }
0xab: {  	s3 =	sshll.u32 s25, $0x1;
	[dreg:$0x2] =	wrdreg s1  }
0xac: {  	[dreg:$0x3] =	wrdreg s3  }
0xad: {  	[dreg:$0x4] =	wrdreg $0xC0  }
0xae: {  	_ =	task [dreg:s5], $0x5FFFF  }
0xaf: {  	[dreg:$0x1] =	wrdreg $0xFFFFFFFF  }
0xb0: {  	[dreg:$0x0] =	wrdreg $0x60  }
0xb1: {  	[dreg:$0x2] =	wrdreg s14  }
0xb2: {  	[dreg:$0x3] =	wrdreg s22  }
0xb3: {  	[dreg:$0x4] =	wrdreg $0xA  }
0xb4: {  	_ =	task.clear_ibuf [dreg:s5], $0x5FFFF;
	_ =	strace $0x9000004F  }
0xb5: {  	s26 =	simm.s32 $0xA;
	_ =	strace $0x80000051  }
0xb6: {  	_ =	swait.ge [sflag:s26], $0x1  }
0xb7: {  	[sflag:s26] =	ssyncadd.s32 $0xFFFFFFFF  }
0xb8: {  	_ =	strace $0x90000051  }
0xb9: {  	_ =	sfence  }
0xba: {  	s28 =	sld [smem:$0x0];
	_ =	sdelay $0x1  }
0xbb: {  	s29 =	srdreg.scid  }
0xbc: {  	s30 =	sshll.u32 s29, $0xD;
	s31 =	sshrl.u32 s29, $0x2  }
0xbd: {  	s2 =	sand.u32 $0x4000, s30;
	s1 =	sand.u32 $0x1, s29;
	s0 =	sadd.s32 s31, s28  }
0xbe: {  	s1 =	sor.u32 s2, s1;
	s0 =	sshll.u32 s0, $0x11  }
0xbf: {  	s0 =	sor.u32 s0, s1  }
0xc0: {  	s0 =	sadd.s32 $0x8F2B, s0  }
0xc1: {  	[sflag:s0] =	ssyncadd.remote.s32 $0x1  }
0xc2: {  	_ =	sfence.sel $0xFFFF  }
0xc3: {  	[dreg:$0x0] =	wrdreg $0xFFFFFFFF;
	(pc) =	sbr.abs _section_cstart, $3  }
0xc4: {  	[dreg:$0x1] =	wrdreg $0xFFFFFFFF  }
0xc5: {  	_ =	task.clear_ibuf [dreg:s5], $0x2FFFF;
	_ =	strace $0x9FFFFFFF  }
0xc6: {  	(tm) =	ssettm $0x7FFFFFFF  }
0xc7: {  	_ =	shalt  }
tec
execute0_lowered:
.L_overlay_start_1:
0x0: {  	(tag) =	ssettag $0x1  }
0x1: {  	s4 =	rddreg [dreg:$0x0];
	s1 =	stileid.u32  }
0x2: {  	s7 =	rddreg [dreg:$0x1];
	s2 =	simm.s32 $0x0;
	s3 =	sshll.u32 s1, $0x8  }
0x3: {  	[smem:$0x7FF] =	sst s2;
	s3 =	sadd.s32 s3, s7  }
0x4: {  	s0 =	rddreg [dreg:$0x2];
	_ =	strace $0x80000050;
	s3 =	sadd.s32 $0x7600, s3  }
0x5: {  	[tilespmem:s2], [sflag:$0x3] =	stream.linear.gather [hbm4b:s3+s2], $0x800, $0x38;
	[tilespmem:$0x8800] =	vst v63  }
0x6: {  	s3 =	simm.s32 $0x3  }
0x7: {  	_ =	swait.ge [sflag:s3], $0x800  }
0x8: {  	[sflag:s3] =	ssyncset.done $0x0  }
0x9: {  	s8 =	simm.s32 $0x80;
	s6 =	simm.s32 $0x800;
	[sflag:s3] =	ssyncadd.s32 $0xFFFFF800  }
0xa: {  	[tilespmem:s6], [sflag:$0x1] =	stream.indirect.gather [hbm4b:s4+s8], $0x80, s2, s8, $0xb8;
	[tilespmem:$0x8800] =	vst v63  }
0xb: {  	s5 =	simm.s32 $0x4800;
	s9 =	simm.s32 $0x1  }
0xc: {  	[tilespmem:s5], [sflag:$0x2] =	stream.indirect.gather [hbm4b:s4+s8], $0x80, s8, s8, $0xb8;
	[tilespmem:$0x8800] =	vst v63  }
0xd: {  	s10 =	sshll.u32 s1, $0xF;
	_ =	swait.ge [sflag:s9], $0x4000  }
0xe: {  	s7 =	sadd.s32 s10, s7;
	[sflag:s9] =	ssyncset.done $0x0  }
0xf: {  	s7 =	sadd.s32 $0x188600, s7;
	[sflag:s9] =	ssyncadd.s32 $0xFFFFC000  }
0x10: {  	[hbm4b:s7+s2] =	stream.linear.scatter [tilespmem:s6], [sflag:$0x3], $0x4000, $0x38;
	[tilespmem:$0x8800] =	vst v63  }
0x11: {  	_ =	swait.ge [sflag:s3], $0x4000  }
0x12: {  	[sflag:s3] =	ssyncset.done $0x0  }
0x13: {  	s22 =	simm.s32 $0x100;
	s10 =	simm.s32 $0x2;
	[sflag:s3] =	ssyncadd.s32 $0xFFFFC000  }
0x14: {  	[tilespmem:s6], [sflag:$0x1] =	stream.indirect.gather [hbm4b:s4+s8], $0x80, s22, s8, $0xb8;
	[tilespmem:$0x8800] =	vst v63  }
0x15: {  	_ =	swait.ge [sflag:s10], $0x4000  }
0x16: {  	[sflag:s10] =	ssyncset.done $0x0  }
0x17: {  	s11 =	sadd.s32 $0x800, s7;
	[sflag:s10] =	ssyncadd.s32 $0xFFFFC000  }
0x18: {  	[hbm4b:s11+s2] =	stream.linear.scatter [tilespmem:s5], [sflag:$0x3], $0x4000, $0x38;
	[tilespmem:$0x8800] =	vst v63  }
0x19: {  	_ =	swait.ge [sflag:s3], $0x4000  }
0x1a: {  	[sflag:s3] =	ssyncset.done $0x0  }
0x1b: {  	s23 =	simm.s32 $0x180;
	[sflag:s3] =	ssyncadd.s32 $0xFFFFC000  }
0x1c: {  	[tilespmem:s5], [sflag:$0x2] =	stream.indirect.gather [hbm4b:s4+s8], $0x80, s23, s8, $0xb8;
	[tilespmem:$0x8800] =	vst v63  }
0x1d: {  	_ =	swait.ge [sflag:s9], $0x4000  }
0x1e: {  	[sflag:s9] =	ssyncset.done $0x0  }
0x1f: {  	s24 =	sadd.s32 $0x1000, s7;
	[sflag:s9] =	ssyncadd.s32 $0xFFFFC000  }
0x20: {  	[hbm4b:s24+s2] =	stream.linear.scatter [tilespmem:s6], [sflag:$0x3], $0x4000, $0x38;
	[tilespmem:$0x8800] =	vst v63  }
0x21: {  	_ =	swait.ge [sflag:s3], $0x4000  }
0x22: {  	[sflag:s3] =	ssyncset.done $0x0  }
0x23: {  	s25 =	simm.s32 $0x200;
	[sflag:s3] =	ssyncadd.s32 $0xFFFFC000  }
0x24: {  	[tilespmem:s6], [sflag:$0x1] =	stream.indirect.gather [hbm4b:s4+s8], $0x80, s25, s8, $0xb8;
	[tilespmem:$0x8800] =	vst v63  }
0x25: {  	_ =	swait.ge [sflag:s10], $0x4000  }
0x26: {  	[sflag:s10] =	ssyncset.done $0x0  }
0x27: {  	s26 =	sadd.s32 $0x1800, s7;
	[sflag:s10] =	ssyncadd.s32 $0xFFFFC000  }
0x28: {  	[hbm4b:s26+s2] =	stream.linear.scatter [tilespmem:s5], [sflag:$0x3], $0x4000, $0x38;
	[tilespmem:$0x8800] =	vst v63  }
0x29: {  	_ =	swait.ge [sflag:s3], $0x4000  }
0x2a: {  	[sflag:s3] =	ssyncset.done $0x0  }
0x2b: {  	s28 =	simm.s32 $0x280;
	[sflag:s3] =	ssyncadd.s32 $0xFFFFC000  }
0x2c: {  	[tilespmem:s5], [sflag:$0x2] =	stream.indirect.gather [hbm4b:s4+s8], $0x80, s28, s8, $0xb8;
	[tilespmem:$0x8800] =	vst v63  }
0x2d: {  	_ =	swait.ge [sflag:s9], $0x4000  }
0x2e: {  	[sflag:s9] =	ssyncset.done $0x0  }
0x2f: {  	s29 =	sadd.s32 $0x2000, s7;
	[sflag:s9] =	ssyncadd.s32 $0xFFFFC000  }
0x30: {  	[hbm4b:s29+s2] =	stream.linear.scatter [tilespmem:s6], [sflag:$0x3], $0x4000, $0x38;
	[tilespmem:$0x8800] =	vst v63  }
0x31: {  	_ =	swait.ge [sflag:s3], $0x4000  }
0x32: {  	[sflag:s3] =	ssyncset.done $0x0  }
0x33: {  	s30 =	simm.s32 $0x300;
	[sflag:s3] =	ssyncadd.s32 $0xFFFFC000  }
0x34: {  	[tilespmem:s6], [sflag:$0x1] =	stream.indirect.gather [hbm4b:s4+s8], $0x80, s30, s8, $0xb8;
	[tilespmem:$0x8800] =	vst v63  }
0x35: {  	_ =	swait.ge [sflag:s10], $0x4000  }
0x36: {  	[sflag:s10] =	ssyncset.done $0x0  }
0x37: {  	s31 =	sadd.s32 $0x2800, s7;
	[sflag:s10] =	ssyncadd.s32 $0xFFFFC000  }
0x38: {  	[hbm4b:s31+s2] =	stream.linear.scatter [tilespmem:s5], [sflag:$0x3], $0x4000, $0x38;
	[tilespmem:$0x8800] =	vst v63  }
0x39: {  	_ =	swait.ge [sflag:s3], $0x4000  }
0x3a: {  	[sflag:s3] =	ssyncset.done $0x0  }
0x3b: {  	s12 =	simm.s32 $0x380;
	[sflag:s3] =	ssyncadd.s32 $0xFFFFC000  }
0x3c: {  	[tilespmem:s5], [sflag:$0x2] =	stream.indirect.gather [hbm4b:s4+s8], $0x80, s12, s8, $0xb8;
	[tilespmem:$0x8800] =	vst v63  }
0x3d: {  	_ =	swait.ge [sflag:s9], $0x4000  }
0x3e: {  	[sflag:s9] =	ssyncset.done $0x0  }
0x3f: {  	s13 =	sadd.s32 $0x3000, s7;
	[sflag:s9] =	ssyncadd.s32 $0xFFFFC000  }
0x40: {  	[hbm4b:s13+s2] =	stream.linear.scatter [tilespmem:s6], [sflag:$0x3], $0x4000, $0x38;
	[tilespmem:$0x8800] =	vst v63  }
0x41: {  	_ =	swait.ge [sflag:s3], $0x4000  }
0x42: {  	[sflag:s3] =	ssyncset.done $0x0  }
0x43: {  	s14 =	simm.s32 $0x400;
	[sflag:s3] =	ssyncadd.s32 $0xFFFFC000  }
0x44: {  	[tilespmem:s6], [sflag:$0x1] =	stream.indirect.gather [hbm4b:s4+s8], $0x80, s14, s8, $0xb8;
	[tilespmem:$0x8800] =	vst v63  }
0x45: {  	_ =	swait.ge [sflag:s10], $0x4000  }
0x46: {  	[sflag:s10] =	ssyncset.done $0x0  }
0x47: {  	s15 =	sadd.s32 $0x3800, s7;
	[sflag:s10] =	ssyncadd.s32 $0xFFFFC000  }
0x48: {  	[hbm4b:s15+s2] =	stream.linear.scatter [tilespmem:s5], [sflag:$0x3], $0x4000, $0x38;
	[tilespmem:$0x8800] =	vst v63  }
0x49: {  	_ =	swait.ge [sflag:s3], $0x4000  }
0x4a: {  	[sflag:s3] =	ssyncset.done $0x0  }
0x4b: {  	s16 =	simm.s32 $0x480;
	[sflag:s3] =	ssyncadd.s32 $0xFFFFC000  }
0x4c: {  	[tilespmem:s5], [sflag:$0x2] =	stream.indirect.gather [hbm4b:s4+s8], $0x80, s16, s8, $0xb8;
	[tilespmem:$0x8800] =	vst v63  }
0x4d: {  	_ =	swait.ge [sflag:s9], $0x4000  }
0x4e: {  	[sflag:s9] =	ssyncset.done $0x0  }
0x4f: {  	s17 =	sadd.s32 $0x4000, s7;
	[sflag:s9] =	ssyncadd.s32 $0xFFFFC000  }
0x50: {  	[hbm4b:s17+s2] =	stream.linear.scatter [tilespmem:s6], [sflag:$0x3], $0x4000, $0x38;
	[tilespmem:$0x8800] =	vst v63  }
0x51: {  	_ =	swait.ge [sflag:s3], $0x4000  }
0x52: {  	[sflag:s3] =	ssyncset.done $0x0  }
0x53: {  	s18 =	simm.s32 $0x500;
	[sflag:s3] =	ssyncadd.s32 $0xFFFFC000  }
0x54: {  	[tilespmem:s6], [sflag:$0x1] =	stream.indirect.gather [hbm4b:s4+s8], $0x80, s18, s8, $0xb8;
	[tilespmem:$0x8800] =	vst v63  }
0x55: {  	_ =	swait.ge [sflag:s10], $0x4000  }
0x56: {  	[sflag:s10] =	ssyncset.done $0x0  }
0x57: {  	s19 =	sadd.s32 $0x4800, s7;
	[sflag:s10] =	ssyncadd.s32 $0xFFFFC000  }
0x58: {  	[hbm4b:s19+s2] =	stream.linear.scatter [tilespmem:s5], [sflag:$0x3], $0x4000, $0x38;
	[tilespmem:$0x8800] =	vst v63  }
0x59: {  	_ =	swait.ge [sflag:s3], $0x4000  }
0x5a: {  	[sflag:s3] =	ssyncset.done $0x0  }
0x5b: {  	s20 =	simm.s32 $0x580;
	[sflag:s3] =	ssyncadd.s32 $0xFFFFC000  }
0x5c: {  	[tilespmem:s5], [sflag:$0x2] =	stream.indirect.gather [hbm4b:s4+s8], $0x80, s20, s8, $0xb8;
	[tilespmem:$0x8800] =	vst v63  }
0x5d: {  	_ =	swait.ge [sflag:s9], $0x4000  }
0x5e: {  	[sflag:s9] =	ssyncset.done $0x0  }
0x5f: {  	s21 =	sadd.s32 $0x5000, s7;
	[sflag:s9] =	ssyncadd.s32 $0xFFFFC000  }
0x60: {  	[hbm4b:s21+s2] =	stream.linear.scatter [tilespmem:s6], [sflag:$0x3], $0x4000, $0x38;
	[tilespmem:$0x8800] =	vst v63  }
0x61: {  	_ =	swait.ge [sflag:s3], $0x4000  }
0x62: {  	[sflag:s3] =	ssyncset.done $0x0  }
0x63: {  	s22 =	simm.s32 $0x600;
	[sflag:s3] =	ssyncadd.s32 $0xFFFFC000  }
0x64: {  	[tilespmem:s6], [sflag:$0x1] =	stream.indirect.gather [hbm4b:s4+s8], $0x80, s22, s8, $0xb8;
	[tilespmem:$0x8800] =	vst v63  }
0x65: {  	_ =	swait.ge [sflag:s10], $0x4000  }
0x66: {  	[sflag:s10] =	ssyncset.done $0x0  }
0x67: {  	s23 =	sadd.s32 $0x5800, s7;
	[sflag:s10] =	ssyncadd.s32 $0xFFFFC000  }
0x68: {  	[hbm4b:s23+s2] =	stream.linear.scatter [tilespmem:s5], [sflag:$0x3], $0x4000, $0x38;
	[tilespmem:$0x8800] =	vst v63  }
0x69: {  	_ =	swait.ge [sflag:s3], $0x4000  }
0x6a: {  	[sflag:s3] =	ssyncset.done $0x0  }
0x6b: {  	s24 =	simm.s32 $0x680;
	[sflag:s3] =	ssyncadd.s32 $0xFFFFC000  }
0x6c: {  	[tilespmem:s5], [sflag:$0x2] =	stream.indirect.gather [hbm4b:s4+s8], $0x80, s24, s8, $0xb8;
	[tilespmem:$0x8800] =	vst v63  }
0x6d: {  	_ =	swait.ge [sflag:s9], $0x4000  }
0x6e: {  	[sflag:s9] =	ssyncset.done $0x0  }
0x6f: {  	s25 =	sadd.s32 $0x6000, s7;
	[sflag:s9] =	ssyncadd.s32 $0xFFFFC000  }
0x70: {  	[hbm4b:s25+s2] =	stream.linear.scatter [tilespmem:s6], [sflag:$0x3], $0x4000, $0x38;
	[tilespmem:$0x8800] =	vst v63  }
0x71: {  	_ =	swait.ge [sflag:s3], $0x4000  }
0x72: {  	[sflag:s3] =	ssyncset.done $0x0  }
0x73: {  	s26 =	simm.s32 $0x700;
	[sflag:s3] =	ssyncadd.s32 $0xFFFFC000  }
0x74: {  	[tilespmem:s6], [sflag:$0x1] =	stream.indirect.gather [hbm4b:s4+s8], $0x80, s26, s8, $0xb8;
	[tilespmem:$0x8800] =	vst v63  }
0x75: {  	_ =	swait.ge [sflag:s10], $0x4000  }
0x76: {  	[sflag:s10] =	ssyncset.done $0x0  }
0x77: {  	s28 =	sadd.s32 $0x6800, s7;
	[sflag:s10] =	ssyncadd.s32 $0xFFFFC000  }
0x78: {  	[hbm4b:s28+s2] =	stream.linear.scatter [tilespmem:s5], [sflag:$0x3], $0x4000, $0x38;
	[tilespmem:$0x8800] =	vst v63  }
0x79: {  	_ =	swait.ge [sflag:s3], $0x4000  }
0x7a: {  	[sflag:s3] =	ssyncset.done $0x0  }
0x7b: {  	s29 =	simm.s32 $0x780;
	[sflag:s3] =	ssyncadd.s32 $0xFFFFC000  }
0x7c: {  	[tilespmem:s5], [sflag:$0x2] =	stream.indirect.gather [hbm4b:s4+s8], $0x80, s29, s8, $0xb8;
	[tilespmem:$0x8800] =	vst v63  }
0x7d: {  	_ =	swait.ge [sflag:s9], $0x4000  }
0x7e: {  	[sflag:s9] =	ssyncset.done $0x0  }
0x7f: {  	s30 =	sadd.s32 $0x7000, s7;
	[sflag:s9] =	ssyncadd.s32 $0xFFFFC000  }
0x80: {  	[hbm4b:s30+s2] =	stream.linear.scatter [tilespmem:s6], [sflag:$0x3], $0x4000, $0x38;
	[tilespmem:$0x8800] =	vst v63  }
0x81: {  	_ =	swait.ge [sflag:s3], $0x4000  }
0x82: {  	[sflag:s3] =	ssyncset.done $0x0  }
0x83: {  	[sflag:s3] =	ssyncadd.s32 $0xFFFFC000  }
0x84: {  	_ =	swait.ge [sflag:s10], $0x4000  }
0x85: {  	[sflag:s10] =	ssyncset.done $0x0  }
0x86: {  	s31 =	sadd.s32 $0x7800, s7;
	[sflag:s10] =	ssyncadd.s32 $0xFFFFC000  }
0x87: {  	[hbm4b:s31+s2] =	stream.linear.scatter [tilespmem:s5], [sflag:$0x3], $0x4000, $0x38;
	[tilespmem:$0x8800] =	vst v63  }
0x88: {  	_ =	swait.ge [sflag:s3], $0x4000  }
0x89: {  	[sflag:s3] =	ssyncset.done $0x0  }
0x8a: {  	[sflag:s3] =	ssyncadd.s32 $0xFFFFC000  }
0x8b: {  	_ =	sfence.sel $0x180000  }
0x8c: {  	[bflag:$0x0] =	sbarrier.arrive $0xFFFF  }
0x8d: {  	p0 =	sne.s32 s1, $0x0;
	_ =	strace $0x90000050  }
0x8e: {  	s0 =	sadd.s32 @!p0 $0x100000, s0;
	[bflag:$0x2] =	sbarrier.arrive $0xFFFF  }
0x8f: {  	[sflag:s0] =	ssyncadd.tile.s32 @!p0 $0x1;
	_ =	shalt  }
.Lfunc_end2:
_tile_overlayer_lowered:
.L_overlay_start_2:
0x90: {  	(tag) =	ssettag $0x2  }
0x91: {  	s0 =	rddreg [dreg:$0x0];
	s2 =	stileid.u32  }
0x92: {  	s1 =	rddreg [dreg:$0x1];
	p0 =	sne.s32 s2, $0x0  }
0x93: {  	s3 =	rddreg [dreg:$0x2];
	[bflag:$0x3] =	sbarrier.arrive $0xFFFF;
	s2 =	simm.s32 @!p0 $0x1C03  }
0x94: {  	[timem:s3], [sflag:s2] =	dma.local @!p0 [hbm:s0], s1  }
0x95: {  	s0 =	simm.s32 @!p0 $0x3  }
0x96: {  	_ =	swait.ge @!p0 [sflag:s0], s1  }
0x97: {  	s1 =	ssub.s32 @!p0 $0x0, s1;
	[sflag:s0] =	ssyncset.done @!p0 $0x0  }
0x98: {  	[sflag:s0] =	ssyncadd.s32 @!p0 s1  }
0x99: {  	[bflag:$0x3] =	sbarrier.arrive $0xFFFF  }
0x9a: {  	_ =	shalt  }

// kernel: kernel.19.cloned.1.call-start
scs
__scs_entry_jumppad:
0x0: {  	(pc) =	sbr.rel $0x88, $3  }
0x1: {  	(tag) =	ssettag $0x0;
	lr =	simm.s32 $0x1  }
0x2: {  	[smem:$0x3F99] =	sst lr;
	_ =	strace $0xD0000000  }
0x3: {  	_ = 	snop  }
0x4: {  	_ = 	snop  }
0x5: {  	_ = 	snop  }
0x6: {  	_ = 	snop  }
0x7: {  	_ = 	snop  }
__scs_overlays_trampoline_lowered:
0x8: {  	[smem:$0x3FA8] =	sst s0  }
0x9: {  	[smem:$0x3FA9] =	sst s1  }
0xa: {  	[smem:$0x3FAA] =	sst s2  }
0xb: {  	[smem:$0x3FAB] =	sst s3  }
0xc: {  	[smem:$0x3FAC] =	sst s4  }
0xd: {  	[smem:$0x3FAD] =	sst s5  }
0xe: {  	[smem:$0x3FAE] =	sst s6  }
0xf: {  	[smem:$0x3FAF] =	sst s7  }
0x10: {  	[smem:$0x3FB0] =	sst s8  }
0x11: {  	[smem:$0x3FB1] =	sst s9;
	s0 =	simm.s32 @!p0 $0x0  }
0x12: {  	s1 =	sld [smem:$0x3F97];
	s0 =	simm.s32 @p0 $0x1  }
0x13: {  	[smem:$0x3FB2] =	sst s0;
	s0 =	simm.s32 @!p1 $0x0  }
0x14: {  	s2 =	sld [smem:$0x3F96];
	s0 =	simm.s32 @p1 $0x1  }
0x15: {  	[smem:$0x3FB3] =	sst s0;
	s0 =	simm.s32 @!p2 $0x0  }
0x16: {  	s3 =	sld [smem:$0x3FDB];
	s0 =	simm.s32 @p2 $0x1  }
0x17: {  	s4 =	simm.s32 $0x1BF5;
	[smem:$0x3FB5] =	sst s0  }
0x18: {  	s0 =	sld [smem:$0x3F98];
	_ =	swait.ge [sflag:s4], $0x0  }
0x19: {  	s7 =	sld [smem:$0x3F99]  }
0x1a: {  	s8 =	sadd.s32 $0xFFFFE003, lr  }
0x1b: {  	s9 =	sadd.s32 $0xFFFFFEF7, lr;
	s5 =	simm.s32 $0xFFFFFFFF;
	p2 =	slt.u32 s8, $0xFFFFF086  }
0x1c: {  	p1 =	slt.u32 s9, $0xF7A;
	s5 =	simm.s32 @!p2 $0x0  }
0x1d: {  	s5 =	simm.s32 @p1 $0x1;
	p0 =	seq.s32 s7, s2  }
0x1e: {  	s7 =	smul.u32 @!p0 $0xF7A, s2;
	p2 =	seq.s32 @!p0 s5, $0x0  }
0x1f: {  	s9 =	smul.u32 $0xF7A, s1;
	s8 =	simm.s32 @!p0 $0x1BF5;
	p2 =	por !p2, p0  }
0x20: {  	[sflag:s8] =	ssyncset.s32 @!p0 $0xFFFFF086;
	s6 =	sadd.s32 @!p0 s3, s7;
	s7 =	simm.s32 @!p0 $0x108  }
0x21: {  	s3 =	sadd.s32 s3, s9;
	s6 =	sadd.s32 @!p0 $0x88, s6;
	s7 =	simm.s32 @p2 $0x1082  }
0x22: {  	[simem:s7], [sflag:s8] =	dma.local @!p0 [hbm:s6], $0xF7A  }
0x23: {  	s9 =	sor.u32 $0xD0000000, s2;
	s6 =	simm.s32 $0x108;
	_ =	swait.ge @!p0 [sflag:s8], $0x0  }
0x24: {  	s3 =	sadd.s32 $0x88, s3;
	s6 =	simm.s32 @!p1 $0x1082;
	[sflag:s4] =	ssyncset.s32 $0xFFFFF086  }
0x25: {  	[simem:s6], [sflag:s4] =	dma.local [hbm:s3], $0xF7A  }
0x26: {  	[smem:$0x3F99] =	sst s1;
	(tag) =	ssettag s2;
	_ =	strace s9  }
0x27: {  	s1 =	sld [smem:$0x3FA9]  }
0x28: {  	s2 =	sld [smem:$0x3FAA]  }
0x29: {  	s4 =	sld [smem:$0x3FAC]  }
0x2a: {  	p0 =	seq.s32 s5, $0x0;
	s5 =	sld [smem:$0x3FAD]  }
0x2b: {  	s6 =	sld [smem:$0x3FAE]  }
0x2c: {  	s7 =	sld [smem:$0x3FAF]  }
0x2d: {  	s3 =	simm.s32 $0x108;
	s8 =	sld [smem:$0x3FB0]  }
0x2e: {  	s3 =	simm.s32 @!p0 $0x1082;
	s9 =	sld [smem:$0x3FB1]  }
0x2f: {  	lr =	sadd.s32 s0, s3;
	s0 =	sld [smem:$0x3FA8]  }
0x30: {  	s3 =	sld [smem:$0x3FAB]  }
0x31: {  	[smem:$0x3FB4] =	sst s10  }
0x32: {  	s10 =	sld [smem:$0x3FB2];
	_ =	sdelay $0x3  }
0x33: {  	p0 =	seq.s32 s10, $0x1;
	s10 =	sld [smem:$0x3FB4];
	_ =	sdelay $0x3  }
0x34: {  	[smem:$0x3FB4] =	sst s10  }
0x35: {  	s10 =	sld [smem:$0x3FB3];
	_ =	sdelay $0x3  }
0x36: {  	p1 =	seq.s32 s10, $0x1;
	s10 =	sld [smem:$0x3FB4];
	_ =	sdelay $0x3  }
0x37: {  	[smem:$0x3FB4] =	sst s10  }
0x38: {  	s10 =	sld [smem:$0x3FB5]  }
0x39: {  	_ = 	snop;
	(pc) =	sbr.ind lr, $3  }
0x3a: {  	_ = 	snop  }
0x3b: {  	_ = 	snop  }
0x3c: {  	p2 =	seq.s32 s10, $0x1;
	s10 =	sld [smem:$0x3FB4]  }
0x3d: {  	_ =	shalt  }
0x3e: {  	_ =	shalt  }
0x3f: {  	_ =	shalt  }
0x40: {  	_ =	shalt  }
0x41: {  	_ =	shalt  }
0x42: {  	_ =	shalt  }
0x43: {  	_ =	shalt  }
0x44: {  	_ =	shalt  }
0x45: {  	_ =	shalt  }
0x46: {  	_ =	shalt  }
0x47: {  	_ =	shalt  }
0x48: {  	_ =	shalt  }
0x49: {  	_ =	shalt  }
0x4a: {  	_ =	shalt  }
0x4b: {  	_ =	shalt  }
0x4c: {  	_ =	shalt  }
0x4d: {  	_ =	shalt  }
0x4e: {  	_ =	shalt  }
0x4f: {  	_ =	shalt  }
0x50: {  	_ =	shalt  }
0x51: {  	_ =	shalt  }
0x52: {  	_ =	shalt  }
0x53: {  	_ =	shalt  }
0x54: {  	_ =	shalt  }
0x55: {  	_ =	shalt  }
0x56: {  	_ =	shalt  }
0x57: {  	_ =	shalt  }
0x58: {  	_ =	shalt  }
0x59: {  	_ =	shalt  }
0x5a: {  	_ =	shalt  }
0x5b: {  	_ =	shalt  }
0x5c: {  	_ =	shalt  }
0x5d: {  	_ =	shalt  }
0x5e: {  	_ =	shalt  }
0x5f: {  	_ =	shalt  }
0x60: {  	_ =	shalt  }
0x61: {  	_ =	shalt  }
0x62: {  	_ =	shalt  }
0x63: {  	_ =	shalt  }
0x64: {  	_ =	shalt  }
0x65: {  	_ =	shalt  }
0x66: {  	_ =	shalt  }
0x67: {  	_ =	shalt  }
0x68: {  	_ =	shalt  }
0x69: {  	_ =	shalt  }
0x6a: {  	_ =	shalt  }
0x6b: {  	_ =	shalt  }
0x6c: {  	_ =	shalt  }
0x6d: {  	_ =	shalt  }
0x6e: {  	_ =	shalt  }
0x6f: {  	_ =	shalt  }
0x70: {  	_ =	shalt  }
0x71: {  	_ =	shalt  }
0x72: {  	_ =	shalt  }
0x73: {  	_ =	shalt  }
0x74: {  	_ =	shalt  }
0x75: {  	_ =	shalt  }
0x76: {  	_ =	shalt  }
0x77: {  	_ =	shalt  }
0x78: {  	_ =	shalt  }
0x79: {  	_ =	shalt  }
0x7a: {  	_ =	shalt  }
0x7b: {  	_ =	shalt  }
0x7c: {  	_ =	shalt  }
0x7d: {  	_ =	shalt  }
0x7e: {  	_ =	shalt  }
0x7f: {  	_ =	shalt  }
0x80: {  	_ =	shalt  }
0x81: {  	_ =	shalt  }
0x82: {  	_ =	shalt  }
0x83: {  	_ =	shalt  }
0x84: {  	_ =	shalt  }
0x85: {  	_ =	shalt  }
0x86: {  	_ =	shalt  }
0x87: {  	_ =	shalt  }
.Lfunc_end0:
.L_simem_size_0:
called_computation.2_lowered:
.L_overlay_start_0:
0x88: {  	s0 =	sld [smem:$0x3FD9]  }
0x89: {  	s1 =	sld [smem:$0x3FFE];
	_ =	sdelay $0x3  }
0x8a: {  	s0 =	sadd.s32 s1, s0  }
0x8b: {  	[smem:$0x3FC0] =	sst s0  }
0x8c: {  	_ = 	snop  }
0x8d: {  	s0 =	sld [smem:$0x3FD0];
	_ =	sdelay $0x2  }
0x8e: {  	s13 =	simm.s32 $0xE;
	s2 =	simm.s32 $0x10  }
0x8f: {  	[smem:s2], [sflag:s13] =	dma.local [hbm:s0], $0x1  }
0x90: {  	_ =	swait.eq [sflag:s13], $0x1  }
0x91: {  	[sflag:s13] =	ssyncset.done $0x0  }
0x92: {  	[sflag:s13] =	ssyncadd.s32 $0xFFFFFFFF  }
0x93: {  	s14 =	sld [smem:$0x10];
	(tm) =	ssettm $0x1  }
0x94: {  	s15 =	sld [smem:$0x3FFB];
	_ =	sdelay $0x3  }
0x95: {  	_ =	strace s15  }
0x96: {  	s1 =	sld [smem:$0x3FFC];
	_ =	sdelay $0x3  }
0x97: {  	_ =	strace s1  }
0x98: {  	s1 =	sld [smem:$0x3FFD];
	_ =	sdelay $0x3  }
0x99: {  	_ =	strace s1  }
0x9a: {  	_ =	strace $0x8FFFFFFF  }
0x9b: {  	s16 =	sld [smem:$0x3FDB];
	_ =	sdelay $0x1  }
0x9c: {  	s17 =	simm.s32 $_scs_section_size  }
0x9d: {  	s3 =	simm.s32 $_size__tile_overlayer_lowered;
	s4 =	simm.s32 $_tile_overlayer_lowered  }
0x9e: {  	s20 =	simm.s32 $0x1BFF;
	s19 =	sshll.u32 s4, $0x1;
	s1 =	sadd.s32 s17, s16  }
0x9f: {  	s5 =	simm.s32 $0x0;
	s18 =	sshll.u32 s3, $0x1;
	s3 =	sadd.s32 s19, s1  }
0xa0: {  	[timem:s5], [sflag:s20] =	dma.local [hbm:s3], s18  }
0xa1: {  	_ =	swait.ge [sflag:s20], s18  }
0xa2: {  	s2 =	ssub.s32 $0x0, s18;
	[sflag:s20] =	ssyncset.done $0x0  }
0xa3: {  	[sflag:s20] =	ssyncadd.s32 s2;
	_ =	sdelay $0x1  }
0xa4: {  	s21 =	simm.s32 $0x1B8B  }
0xa5: {  	_ =	swait.ge [sflag:s21], $0x1  }
0xa6: {  	[sflag:s21] =	ssyncset.done $0x0  }
0xa7: {  	s23 =	simm.s32 $0x1B8E;
	s22 =	sld [smem:$0x3FFE];
	[sflag:s21] =	ssyncadd.s32 $0xFFFFFFFF  }
0xa8: {  	s24 =	simm.s32 $execute0_lowered;
	[smem:$0x3FD2] =	sst s23  }
0xa9: {  	s3 =	sshll.u32 s24, $0x1;
	_ =	strace $0x8000004C;
	[dreg:$0x1] =	wrdreg $0xFFFFFFFF  }
0xaa: {  	s25 =	simm.s32 $_size_execute0_lowered;
	s1 =	sadd.s32 s1, s3;
	[dreg:$0x0] =	wrdreg $0x0  }
0xab: {  	s3 =	sshll.u32 s25, $0x1;
	[dreg:$0x2] =	wrdreg s1  }
0xac: {  	[dreg:$0x3] =	wrdreg s3  }
0xad: {  	[dreg:$0x4] =	wrdreg $0xC0  }
0xae: {  	_ =	task [dreg:s5], $0x5FFFF  }
0xaf: {  	[dreg:$0x1] =	wrdreg $0xFFFFFFFF  }
0xb0: {  	[dreg:$0x0] =	wrdreg $0x60  }
0xb1: {  	[dreg:$0x2] =	wrdreg s14  }
0xb2: {  	[dreg:$0x3] =	wrdreg s22  }
0xb3: {  	[dreg:$0x4] =	wrdreg $0xB  }
0xb4: {  	_ =	task.clear_ibuf [dreg:s5], $0x5FFFF;
	_ =	strace $0x9000004C  }
0xb5: {  	s26 =	simm.s32 $0xB;
	_ =	strace $0x8000004E  }
0xb6: {  	_ =	swait.ge [sflag:s26], $0x1  }
0xb7: {  	[sflag:s26] =	ssyncadd.s32 $0xFFFFFFFF  }
0xb8: {  	_ =	strace $0x9000004E  }
0xb9: {  	_ =	sfence  }
0xba: {  	s28 =	sld [smem:$0x0];
	_ =	sdelay $0x1  }
0xbb: {  	s29 =	srdreg.scid  }
0xbc: {  	s30 =	sshll.u32 s29, $0xD;
	s31 =	sshrl.u32 s29, $0x2  }
0xbd: {  	s2 =	sand.u32 $0x4000, s30;
	s1 =	sand.u32 $0x1, s29;
	s0 =	sadd.s32 s31, s28  }
0xbe: {  	s1 =	sor.u32 s2, s1;
	s0 =	sshll.u32 s0, $0x11  }
0xbf: {  	s0 =	sor.u32 s0, s1  }
0xc0: {  	s0 =	sadd.s32 $0x8F2B, s0  }
0xc1: {  	[sflag:s0] =	ssyncadd.remote.s32 $0x1  }
0xc2: {  	_ =	sfence.sel $0xFFFF  }
0xc3: {  	[dreg:$0x0] =	wrdreg $0xFFFFFFFF;
	(pc) =	sbr.abs _section_cstart, $3  }
0xc4: {  	[dreg:$0x1] =	wrdreg $0xFFFFFFFF  }
0xc5: {  	_ =	task.clear_ibuf [dreg:s5], $0x2FFFF;
	_ =	strace $0x9FFFFFFF  }
0xc6: {  	(tm) =	ssettm $0x7FFFFFFF  }
0xc7: {  	_ =	shalt  }
tec
execute0_lowered:
.L_overlay_start_1:
0x0: {  	(tag) =	ssettag $0x1  }
0x1: {  	s4 =	rddreg [dreg:$0x0];
	s1 =	stileid.u32  }
0x2: {  	s7 =	rddreg [dreg:$0x1];
	s2 =	simm.s32 $0x0;
	s3 =	sshll.u32 s1, $0x8  }
0x3: {  	[smem:$0x7FF] =	sst s2;
	s3 =	sadd.s32 s3, s7  }
0x4: {  	s0 =	rddreg [dreg:$0x2];
	_ =	strace $0x8000004D;
	s3 =	sadd.s32 $0x6600, s3  }
0x5: {  	[tilespmem:s2], [sflag:$0x3] =	stream.linear.gather [hbm4b:s3+s2], $0x800, $0x38;
	[tilespmem:$0x8800] =	vst v63  }
0x6: {  	s3 =	simm.s32 $0x3  }
0x7: {  	_ =	swait.ge [sflag:s3], $0x800  }
0x8: {  	[sflag:s3] =	ssyncset.done $0x0  }
0x9: {  	s8 =	simm.s32 $0x80;
	s6 =	simm.s32 $0x800;
	[sflag:s3] =	ssyncadd.s32 $0xFFFFF800  }
0xa: {  	[tilespmem:s6], [sflag:$0x1] =	stream.indirect.gather [hbm4b:s4+s8], $0x80, s2, s8, $0xb8;
	[tilespmem:$0x8800] =	vst v63  }
0xb: {  	s5 =	simm.s32 $0x4800;
	s9 =	simm.s32 $0x1  }
0xc: {  	[tilespmem:s5], [sflag:$0x2] =	stream.indirect.gather [hbm4b:s4+s8], $0x80, s8, s8, $0xb8;
	[tilespmem:$0x8800] =	vst v63  }
0xd: {  	s10 =	sshll.u32 s1, $0xF;
	_ =	swait.ge [sflag:s9], $0x4000  }
0xe: {  	s7 =	sadd.s32 s10, s7;
	[sflag:s9] =	ssyncset.done $0x0  }
0xf: {  	s7 =	sadd.s32 $0x108600, s7;
	[sflag:s9] =	ssyncadd.s32 $0xFFFFC000  }
0x10: {  	[hbm4b:s7+s2] =	stream.linear.scatter [tilespmem:s6], [sflag:$0x3], $0x4000, $0x38;
	[tilespmem:$0x8800] =	vst v63  }
0x11: {  	_ =	swait.ge [sflag:s3], $0x4000  }
0x12: {  	[sflag:s3] =	ssyncset.done $0x0  }
0x13: {  	s22 =	simm.s32 $0x100;
	s10 =	simm.s32 $0x2;
	[sflag:s3] =	ssyncadd.s32 $0xFFFFC000  }
0x14: {  	[tilespmem:s6], [sflag:$0x1] =	stream.indirect.gather [hbm4b:s4+s8], $0x80, s22, s8, $0xb8;
	[tilespmem:$0x8800] =	vst v63  }
0x15: {  	_ =	swait.ge [sflag:s10], $0x4000  }
0x16: {  	[sflag:s10] =	ssyncset.done $0x0  }
0x17: {  	s11 =	sadd.s32 $0x800, s7;
	[sflag:s10] =	ssyncadd.s32 $0xFFFFC000  }
0x18: {  	[hbm4b:s11+s2] =	stream.linear.scatter [tilespmem:s5], [sflag:$0x3], $0x4000, $0x38;
	[tilespmem:$0x8800] =	vst v63  }
0x19: {  	_ =	swait.ge [sflag:s3], $0x4000  }
0x1a: {  	[sflag:s3] =	ssyncset.done $0x0  }
0x1b: {  	s23 =	simm.s32 $0x180;
	[sflag:s3] =	ssyncadd.s32 $0xFFFFC000  }
0x1c: {  	[tilespmem:s5], [sflag:$0x2] =	stream.indirect.gather [hbm4b:s4+s8], $0x80, s23, s8, $0xb8;
	[tilespmem:$0x8800] =	vst v63  }
0x1d: {  	_ =	swait.ge [sflag:s9], $0x4000  }
0x1e: {  	[sflag:s9] =	ssyncset.done $0x0  }
0x1f: {  	s24 =	sadd.s32 $0x1000, s7;
	[sflag:s9] =	ssyncadd.s32 $0xFFFFC000  }
0x20: {  	[hbm4b:s24+s2] =	stream.linear.scatter [tilespmem:s6], [sflag:$0x3], $0x4000, $0x38;
	[tilespmem:$0x8800] =	vst v63  }
0x21: {  	_ =	swait.ge [sflag:s3], $0x4000  }
0x22: {  	[sflag:s3] =	ssyncset.done $0x0  }
0x23: {  	s25 =	simm.s32 $0x200;
	[sflag:s3] =	ssyncadd.s32 $0xFFFFC000  }
0x24: {  	[tilespmem:s6], [sflag:$0x1] =	stream.indirect.gather [hbm4b:s4+s8], $0x80, s25, s8, $0xb8;
	[tilespmem:$0x8800] =	vst v63  }
0x25: {  	_ =	swait.ge [sflag:s10], $0x4000  }
0x26: {  	[sflag:s10] =	ssyncset.done $0x0  }
0x27: {  	s26 =	sadd.s32 $0x1800, s7;
	[sflag:s10] =	ssyncadd.s32 $0xFFFFC000  }
0x28: {  	[hbm4b:s26+s2] =	stream.linear.scatter [tilespmem:s5], [sflag:$0x3], $0x4000, $0x38;
	[tilespmem:$0x8800] =	vst v63  }
0x29: {  	_ =	swait.ge [sflag:s3], $0x4000  }
0x2a: {  	[sflag:s3] =	ssyncset.done $0x0  }
0x2b: {  	s28 =	simm.s32 $0x280;
	[sflag:s3] =	ssyncadd.s32 $0xFFFFC000  }
0x2c: {  	[tilespmem:s5], [sflag:$0x2] =	stream.indirect.gather [hbm4b:s4+s8], $0x80, s28, s8, $0xb8;
	[tilespmem:$0x8800] =	vst v63  }
0x2d: {  	_ =	swait.ge [sflag:s9], $0x4000  }
0x2e: {  	[sflag:s9] =	ssyncset.done $0x0  }
0x2f: {  	s29 =	sadd.s32 $0x2000, s7;
	[sflag:s9] =	ssyncadd.s32 $0xFFFFC000  }
0x30: {  	[hbm4b:s29+s2] =	stream.linear.scatter [tilespmem:s6], [sflag:$0x3], $0x4000, $0x38;
	[tilespmem:$0x8800] =	vst v63  }
0x31: {  	_ =	swait.ge [sflag:s3], $0x4000  }
0x32: {  	[sflag:s3] =	ssyncset.done $0x0  }
0x33: {  	s30 =	simm.s32 $0x300;
	[sflag:s3] =	ssyncadd.s32 $0xFFFFC000  }
0x34: {  	[tilespmem:s6], [sflag:$0x1] =	stream.indirect.gather [hbm4b:s4+s8], $0x80, s30, s8, $0xb8;
	[tilespmem:$0x8800] =	vst v63  }
0x35: {  	_ =	swait.ge [sflag:s10], $0x4000  }
0x36: {  	[sflag:s10] =	ssyncset.done $0x0  }
0x37: {  	s31 =	sadd.s32 $0x2800, s7;
	[sflag:s10] =	ssyncadd.s32 $0xFFFFC000  }
0x38: {  	[hbm4b:s31+s2] =	stream.linear.scatter [tilespmem:s5], [sflag:$0x3], $0x4000, $0x38;
	[tilespmem:$0x8800] =	vst v63  }
0x39: {  	_ =	swait.ge [sflag:s3], $0x4000  }
0x3a: {  	[sflag:s3] =	ssyncset.done $0x0  }
0x3b: {  	s12 =	simm.s32 $0x380;
	[sflag:s3] =	ssyncadd.s32 $0xFFFFC000  }
0x3c: {  	[tilespmem:s5], [sflag:$0x2] =	stream.indirect.gather [hbm4b:s4+s8], $0x80, s12, s8, $0xb8;
	[tilespmem:$0x8800] =	vst v63  }
0x3d: {  	_ =	swait.ge [sflag:s9], $0x4000  }
0x3e: {  	[sflag:s9] =	ssyncset.done $0x0  }
0x3f: {  	s13 =	sadd.s32 $0x3000, s7;
	[sflag:s9] =	ssyncadd.s32 $0xFFFFC000  }
0x40: {  	[hbm4b:s13+s2] =	stream.linear.scatter [tilespmem:s6], [sflag:$0x3], $0x4000, $0x38;
	[tilespmem:$0x8800] =	vst v63  }
0x41: {  	_ =	swait.ge [sflag:s3], $0x4000  }
0x42: {  	[sflag:s3] =	ssyncset.done $0x0  }
0x43: {  	s14 =	simm.s32 $0x400;
	[sflag:s3] =	ssyncadd.s32 $0xFFFFC000  }
0x44: {  	[tilespmem:s6], [sflag:$0x1] =	stream.indirect.gather [hbm4b:s4+s8], $0x80, s14, s8, $0xb8;
	[tilespmem:$0x8800] =	vst v63  }
0x45: {  	_ =	swait.ge [sflag:s10], $0x4000  }
0x46: {  	[sflag:s10] =	ssyncset.done $0x0  }
0x47: {  	s15 =	sadd.s32 $0x3800, s7;
	[sflag:s10] =	ssyncadd.s32 $0xFFFFC000  }
0x48: {  	[hbm4b:s15+s2] =	stream.linear.scatter [tilespmem:s5], [sflag:$0x3], $0x4000, $0x38;
	[tilespmem:$0x8800] =	vst v63  }
0x49: {  	_ =	swait.ge [sflag:s3], $0x4000  }
0x4a: {  	[sflag:s3] =	ssyncset.done $0x0  }
0x4b: {  	s16 =	simm.s32 $0x480;
	[sflag:s3] =	ssyncadd.s32 $0xFFFFC000  }
0x4c: {  	[tilespmem:s5], [sflag:$0x2] =	stream.indirect.gather [hbm4b:s4+s8], $0x80, s16, s8, $0xb8;
	[tilespmem:$0x8800] =	vst v63  }
0x4d: {  	_ =	swait.ge [sflag:s9], $0x4000  }
0x4e: {  	[sflag:s9] =	ssyncset.done $0x0  }
0x4f: {  	s17 =	sadd.s32 $0x4000, s7;
	[sflag:s9] =	ssyncadd.s32 $0xFFFFC000  }
0x50: {  	[hbm4b:s17+s2] =	stream.linear.scatter [tilespmem:s6], [sflag:$0x3], $0x4000, $0x38;
	[tilespmem:$0x8800] =	vst v63  }
0x51: {  	_ =	swait.ge [sflag:s3], $0x4000  }
0x52: {  	[sflag:s3] =	ssyncset.done $0x0  }
0x53: {  	s18 =	simm.s32 $0x500;
	[sflag:s3] =	ssyncadd.s32 $0xFFFFC000  }
0x54: {  	[tilespmem:s6], [sflag:$0x1] =	stream.indirect.gather [hbm4b:s4+s8], $0x80, s18, s8, $0xb8;
	[tilespmem:$0x8800] =	vst v63  }
0x55: {  	_ =	swait.ge [sflag:s10], $0x4000  }
0x56: {  	[sflag:s10] =	ssyncset.done $0x0  }
0x57: {  	s19 =	sadd.s32 $0x4800, s7;
	[sflag:s10] =	ssyncadd.s32 $0xFFFFC000  }
0x58: {  	[hbm4b:s19+s2] =	stream.linear.scatter [tilespmem:s5], [sflag:$0x3], $0x4000, $0x38;
	[tilespmem:$0x8800] =	vst v63  }
0x59: {  	_ =	swait.ge [sflag:s3], $0x4000  }
0x5a: {  	[sflag:s3] =	ssyncset.done $0x0  }
0x5b: {  	s20 =	simm.s32 $0x580;
	[sflag:s3] =	ssyncadd.s32 $0xFFFFC000  }
0x5c: {  	[tilespmem:s5], [sflag:$0x2] =	stream.indirect.gather [hbm4b:s4+s8], $0x80, s20, s8, $0xb8;
	[tilespmem:$0x8800] =	vst v63  }
0x5d: {  	_ =	swait.ge [sflag:s9], $0x4000  }
0x5e: {  	[sflag:s9] =	ssyncset.done $0x0  }
0x5f: {  	s21 =	sadd.s32 $0x5000, s7;
	[sflag:s9] =	ssyncadd.s32 $0xFFFFC000  }
0x60: {  	[hbm4b:s21+s2] =	stream.linear.scatter [tilespmem:s6], [sflag:$0x3], $0x4000, $0x38;
	[tilespmem:$0x8800] =	vst v63  }
0x61: {  	_ =	swait.ge [sflag:s3], $0x4000  }
0x62: {  	[sflag:s3] =	ssyncset.done $0x0  }
0x63: {  	s22 =	simm.s32 $0x600;
	[sflag:s3] =	ssyncadd.s32 $0xFFFFC000  }
0x64: {  	[tilespmem:s6], [sflag:$0x1] =	stream.indirect.gather [hbm4b:s4+s8], $0x80, s22, s8, $0xb8;
	[tilespmem:$0x8800] =	vst v63  }
0x65: {  	_ =	swait.ge [sflag:s10], $0x4000  }
0x66: {  	[sflag:s10] =	ssyncset.done $0x0  }
0x67: {  	s23 =	sadd.s32 $0x5800, s7;
	[sflag:s10] =	ssyncadd.s32 $0xFFFFC000  }
0x68: {  	[hbm4b:s23+s2] =	stream.linear.scatter [tilespmem:s5], [sflag:$0x3], $0x4000, $0x38;
	[tilespmem:$0x8800] =	vst v63  }
0x69: {  	_ =	swait.ge [sflag:s3], $0x4000  }
0x6a: {  	[sflag:s3] =	ssyncset.done $0x0  }
0x6b: {  	s24 =	simm.s32 $0x680;
	[sflag:s3] =	ssyncadd.s32 $0xFFFFC000  }
0x6c: {  	[tilespmem:s5], [sflag:$0x2] =	stream.indirect.gather [hbm4b:s4+s8], $0x80, s24, s8, $0xb8;
	[tilespmem:$0x8800] =	vst v63  }
0x6d: {  	_ =	swait.ge [sflag:s9], $0x4000  }
0x6e: {  	[sflag:s9] =	ssyncset.done $0x0  }
0x6f: {  	s25 =	sadd.s32 $0x6000, s7;
	[sflag:s9] =	ssyncadd.s32 $0xFFFFC000  }
0x70: {  	[hbm4b:s25+s2] =	stream.linear.scatter [tilespmem:s6], [sflag:$0x3], $0x4000, $0x38;
	[tilespmem:$0x8800] =	vst v63  }
0x71: {  	_ =	swait.ge [sflag:s3], $0x4000  }
0x72: {  	[sflag:s3] =	ssyncset.done $0x0  }
0x73: {  	s26 =	simm.s32 $0x700;
	[sflag:s3] =	ssyncadd.s32 $0xFFFFC000  }
0x74: {  	[tilespmem:s6], [sflag:$0x1] =	stream.indirect.gather [hbm4b:s4+s8], $0x80, s26, s8, $0xb8;
	[tilespmem:$0x8800] =	vst v63  }
0x75: {  	_ =	swait.ge [sflag:s10], $0x4000  }
0x76: {  	[sflag:s10] =	ssyncset.done $0x0  }
0x77: {  	s28 =	sadd.s32 $0x6800, s7;
	[sflag:s10] =	ssyncadd.s32 $0xFFFFC000  }
0x78: {  	[hbm4b:s28+s2] =	stream.linear.scatter [tilespmem:s5], [sflag:$0x3], $0x4000, $0x38;
	[tilespmem:$0x8800] =	vst v63  }
0x79: {  	_ =	swait.ge [sflag:s3], $0x4000  }
0x7a: {  	[sflag:s3] =	ssyncset.done $0x0  }
0x7b: {  	s29 =	simm.s32 $0x780;
	[sflag:s3] =	ssyncadd.s32 $0xFFFFC000  }
0x7c: {  	[tilespmem:s5], [sflag:$0x2] =	stream.indirect.gather [hbm4b:s4+s8], $0x80, s29, s8, $0xb8;
	[tilespmem:$0x8800] =	vst v63  }
0x7d: {  	_ =	swait.ge [sflag:s9], $0x4000  }
0x7e: {  	[sflag:s9] =	ssyncset.done $0x0  }
0x7f: {  	s30 =	sadd.s32 $0x7000, s7;
	[sflag:s9] =	ssyncadd.s32 $0xFFFFC000  }
0x80: {  	[hbm4b:s30+s2] =	stream.linear.scatter [tilespmem:s6], [sflag:$0x3], $0x4000, $0x38;
	[tilespmem:$0x8800] =	vst v63  }
0x81: {  	_ =	swait.ge [sflag:s3], $0x4000  }
0x82: {  	[sflag:s3] =	ssyncset.done $0x0  }
0x83: {  	[sflag:s3] =	ssyncadd.s32 $0xFFFFC000  }
0x84: {  	_ =	swait.ge [sflag:s10], $0x4000  }
0x85: {  	[sflag:s10] =	ssyncset.done $0x0  }
0x86: {  	s31 =	sadd.s32 $0x7800, s7;
	[sflag:s10] =	ssyncadd.s32 $0xFFFFC000  }
0x87: {  	[hbm4b:s31+s2] =	stream.linear.scatter [tilespmem:s5], [sflag:$0x3], $0x4000, $0x38;
	[tilespmem:$0x8800] =	vst v63  }
0x88: {  	_ =	swait.ge [sflag:s3], $0x4000  }
0x89: {  	[sflag:s3] =	ssyncset.done $0x0  }
0x8a: {  	[sflag:s3] =	ssyncadd.s32 $0xFFFFC000  }
0x8b: {  	_ =	sfence.sel $0x180000  }
0x8c: {  	[bflag:$0x0] =	sbarrier.arrive $0xFFFF  }
0x8d: {  	p0 =	sne.s32 s1, $0x0;
	_ =	strace $0x9000004D  }
0x8e: {  	s0 =	sadd.s32 @!p0 $0x100000, s0;
	[bflag:$0x2] =	sbarrier.arrive $0xFFFF  }
0x8f: {  	[sflag:s0] =	ssyncadd.tile.s32 @!p0 $0x1;
	_ =	shalt  }
.Lfunc_end2:
_tile_overlayer_lowered:
.L_overlay_start_2:
0x90: {  	(tag) =	ssettag $0x2  }
0x91: {  	s0 =	rddreg [dreg:$0x0];
	s2 =	stileid.u32  }
0x92: {  	s1 =	rddreg [dreg:$0x1];
	p0 =	sne.s32 s2, $0x0  }
0x93: {  	s3 =	rddreg [dreg:$0x2];
	[bflag:$0x3] =	sbarrier.arrive $0xFFFF;
	s2 =	simm.s32 @!p0 $0x1C03  }
0x94: {  	[timem:s3], [sflag:s2] =	dma.local @!p0 [hbm:s0], s1  }
0x95: {  	s0 =	simm.s32 @!p0 $0x3  }
0x96: {  	_ =	swait.ge @!p0 [sflag:s0], s1  }
0x97: {  	s1 =	ssub.s32 @!p0 $0x0, s1;
	[sflag:s0] =	ssyncset.done @!p0 $0x0  }
0x98: {  	[sflag:s0] =	ssyncadd.s32 @!p0 s1  }
0x99: {  	[bflag:$0x3] =	sbarrier.arrive $0xFFFF  }
0x9a: {  	_ =	shalt  }

// kernel: kernel.22.cloned.1.call-start
scs
__scs_entry_jumppad:
0x0: {  	(pc) =	sbr.rel $0x88, $3  }
0x1: {  	(tag) =	ssettag $0x0;
	lr =	simm.s32 $0x1  }
0x2: {  	[smem:$0x3F99] =	sst lr;
	_ =	strace $0xD0000000  }
0x3: {  	_ = 	snop  }
0x4: {  	_ = 	snop  }
0x5: {  	_ = 	snop  }
0x6: {  	_ = 	snop  }
0x7: {  	_ = 	snop  }
__scs_overlays_trampoline_lowered:
0x8: {  	[smem:$0x3FA8] =	sst s0  }
0x9: {  	[smem:$0x3FA9] =	sst s1  }
0xa: {  	[smem:$0x3FAA] =	sst s2  }
0xb: {  	[smem:$0x3FAB] =	sst s3  }
0xc: {  	[smem:$0x3FAC] =	sst s4  }
0xd: {  	[smem:$0x3FAD] =	sst s5  }
0xe: {  	[smem:$0x3FAE] =	sst s6  }
0xf: {  	[smem:$0x3FAF] =	sst s7  }
0x10: {  	[smem:$0x3FB0] =	sst s8  }
0x11: {  	[smem:$0x3FB1] =	sst s9;
	s0 =	simm.s32 @!p0 $0x0  }
0x12: {  	s1 =	sld [smem:$0x3F97];
	s0 =	simm.s32 @p0 $0x1  }
0x13: {  	[smem:$0x3FB2] =	sst s0;
	s0 =	simm.s32 @!p1 $0x0  }
0x14: {  	s2 =	sld [smem:$0x3F96];
	s0 =	simm.s32 @p1 $0x1  }
0x15: {  	[smem:$0x3FB3] =	sst s0;
	s0 =	simm.s32 @!p2 $0x0  }
0x16: {  	s3 =	sld [smem:$0x3FDB];
	s0 =	simm.s32 @p2 $0x1  }
0x17: {  	s4 =	simm.s32 $0x1BF5;
	[smem:$0x3FB5] =	sst s0  }
0x18: {  	s0 =	sld [smem:$0x3F98];
	_ =	swait.ge [sflag:s4], $0x0  }
0x19: {  	s7 =	sld [smem:$0x3F99]  }
0x1a: {  	s8 =	sadd.s32 $0xFFFFE003, lr  }
0x1b: {  	s9 =	sadd.s32 $0xFFFFFEF7, lr;
	s5 =	simm.s32 $0xFFFFFFFF;
	p2 =	slt.u32 s8, $0xFFFFF086  }
0x1c: {  	p1 =	slt.u32 s9, $0xF7A;
	s5 =	simm.s32 @!p2 $0x0  }
0x1d: {  	s5 =	simm.s32 @p1 $0x1;
	p0 =	seq.s32 s7, s2  }
0x1e: {  	s7 =	smul.u32 @!p0 $0xF7A, s2;
	p2 =	seq.s32 @!p0 s5, $0x0  }
0x1f: {  	s9 =	smul.u32 $0xF7A, s1;
	s8 =	simm.s32 @!p0 $0x1BF5;
	p2 =	por !p2, p0  }
0x20: {  	[sflag:s8] =	ssyncset.s32 @!p0 $0xFFFFF086;
	s6 =	sadd.s32 @!p0 s3, s7;
	s7 =	simm.s32 @!p0 $0x108  }
0x21: {  	s3 =	sadd.s32 s3, s9;
	s6 =	sadd.s32 @!p0 $0x88, s6;
	s7 =	simm.s32 @p2 $0x1082  }
0x22: {  	[simem:s7], [sflag:s8] =	dma.local @!p0 [hbm:s6], $0xF7A  }
0x23: {  	s9 =	sor.u32 $0xD0000000, s2;
	s6 =	simm.s32 $0x108;
	_ =	swait.ge @!p0 [sflag:s8], $0x0  }
0x24: {  	s3 =	sadd.s32 $0x88, s3;
	s6 =	simm.s32 @!p1 $0x1082;
	[sflag:s4] =	ssyncset.s32 $0xFFFFF086  }
0x25: {  	[simem:s6], [sflag:s4] =	dma.local [hbm:s3], $0xF7A  }
0x26: {  	[smem:$0x3F99] =	sst s1;
	(tag) =	ssettag s2;
	_ =	strace s9  }
0x27: {  	s1 =	sld [smem:$0x3FA9]  }
0x28: {  	s2 =	sld [smem:$0x3FAA]  }
0x29: {  	s4 =	sld [smem:$0x3FAC]  }
0x2a: {  	p0 =	seq.s32 s5, $0x0;
	s5 =	sld [smem:$0x3FAD]  }
0x2b: {  	s6 =	sld [smem:$0x3FAE]  }
0x2c: {  	s7 =	sld [smem:$0x3FAF]  }
0x2d: {  	s3 =	simm.s32 $0x108;
	s8 =	sld [smem:$0x3FB0]  }
0x2e: {  	s3 =	simm.s32 @!p0 $0x1082;
	s9 =	sld [smem:$0x3FB1]  }
0x2f: {  	lr =	sadd.s32 s0, s3;
	s0 =	sld [smem:$0x3FA8]  }
0x30: {  	s3 =	sld [smem:$0x3FAB]  }
0x31: {  	[smem:$0x3FB4] =	sst s10  }
0x32: {  	s10 =	sld [smem:$0x3FB2];
	_ =	sdelay $0x3  }
0x33: {  	p0 =	seq.s32 s10, $0x1;
	s10 =	sld [smem:$0x3FB4];
	_ =	sdelay $0x3  }
0x34: {  	[smem:$0x3FB4] =	sst s10  }
0x35: {  	s10 =	sld [smem:$0x3FB3];
	_ =	sdelay $0x3  }
0x36: {  	p1 =	seq.s32 s10, $0x1;
	s10 =	sld [smem:$0x3FB4];
	_ =	sdelay $0x3  }
0x37: {  	[smem:$0x3FB4] =	sst s10  }
0x38: {  	s10 =	sld [smem:$0x3FB5]  }
0x39: {  	_ = 	snop;
	(pc) =	sbr.ind lr, $3  }
0x3a: {  	_ = 	snop  }
0x3b: {  	_ = 	snop  }
0x3c: {  	p2 =	seq.s32 s10, $0x1;
	s10 =	sld [smem:$0x3FB4]  }
0x3d: {  	_ =	shalt  }
0x3e: {  	_ =	shalt  }
0x3f: {  	_ =	shalt  }
0x40: {  	_ =	shalt  }
0x41: {  	_ =	shalt  }
0x42: {  	_ =	shalt  }
0x43: {  	_ =	shalt  }
0x44: {  	_ =	shalt  }
0x45: {  	_ =	shalt  }
0x46: {  	_ =	shalt  }
0x47: {  	_ =	shalt  }
0x48: {  	_ =	shalt  }
0x49: {  	_ =	shalt  }
0x4a: {  	_ =	shalt  }
0x4b: {  	_ =	shalt  }
0x4c: {  	_ =	shalt  }
0x4d: {  	_ =	shalt  }
0x4e: {  	_ =	shalt  }
0x4f: {  	_ =	shalt  }
0x50: {  	_ =	shalt  }
0x51: {  	_ =	shalt  }
0x52: {  	_ =	shalt  }
0x53: {  	_ =	shalt  }
0x54: {  	_ =	shalt  }
0x55: {  	_ =	shalt  }
0x56: {  	_ =	shalt  }
0x57: {  	_ =	shalt  }
0x58: {  	_ =	shalt  }
0x59: {  	_ =	shalt  }
0x5a: {  	_ =	shalt  }
0x5b: {  	_ =	shalt  }
0x5c: {  	_ =	shalt  }
0x5d: {  	_ =	shalt  }
0x5e: {  	_ =	shalt  }
0x5f: {  	_ =	shalt  }
0x60: {  	_ =	shalt  }
0x61: {  	_ =	shalt  }
0x62: {  	_ =	shalt  }
0x63: {  	_ =	shalt  }
0x64: {  	_ =	shalt  }
0x65: {  	_ =	shalt  }
0x66: {  	_ =	shalt  }
0x67: {  	_ =	shalt  }
0x68: {  	_ =	shalt  }
0x69: {  	_ =	shalt  }
0x6a: {  	_ =	shalt  }
0x6b: {  	_ =	shalt  }
0x6c: {  	_ =	shalt  }
0x6d: {  	_ =	shalt  }
0x6e: {  	_ =	shalt  }
0x6f: {  	_ =	shalt  }
0x70: {  	_ =	shalt  }
0x71: {  	_ =	shalt  }
0x72: {  	_ =	shalt  }
0x73: {  	_ =	shalt  }
0x74: {  	_ =	shalt  }
0x75: {  	_ =	shalt  }
0x76: {  	_ =	shalt  }
0x77: {  	_ =	shalt  }
0x78: {  	_ =	shalt  }
0x79: {  	_ =	shalt  }
0x7a: {  	_ =	shalt  }
0x7b: {  	_ =	shalt  }
0x7c: {  	_ =	shalt  }
0x7d: {  	_ =	shalt  }
0x7e: {  	_ =	shalt  }
0x7f: {  	_ =	shalt  }
0x80: {  	_ =	shalt  }
0x81: {  	_ =	shalt  }
0x82: {  	_ =	shalt  }
0x83: {  	_ =	shalt  }
0x84: {  	_ =	shalt  }
0x85: {  	_ =	shalt  }
0x86: {  	_ =	shalt  }
0x87: {  	_ =	shalt  }
.Lfunc_end0:
.L_simem_size_0:
called_computation.3_lowered:
.L_overlay_start_0:
0x88: {  	s0 =	sld [smem:$0x3FD9]  }
0x89: {  	s1 =	sld [smem:$0x3FFE];
	_ =	sdelay $0x3  }
0x8a: {  	s0 =	sadd.s32 s1, s0  }
0x8b: {  	[smem:$0x3FC0] =	sst s0  }
0x8c: {  	_ = 	snop  }
0x8d: {  	s0 =	sld [smem:$0x3FD0];
	_ =	sdelay $0x2  }
0x8e: {  	s13 =	simm.s32 $0xE;
	s2 =	simm.s32 $0x10  }
0x8f: {  	[smem:s2], [sflag:s13] =	dma.local [hbm:s0], $0x1  }
0x90: {  	_ =	swait.eq [sflag:s13], $0x1  }
0x91: {  	[sflag:s13] =	ssyncset.done $0x0  }
0x92: {  	[sflag:s13] =	ssyncadd.s32 $0xFFFFFFFF  }
0x93: {  	s14 =	sld [smem:$0x10];
	(tm) =	ssettm $0x1  }
0x94: {  	s15 =	sld [smem:$0x3FFB];
	_ =	sdelay $0x3  }
0x95: {  	_ =	strace s15  }
0x96: {  	s1 =	sld [smem:$0x3FFC];
	_ =	sdelay $0x3  }
0x97: {  	_ =	strace s1  }
0x98: {  	s1 =	sld [smem:$0x3FFD];
	_ =	sdelay $0x3  }
0x99: {  	_ =	strace s1  }
0x9a: {  	_ =	strace $0x8FFFFFFF  }
0x9b: {  	s16 =	sld [smem:$0x3FDB];
	_ =	sdelay $0x1  }
0x9c: {  	s17 =	simm.s32 $_scs_section_size  }
0x9d: {  	s3 =	simm.s32 $_size__tile_overlayer_lowered;
	s4 =	simm.s32 $_tile_overlayer_lowered  }
0x9e: {  	s20 =	simm.s32 $0x1BFF;
	s19 =	sshll.u32 s4, $0x1;
	s1 =	sadd.s32 s17, s16  }
0x9f: {  	s5 =	simm.s32 $0x0;
	s18 =	sshll.u32 s3, $0x1;
	s3 =	sadd.s32 s19, s1  }
0xa0: {  	[timem:s5], [sflag:s20] =	dma.local [hbm:s3], s18  }
0xa1: {  	_ =	swait.ge [sflag:s20], s18  }
0xa2: {  	s2 =	ssub.s32 $0x0, s18;
	[sflag:s20] =	ssyncset.done $0x0  }
0xa3: {  	[sflag:s20] =	ssyncadd.s32 s2;
	_ =	sdelay $0x1  }
0xa4: {  	s21 =	simm.s32 $0x1B8B  }
0xa5: {  	_ =	swait.ge [sflag:s21], $0x1  }
0xa6: {  	[sflag:s21] =	ssyncset.done $0x0  }
0xa7: {  	s23 =	simm.s32 $0x1B8E;
	s22 =	sld [smem:$0x3FFE];
	[sflag:s21] =	ssyncadd.s32 $0xFFFFFFFF  }
0xa8: {  	s24 =	simm.s32 $execute0_lowered;
	[smem:$0x3FD2] =	sst s23  }
0xa9: {  	s3 =	sshll.u32 s24, $0x1;
	_ =	strace $0x80000049;
	[dreg:$0x1] =	wrdreg $0xFFFFFFFF  }
0xaa: {  	s25 =	simm.s32 $_size_execute0_lowered;
	s1 =	sadd.s32 s1, s3;
	[dreg:$0x0] =	wrdreg $0x0  }
0xab: {  	s3 =	sshll.u32 s25, $0x1;
	[dreg:$0x2] =	wrdreg s1  }
0xac: {  	[dreg:$0x3] =	wrdreg s3  }
0xad: {  	[dreg:$0x4] =	wrdreg $0xC0  }
0xae: {  	_ =	task [dreg:s5], $0x5FFFF  }
0xaf: {  	[dreg:$0x1] =	wrdreg $0xFFFFFFFF  }
0xb0: {  	[dreg:$0x0] =	wrdreg $0x60  }
0xb1: {  	[dreg:$0x2] =	wrdreg s14  }
0xb2: {  	[dreg:$0x3] =	wrdreg s22  }
0xb3: {  	[dreg:$0x4] =	wrdreg $0xC  }
0xb4: {  	_ =	task.clear_ibuf [dreg:s5], $0x5FFFF;
	_ =	strace $0x90000049  }
0xb5: {  	s26 =	simm.s32 $0xC;
	_ =	strace $0x8000004B  }
0xb6: {  	_ =	swait.ge [sflag:s26], $0x1  }
0xb7: {  	[sflag:s26] =	ssyncadd.s32 $0xFFFFFFFF  }
0xb8: {  	_ =	strace $0x9000004B  }
0xb9: {  	_ =	sfence  }
0xba: {  	s28 =	sld [smem:$0x0];
	_ =	sdelay $0x1  }
0xbb: {  	s29 =	srdreg.scid  }
0xbc: {  	s30 =	sshll.u32 s29, $0xD;
	s31 =	sshrl.u32 s29, $0x2  }
0xbd: {  	s2 =	sand.u32 $0x4000, s30;
	s1 =	sand.u32 $0x1, s29;
	s0 =	sadd.s32 s31, s28  }
0xbe: {  	s1 =	sor.u32 s2, s1;
	s0 =	sshll.u32 s0, $0x11  }
0xbf: {  	s0 =	sor.u32 s0, s1  }
0xc0: {  	s0 =	sadd.s32 $0x8F2B, s0  }
0xc1: {  	[sflag:s0] =	ssyncadd.remote.s32 $0x1  }
0xc2: {  	_ =	sfence.sel $0xFFFF  }
0xc3: {  	[dreg:$0x0] =	wrdreg $0xFFFFFFFF;
	(pc) =	sbr.abs _section_cstart, $3  }
0xc4: {  	[dreg:$0x1] =	wrdreg $0xFFFFFFFF  }
0xc5: {  	_ =	task.clear_ibuf [dreg:s5], $0x2FFFF;
	_ =	strace $0x9FFFFFFF  }
0xc6: {  	(tm) =	ssettm $0x7FFFFFFF  }
0xc7: {  	_ =	shalt  }
tec
execute0_lowered:
.L_overlay_start_1:
0x0: {  	(tag) =	ssettag $0x1  }
0x1: {  	s4 =	rddreg [dreg:$0x0];
	s1 =	stileid.u32  }
0x2: {  	s7 =	rddreg [dreg:$0x1];
	s2 =	simm.s32 $0x0;
	s3 =	sshll.u32 s1, $0x8  }
0x3: {  	[smem:$0x7FF] =	sst s2;
	s3 =	sadd.s32 s3, s7  }
0x4: {  	s0 =	rddreg [dreg:$0x2];
	_ =	strace $0x8000004A;
	s3 =	sadd.s32 $0x5600, s3  }
0x5: {  	[tilespmem:s2], [sflag:$0x3] =	stream.linear.gather [hbm4b:s3+s2], $0x800, $0x38;
	[tilespmem:$0x8800] =	vst v63  }
0x6: {  	s3 =	simm.s32 $0x3  }
0x7: {  	_ =	swait.ge [sflag:s3], $0x800  }
0x8: {  	[sflag:s3] =	ssyncset.done $0x0  }
0x9: {  	s8 =	simm.s32 $0x80;
	s6 =	simm.s32 $0x800;
	[sflag:s3] =	ssyncadd.s32 $0xFFFFF800  }
0xa: {  	[tilespmem:s6], [sflag:$0x1] =	stream.indirect.gather [hbm4b:s4+s8], $0x80, s2, s8, $0xb8;
	[tilespmem:$0x8800] =	vst v63  }
0xb: {  	s5 =	simm.s32 $0x4800;
	s9 =	simm.s32 $0x1  }
0xc: {  	[tilespmem:s5], [sflag:$0x2] =	stream.indirect.gather [hbm4b:s4+s8], $0x80, s8, s8, $0xb8;
	[tilespmem:$0x8800] =	vst v63  }
0xd: {  	s10 =	sshll.u32 s1, $0xF;
	_ =	swait.ge [sflag:s9], $0x4000  }
0xe: {  	s7 =	sadd.s32 s10, s7;
	[sflag:s9] =	ssyncset.done $0x0  }
0xf: {  	s7 =	sadd.s32 $0x88600, s7;
	[sflag:s9] =	ssyncadd.s32 $0xFFFFC000  }
0x10: {  	[hbm4b:s7+s2] =	stream.linear.scatter [tilespmem:s6], [sflag:$0x3], $0x4000, $0x38;
	[tilespmem:$0x8800] =	vst v63  }
0x11: {  	_ =	swait.ge [sflag:s3], $0x4000  }
0x12: {  	[sflag:s3] =	ssyncset.done $0x0  }
0x13: {  	s22 =	simm.s32 $0x100;
	s10 =	simm.s32 $0x2;
	[sflag:s3] =	ssyncadd.s32 $0xFFFFC000  }
0x14: {  	[tilespmem:s6], [sflag:$0x1] =	stream.indirect.gather [hbm4b:s4+s8], $0x80, s22, s8, $0xb8;
	[tilespmem:$0x8800] =	vst v63  }
0x15: {  	_ =	swait.ge [sflag:s10], $0x4000  }
0x16: {  	[sflag:s10] =	ssyncset.done $0x0  }
0x17: {  	s11 =	sadd.s32 $0x800, s7;
	[sflag:s10] =	ssyncadd.s32 $0xFFFFC000  }
0x18: {  	[hbm4b:s11+s2] =	stream.linear.scatter [tilespmem:s5], [sflag:$0x3], $0x4000, $0x38;
	[tilespmem:$0x8800] =	vst v63  }
0x19: {  	_ =	swait.ge [sflag:s3], $0x4000  }
0x1a: {  	[sflag:s3] =	ssyncset.done $0x0  }
0x1b: {  	s23 =	simm.s32 $0x180;
	[sflag:s3] =	ssyncadd.s32 $0xFFFFC000  }
0x1c: {  	[tilespmem:s5], [sflag:$0x2] =	stream.indirect.gather [hbm4b:s4+s8], $0x80, s23, s8, $0xb8;
	[tilespmem:$0x8800] =	vst v63  }
0x1d: {  	_ =	swait.ge [sflag:s9], $0x4000  }
0x1e: {  	[sflag:s9] =	ssyncset.done $0x0  }
0x1f: {  	s24 =	sadd.s32 $0x1000, s7;
	[sflag:s9] =	ssyncadd.s32 $0xFFFFC000  }
0x20: {  	[hbm4b:s24+s2] =	stream.linear.scatter [tilespmem:s6], [sflag:$0x3], $0x4000, $0x38;
	[tilespmem:$0x8800] =	vst v63  }
0x21: {  	_ =	swait.ge [sflag:s3], $0x4000  }
0x22: {  	[sflag:s3] =	ssyncset.done $0x0  }
0x23: {  	s25 =	simm.s32 $0x200;
	[sflag:s3] =	ssyncadd.s32 $0xFFFFC000  }
0x24: {  	[tilespmem:s6], [sflag:$0x1] =	stream.indirect.gather [hbm4b:s4+s8], $0x80, s25, s8, $0xb8;
	[tilespmem:$0x8800] =	vst v63  }
0x25: {  	_ =	swait.ge [sflag:s10], $0x4000  }
0x26: {  	[sflag:s10] =	ssyncset.done $0x0  }
0x27: {  	s26 =	sadd.s32 $0x1800, s7;
	[sflag:s10] =	ssyncadd.s32 $0xFFFFC000  }
0x28: {  	[hbm4b:s26+s2] =	stream.linear.scatter [tilespmem:s5], [sflag:$0x3], $0x4000, $0x38;
	[tilespmem:$0x8800] =	vst v63  }
0x29: {  	_ =	swait.ge [sflag:s3], $0x4000  }
0x2a: {  	[sflag:s3] =	ssyncset.done $0x0  }
0x2b: {  	s28 =	simm.s32 $0x280;
	[sflag:s3] =	ssyncadd.s32 $0xFFFFC000  }
0x2c: {  	[tilespmem:s5], [sflag:$0x2] =	stream.indirect.gather [hbm4b:s4+s8], $0x80, s28, s8, $0xb8;
	[tilespmem:$0x8800] =	vst v63  }
0x2d: {  	_ =	swait.ge [sflag:s9], $0x4000  }
0x2e: {  	[sflag:s9] =	ssyncset.done $0x0  }
0x2f: {  	s29 =	sadd.s32 $0x2000, s7;
	[sflag:s9] =	ssyncadd.s32 $0xFFFFC000  }
0x30: {  	[hbm4b:s29+s2] =	stream.linear.scatter [tilespmem:s6], [sflag:$0x3], $0x4000, $0x38;
	[tilespmem:$0x8800] =	vst v63  }
0x31: {  	_ =	swait.ge [sflag:s3], $0x4000  }
0x32: {  	[sflag:s3] =	ssyncset.done $0x0  }
0x33: {  	s30 =	simm.s32 $0x300;
	[sflag:s3] =	ssyncadd.s32 $0xFFFFC000  }
0x34: {  	[tilespmem:s6], [sflag:$0x1] =	stream.indirect.gather [hbm4b:s4+s8], $0x80, s30, s8, $0xb8;
	[tilespmem:$0x8800] =	vst v63  }
0x35: {  	_ =	swait.ge [sflag:s10], $0x4000  }
0x36: {  	[sflag:s10] =	ssyncset.done $0x0  }
0x37: {  	s31 =	sadd.s32 $0x2800, s7;
	[sflag:s10] =	ssyncadd.s32 $0xFFFFC000  }
0x38: {  	[hbm4b:s31+s2] =	stream.linear.scatter [tilespmem:s5], [sflag:$0x3], $0x4000, $0x38;
	[tilespmem:$0x8800] =	vst v63  }
0x39: {  	_ =	swait.ge [sflag:s3], $0x4000  }
0x3a: {  	[sflag:s3] =	ssyncset.done $0x0  }
0x3b: {  	s12 =	simm.s32 $0x380;
	[sflag:s3] =	ssyncadd.s32 $0xFFFFC000  }
0x3c: {  	[tilespmem:s5], [sflag:$0x2] =	stream.indirect.gather [hbm4b:s4+s8], $0x80, s12, s8, $0xb8;
	[tilespmem:$0x8800] =	vst v63  }
0x3d: {  	_ =	swait.ge [sflag:s9], $0x4000  }
0x3e: {  	[sflag:s9] =	ssyncset.done $0x0  }
0x3f: {  	s13 =	sadd.s32 $0x3000, s7;
	[sflag:s9] =	ssyncadd.s32 $0xFFFFC000  }
0x40: {  	[hbm4b:s13+s2] =	stream.linear.scatter [tilespmem:s6], [sflag:$0x3], $0x4000, $0x38;
	[tilespmem:$0x8800] =	vst v63  }
0x41: {  	_ =	swait.ge [sflag:s3], $0x4000  }
0x42: {  	[sflag:s3] =	ssyncset.done $0x0  }
0x43: {  	s14 =	simm.s32 $0x400;
	[sflag:s3] =	ssyncadd.s32 $0xFFFFC000  }
0x44: {  	[tilespmem:s6], [sflag:$0x1] =	stream.indirect.gather [hbm4b:s4+s8], $0x80, s14, s8, $0xb8;
	[tilespmem:$0x8800] =	vst v63  }
0x45: {  	_ =	swait.ge [sflag:s10], $0x4000  }
0x46: {  	[sflag:s10] =	ssyncset.done $0x0  }
0x47: {  	s15 =	sadd.s32 $0x3800, s7;
	[sflag:s10] =	ssyncadd.s32 $0xFFFFC000  }
0x48: {  	[hbm4b:s15+s2] =	stream.linear.scatter [tilespmem:s5], [sflag:$0x3], $0x4000, $0x38;
	[tilespmem:$0x8800] =	vst v63  }
0x49: {  	_ =	swait.ge [sflag:s3], $0x4000  }
0x4a: {  	[sflag:s3] =	ssyncset.done $0x0  }
0x4b: {  	s16 =	simm.s32 $0x480;
	[sflag:s3] =	ssyncadd.s32 $0xFFFFC000  }
0x4c: {  	[tilespmem:s5], [sflag:$0x2] =	stream.indirect.gather [hbm4b:s4+s8], $0x80, s16, s8, $0xb8;
	[tilespmem:$0x8800] =	vst v63  }
0x4d: {  	_ =	swait.ge [sflag:s9], $0x4000  }
0x4e: {  	[sflag:s9] =	ssyncset.done $0x0  }
0x4f: {  	s17 =	sadd.s32 $0x4000, s7;
	[sflag:s9] =	ssyncadd.s32 $0xFFFFC000  }
0x50: {  	[hbm4b:s17+s2] =	stream.linear.scatter [tilespmem:s6], [sflag:$0x3], $0x4000, $0x38;
	[tilespmem:$0x8800] =	vst v63  }
0x51: {  	_ =	swait.ge [sflag:s3], $0x4000  }
0x52: {  	[sflag:s3] =	ssyncset.done $0x0  }
0x53: {  	s18 =	simm.s32 $0x500;
	[sflag:s3] =	ssyncadd.s32 $0xFFFFC000  }
0x54: {  	[tilespmem:s6], [sflag:$0x1] =	stream.indirect.gather [hbm4b:s4+s8], $0x80, s18, s8, $0xb8;
	[tilespmem:$0x8800] =	vst v63  }
0x55: {  	_ =	swait.ge [sflag:s10], $0x4000  }
0x56: {  	[sflag:s10] =	ssyncset.done $0x0  }
0x57: {  	s19 =	sadd.s32 $0x4800, s7;
	[sflag:s10] =	ssyncadd.s32 $0xFFFFC000  }
0x58: {  	[hbm4b:s19+s2] =	stream.linear.scatter [tilespmem:s5], [sflag:$0x3], $0x4000, $0x38;
	[tilespmem:$0x8800] =	vst v63  }
0x59: {  	_ =	swait.ge [sflag:s3], $0x4000  }
0x5a: {  	[sflag:s3] =	ssyncset.done $0x0  }
0x5b: {  	s20 =	simm.s32 $0x580;
	[sflag:s3] =	ssyncadd.s32 $0xFFFFC000  }
0x5c: {  	[tilespmem:s5], [sflag:$0x2] =	stream.indirect.gather [hbm4b:s4+s8], $0x80, s20, s8, $0xb8;
	[tilespmem:$0x8800] =	vst v63  }
0x5d: {  	_ =	swait.ge [sflag:s9], $0x4000  }
0x5e: {  	[sflag:s9] =	ssyncset.done $0x0  }
0x5f: {  	s21 =	sadd.s32 $0x5000, s7;
	[sflag:s9] =	ssyncadd.s32 $0xFFFFC000  }
0x60: {  	[hbm4b:s21+s2] =	stream.linear.scatter [tilespmem:s6], [sflag:$0x3], $0x4000, $0x38;
	[tilespmem:$0x8800] =	vst v63  }
0x61: {  	_ =	swait.ge [sflag:s3], $0x4000  }
0x62: {  	[sflag:s3] =	ssyncset.done $0x0  }
0x63: {  	s22 =	simm.s32 $0x600;
	[sflag:s3] =	ssyncadd.s32 $0xFFFFC000  }
0x64: {  	[tilespmem:s6], [sflag:$0x1] =	stream.indirect.gather [hbm4b:s4+s8], $0x80, s22, s8, $0xb8;
	[tilespmem:$0x8800] =	vst v63  }
0x65: {  	_ =	swait.ge [sflag:s10], $0x4000  }
0x66: {  	[sflag:s10] =	ssyncset.done $0x0  }
0x67: {  	s23 =	sadd.s32 $0x5800, s7;
	[sflag:s10] =	ssyncadd.s32 $0xFFFFC000  }
0x68: {  	[hbm4b:s23+s2] =	stream.linear.scatter [tilespmem:s5], [sflag:$0x3], $0x4000, $0x38;
	[tilespmem:$0x8800] =	vst v63  }
0x69: {  	_ =	swait.ge [sflag:s3], $0x4000  }
0x6a: {  	[sflag:s3] =	ssyncset.done $0x0  }
0x6b: {  	s24 =	simm.s32 $0x680;
	[sflag:s3] =	ssyncadd.s32 $0xFFFFC000  }
0x6c: {  	[tilespmem:s5], [sflag:$0x2] =	stream.indirect.gather [hbm4b:s4+s8], $0x80, s24, s8, $0xb8;
	[tilespmem:$0x8800] =	vst v63  }
0x6d: {  	_ =	swait.ge [sflag:s9], $0x4000  }
0x6e: {  	[sflag:s9] =	ssyncset.done $0x0  }
0x6f: {  	s25 =	sadd.s32 $0x6000, s7;
	[sflag:s9] =	ssyncadd.s32 $0xFFFFC000  }
0x70: {  	[hbm4b:s25+s2] =	stream.linear.scatter [tilespmem:s6], [sflag:$0x3], $0x4000, $0x38;
	[tilespmem:$0x8800] =	vst v63  }
0x71: {  	_ =	swait.ge [sflag:s3], $0x4000  }
0x72: {  	[sflag:s3] =	ssyncset.done $0x0  }
0x73: {  	s26 =	simm.s32 $0x700;
	[sflag:s3] =	ssyncadd.s32 $0xFFFFC000  }
0x74: {  	[tilespmem:s6], [sflag:$0x1] =	stream.indirect.gather [hbm4b:s4+s8], $0x80, s26, s8, $0xb8;
	[tilespmem:$0x8800] =	vst v63  }
0x75: {  	_ =	swait.ge [sflag:s10], $0x4000  }
0x76: {  	[sflag:s10] =	ssyncset.done $0x0  }
0x77: {  	s28 =	sadd.s32 $0x6800, s7;
	[sflag:s10] =	ssyncadd.s32 $0xFFFFC000  }
0x78: {  	[hbm4b:s28+s2] =	stream.linear.scatter [tilespmem:s5], [sflag:$0x3], $0x4000, $0x38;
	[tilespmem:$0x8800] =	vst v63  }
0x79: {  	_ =	swait.ge [sflag:s3], $0x4000  }
0x7a: {  	[sflag:s3] =	ssyncset.done $0x0  }
0x7b: {  	s29 =	simm.s32 $0x780;
	[sflag:s3] =	ssyncadd.s32 $0xFFFFC000  }
0x7c: {  	[tilespmem:s5], [sflag:$0x2] =	stream.indirect.gather [hbm4b:s4+s8], $0x80, s29, s8, $0xb8;
	[tilespmem:$0x8800] =	vst v63  }
0x7d: {  	_ =	swait.ge [sflag:s9], $0x4000  }
0x7e: {  	[sflag:s9] =	ssyncset.done $0x0  }
0x7f: {  	s30 =	sadd.s32 $0x7000, s7;
	[sflag:s9] =	ssyncadd.s32 $0xFFFFC000  }
0x80: {  	[hbm4b:s30+s2] =	stream.linear.scatter [tilespmem:s6], [sflag:$0x3], $0x4000, $0x38;
	[tilespmem:$0x8800] =	vst v63  }
0x81: {  	_ =	swait.ge [sflag:s3], $0x4000  }
0x82: {  	[sflag:s3] =	ssyncset.done $0x0  }
0x83: {  	[sflag:s3] =	ssyncadd.s32 $0xFFFFC000  }
0x84: {  	_ =	swait.ge [sflag:s10], $0x4000  }
0x85: {  	[sflag:s10] =	ssyncset.done $0x0  }
0x86: {  	s31 =	sadd.s32 $0x7800, s7;
	[sflag:s10] =	ssyncadd.s32 $0xFFFFC000  }
0x87: {  	[hbm4b:s31+s2] =	stream.linear.scatter [tilespmem:s5], [sflag:$0x3], $0x4000, $0x38;
	[tilespmem:$0x8800] =	vst v63  }
0x88: {  	_ =	swait.ge [sflag:s3], $0x4000  }
0x89: {  	[sflag:s3] =	ssyncset.done $0x0  }
0x8a: {  	[sflag:s3] =	ssyncadd.s32 $0xFFFFC000  }
0x8b: {  	_ =	sfence.sel $0x180000  }
0x8c: {  	[bflag:$0x0] =	sbarrier.arrive $0xFFFF  }
0x8d: {  	p0 =	sne.s32 s1, $0x0;
	_ =	strace $0x9000004A  }
0x8e: {  	s0 =	sadd.s32 @!p0 $0x100000, s0;
	[bflag:$0x2] =	sbarrier.arrive $0xFFFF  }
0x8f: {  	[sflag:s0] =	ssyncadd.tile.s32 @!p0 $0x1;
	_ =	shalt  }
.Lfunc_end2:
_tile_overlayer_lowered:
.L_overlay_start_2:
0x90: {  	(tag) =	ssettag $0x2  }
0x91: {  	s0 =	rddreg [dreg:$0x0];
	s2 =	stileid.u32  }
0x92: {  	s1 =	rddreg [dreg:$0x1];
	p0 =	sne.s32 s2, $0x0  }
0x93: {  	s3 =	rddreg [dreg:$0x2];
	[bflag:$0x3] =	sbarrier.arrive $0xFFFF;
	s2 =	simm.s32 @!p0 $0x1C03  }
0x94: {  	[timem:s3], [sflag:s2] =	dma.local @!p0 [hbm:s0], s1  }
0x95: {  	s0 =	simm.s32 @!p0 $0x3  }
0x96: {  	_ =	swait.ge @!p0 [sflag:s0], s1  }
0x97: {  	s1 =	ssub.s32 @!p0 $0x0, s1;
	[sflag:s0] =	ssyncset.done @!p0 $0x0  }
0x98: {  	[sflag:s0] =	ssyncadd.s32 @!p0 s1  }
0x99: {  	[bflag:$0x3] =	sbarrier.arrive $0xFFFF  }
0x9a: {  	_ =	shalt  }

// kernel: kernel.25.cloned.1.call-start
scs
__scs_entry_jumppad:
0x0: {  	(pc) =	sbr.rel $0x88, $3  }
0x1: {  	(tag) =	ssettag $0x0;
	lr =	simm.s32 $0x1  }
0x2: {  	[smem:$0x3F99] =	sst lr;
	_ =	strace $0xD0000000  }
0x3: {  	_ = 	snop  }
0x4: {  	_ = 	snop  }
0x5: {  	_ = 	snop  }
0x6: {  	_ = 	snop  }
0x7: {  	_ = 	snop  }
__scs_overlays_trampoline_lowered:
0x8: {  	[smem:$0x3FA8] =	sst s0  }
0x9: {  	[smem:$0x3FA9] =	sst s1  }
0xa: {  	[smem:$0x3FAA] =	sst s2  }
0xb: {  	[smem:$0x3FAB] =	sst s3  }
0xc: {  	[smem:$0x3FAC] =	sst s4  }
0xd: {  	[smem:$0x3FAD] =	sst s5  }
0xe: {  	[smem:$0x3FAE] =	sst s6  }
0xf: {  	[smem:$0x3FAF] =	sst s7  }
0x10: {  	[smem:$0x3FB0] =	sst s8  }
0x11: {  	[smem:$0x3FB1] =	sst s9;
	s0 =	simm.s32 @!p0 $0x0  }
0x12: {  	s1 =	sld [smem:$0x3F97];
	s0 =	simm.s32 @p0 $0x1  }
0x13: {  	[smem:$0x3FB2] =	sst s0;
	s0 =	simm.s32 @!p1 $0x0  }
0x14: {  	s2 =	sld [smem:$0x3F96];
	s0 =	simm.s32 @p1 $0x1  }
0x15: {  	[smem:$0x3FB3] =	sst s0;
	s0 =	simm.s32 @!p2 $0x0  }
0x16: {  	s3 =	sld [smem:$0x3FDB];
	s0 =	simm.s32 @p2 $0x1  }
0x17: {  	s4 =	simm.s32 $0x1BF5;
	[smem:$0x3FB5] =	sst s0  }
0x18: {  	s0 =	sld [smem:$0x3F98];
	_ =	swait.ge [sflag:s4], $0x0  }
0x19: {  	s7 =	sld [smem:$0x3F99]  }
0x1a: {  	s8 =	sadd.s32 $0xFFFFE003, lr  }
0x1b: {  	s9 =	sadd.s32 $0xFFFFFEF7, lr;
	s5 =	simm.s32 $0xFFFFFFFF;
	p2 =	slt.u32 s8, $0xFFFFF086  }
0x1c: {  	p1 =	slt.u32 s9, $0xF7A;
	s5 =	simm.s32 @!p2 $0x0  }
0x1d: {  	s5 =	simm.s32 @p1 $0x1;
	p0 =	seq.s32 s7, s2  }
0x1e: {  	s7 =	smul.u32 @!p0 $0xF7A, s2;
	p2 =	seq.s32 @!p0 s5, $0x0  }
0x1f: {  	s9 =	smul.u32 $0xF7A, s1;
	s8 =	simm.s32 @!p0 $0x1BF5;
	p2 =	por !p2, p0  }
0x20: {  	[sflag:s8] =	ssyncset.s32 @!p0 $0xFFFFF086;
	s6 =	sadd.s32 @!p0 s3, s7;
	s7 =	simm.s32 @!p0 $0x108  }
0x21: {  	s3 =	sadd.s32 s3, s9;
	s6 =	sadd.s32 @!p0 $0x88, s6;
	s7 =	simm.s32 @p2 $0x1082  }
0x22: {  	[simem:s7], [sflag:s8] =	dma.local @!p0 [hbm:s6], $0xF7A  }
0x23: {  	s9 =	sor.u32 $0xD0000000, s2;
	s6 =	simm.s32 $0x108;
	_ =	swait.ge @!p0 [sflag:s8], $0x0  }
0x24: {  	s3 =	sadd.s32 $0x88, s3;
	s6 =	simm.s32 @!p1 $0x1082;
	[sflag:s4] =	ssyncset.s32 $0xFFFFF086  }
0x25: {  	[simem:s6], [sflag:s4] =	dma.local [hbm:s3], $0xF7A  }
0x26: {  	[smem:$0x3F99] =	sst s1;
	(tag) =	ssettag s2;
	_ =	strace s9  }
0x27: {  	s1 =	sld [smem:$0x3FA9]  }
0x28: {  	s2 =	sld [smem:$0x3FAA]  }
0x29: {  	s4 =	sld [smem:$0x3FAC]  }
0x2a: {  	p0 =	seq.s32 s5, $0x0;
	s5 =	sld [smem:$0x3FAD]  }
0x2b: {  	s6 =	sld [smem:$0x3FAE]  }
0x2c: {  	s7 =	sld [smem:$0x3FAF]  }
0x2d: {  	s3 =	simm.s32 $0x108;
	s8 =	sld [smem:$0x3FB0]  }
0x2e: {  	s3 =	simm.s32 @!p0 $0x1082;
	s9 =	sld [smem:$0x3FB1]  }
0x2f: {  	lr =	sadd.s32 s0, s3;
	s0 =	sld [smem:$0x3FA8]  }
0x30: {  	s3 =	sld [smem:$0x3FAB]  }
0x31: {  	[smem:$0x3FB4] =	sst s10  }
0x32: {  	s10 =	sld [smem:$0x3FB2];
	_ =	sdelay $0x3  }
0x33: {  	p0 =	seq.s32 s10, $0x1;
	s10 =	sld [smem:$0x3FB4];
	_ =	sdelay $0x3  }
0x34: {  	[smem:$0x3FB4] =	sst s10  }
0x35: {  	s10 =	sld [smem:$0x3FB3];
	_ =	sdelay $0x3  }
0x36: {  	p1 =	seq.s32 s10, $0x1;
	s10 =	sld [smem:$0x3FB4];
	_ =	sdelay $0x3  }
0x37: {  	[smem:$0x3FB4] =	sst s10  }
0x38: {  	s10 =	sld [smem:$0x3FB5]  }
0x39: {  	_ = 	snop;
	(pc) =	sbr.ind lr, $3  }
0x3a: {  	_ = 	snop  }
0x3b: {  	_ = 	snop  }
0x3c: {  	p2 =	seq.s32 s10, $0x1;
	s10 =	sld [smem:$0x3FB4]  }
0x3d: {  	_ =	shalt  }
0x3e: {  	_ =	shalt  }
0x3f: {  	_ =	shalt  }
0x40: {  	_ =	shalt  }
0x41: {  	_ =	shalt  }
0x42: {  	_ =	shalt  }
0x43: {  	_ =	shalt  }
0x44: {  	_ =	shalt  }
0x45: {  	_ =	shalt  }
0x46: {  	_ =	shalt  }
0x47: {  	_ =	shalt  }
0x48: {  	_ =	shalt  }
0x49: {  	_ =	shalt  }
0x4a: {  	_ =	shalt  }
0x4b: {  	_ =	shalt  }
0x4c: {  	_ =	shalt  }
0x4d: {  	_ =	shalt  }
0x4e: {  	_ =	shalt  }
0x4f: {  	_ =	shalt  }
0x50: {  	_ =	shalt  }
0x51: {  	_ =	shalt  }
0x52: {  	_ =	shalt  }
0x53: {  	_ =	shalt  }
0x54: {  	_ =	shalt  }
0x55: {  	_ =	shalt  }
0x56: {  	_ =	shalt  }
0x57: {  	_ =	shalt  }
0x58: {  	_ =	shalt  }
0x59: {  	_ =	shalt  }
0x5a: {  	_ =	shalt  }
0x5b: {  	_ =	shalt  }
0x5c: {  	_ =	shalt  }
0x5d: {  	_ =	shalt  }
0x5e: {  	_ =	shalt  }
0x5f: {  	_ =	shalt  }
0x60: {  	_ =	shalt  }
0x61: {  	_ =	shalt  }
0x62: {  	_ =	shalt  }
0x63: {  	_ =	shalt  }
0x64: {  	_ =	shalt  }
0x65: {  	_ =	shalt  }
0x66: {  	_ =	shalt  }
0x67: {  	_ =	shalt  }
0x68: {  	_ =	shalt  }
0x69: {  	_ =	shalt  }
0x6a: {  	_ =	shalt  }
0x6b: {  	_ =	shalt  }
0x6c: {  	_ =	shalt  }
0x6d: {  	_ =	shalt  }
0x6e: {  	_ =	shalt  }
0x6f: {  	_ =	shalt  }
0x70: {  	_ =	shalt  }
0x71: {  	_ =	shalt  }
0x72: {  	_ =	shalt  }
0x73: {  	_ =	shalt  }
0x74: {  	_ =	shalt  }
0x75: {  	_ =	shalt  }
0x76: {  	_ =	shalt  }
0x77: {  	_ =	shalt  }
0x78: {  	_ =	shalt  }
0x79: {  	_ =	shalt  }
0x7a: {  	_ =	shalt  }
0x7b: {  	_ =	shalt  }
0x7c: {  	_ =	shalt  }
0x7d: {  	_ =	shalt  }
0x7e: {  	_ =	shalt  }
0x7f: {  	_ =	shalt  }
0x80: {  	_ =	shalt  }
0x81: {  	_ =	shalt  }
0x82: {  	_ =	shalt  }
0x83: {  	_ =	shalt  }
0x84: {  	_ =	shalt  }
0x85: {  	_ =	shalt  }
0x86: {  	_ =	shalt  }
0x87: {  	_ =	shalt  }
.Lfunc_end0:
.L_simem_size_0:
called_computation.4_lowered:
.L_overlay_start_0:
0x88: {  	s0 =	sld [smem:$0x3FD9]  }
0x89: {  	s1 =	sld [smem:$0x3FFE];
	_ =	sdelay $0x3  }
0x8a: {  	s0 =	sadd.s32 s1, s0  }
0x8b: {  	[smem:$0x3FC0] =	sst s0  }
0x8c: {  	_ = 	snop  }
0x8d: {  	s0 =	sld [smem:$0x3FD0];
	_ =	sdelay $0x2  }
0x8e: {  	s13 =	simm.s32 $0xE;
	s2 =	simm.s32 $0x10  }
0x8f: {  	[smem:s2], [sflag:s13] =	dma.local [hbm:s0], $0x1  }
0x90: {  	_ =	swait.eq [sflag:s13], $0x1  }
0x91: {  	[sflag:s13] =	ssyncset.done $0x0  }
0x92: {  	[sflag:s13] =	ssyncadd.s32 $0xFFFFFFFF  }
0x93: {  	s14 =	sld [smem:$0x10];
	(tm) =	ssettm $0x1  }
0x94: {  	s15 =	sld [smem:$0x3FFB];
	_ =	sdelay $0x3  }
0x95: {  	_ =	strace s15  }
0x96: {  	s1 =	sld [smem:$0x3FFC];
	_ =	sdelay $0x3  }
0x97: {  	_ =	strace s1  }
0x98: {  	s1 =	sld [smem:$0x3FFD];
	_ =	sdelay $0x3  }
0x99: {  	_ =	strace s1  }
0x9a: {  	_ =	strace $0x8FFFFFFF  }
0x9b: {  	s16 =	sld [smem:$0x3FDB];
	_ =	sdelay $0x1  }
0x9c: {  	s17 =	simm.s32 $_scs_section_size  }
0x9d: {  	s3 =	simm.s32 $_size__tile_overlayer_lowered;
	s4 =	simm.s32 $_tile_overlayer_lowered  }
0x9e: {  	s20 =	simm.s32 $0x1BFF;
	s19 =	sshll.u32 s4, $0x1;
	s1 =	sadd.s32 s17, s16  }
0x9f: {  	s5 =	simm.s32 $0x0;
	s18 =	sshll.u32 s3, $0x1;
	s3 =	sadd.s32 s19, s1  }
0xa0: {  	[timem:s5], [sflag:s20] =	dma.local [hbm:s3], s18  }
0xa1: {  	_ =	swait.ge [sflag:s20], s18  }
0xa2: {  	s2 =	ssub.s32 $0x0, s18;
	[sflag:s20] =	ssyncset.done $0x0  }
0xa3: {  	[sflag:s20] =	ssyncadd.s32 s2;
	_ =	sdelay $0x1  }
0xa4: {  	s21 =	simm.s32 $0x1B8B  }
0xa5: {  	_ =	swait.ge [sflag:s21], $0x1  }
0xa6: {  	[sflag:s21] =	ssyncset.done $0x0  }
0xa7: {  	s23 =	simm.s32 $0x1B8E;
	s22 =	sld [smem:$0x3FFE];
	[sflag:s21] =	ssyncadd.s32 $0xFFFFFFFF  }
0xa8: {  	s24 =	simm.s32 $execute0_lowered;
	[smem:$0x3FD2] =	sst s23  }
0xa9: {  	s3 =	sshll.u32 s24, $0x1;
	_ =	strace $0x80000046;
	[dreg:$0x1] =	wrdreg $0xFFFFFFFF  }
0xaa: {  	s25 =	simm.s32 $_size_execute0_lowered;
	s1 =	sadd.s32 s1, s3;
	[dreg:$0x0] =	wrdreg $0x0  }
0xab: {  	s3 =	sshll.u32 s25, $0x1;
	[dreg:$0x2] =	wrdreg s1  }
0xac: {  	[dreg:$0x3] =	wrdreg s3  }
0xad: {  	[dreg:$0x4] =	wrdreg $0xC0  }
0xae: {  	_ =	task [dreg:s5], $0x5FFFF  }
0xaf: {  	[dreg:$0x1] =	wrdreg $0xFFFFFFFF  }
0xb0: {  	[dreg:$0x0] =	wrdreg $0x60  }
0xb1: {  	[dreg:$0x2] =	wrdreg s14  }
0xb2: {  	[dreg:$0x3] =	wrdreg s22  }
0xb3: {  	[dreg:$0x4] =	wrdreg $0xD  }
0xb4: {  	_ =	task.clear_ibuf [dreg:s5], $0x5FFFF;
	_ =	strace $0x90000046  }
0xb5: {  	s26 =	simm.s32 $0xD;
	_ =	strace $0x80000048  }
0xb6: {  	_ =	swait.ge [sflag:s26], $0x1  }
0xb7: {  	[sflag:s26] =	ssyncadd.s32 $0xFFFFFFFF  }
0xb8: {  	_ =	strace $0x90000048  }
0xb9: {  	_ =	sfence  }
0xba: {  	s28 =	sld [smem:$0x0];
	_ =	sdelay $0x1  }
0xbb: {  	s29 =	srdreg.scid  }
0xbc: {  	s30 =	sshll.u32 s29, $0xD;
	s31 =	sshrl.u32 s29, $0x2  }
0xbd: {  	s2 =	sand.u32 $0x4000, s30;
	s1 =	sand.u32 $0x1, s29;
	s0 =	sadd.s32 s31, s28  }
0xbe: {  	s1 =	sor.u32 s2, s1;
	s0 =	sshll.u32 s0, $0x11  }
0xbf: {  	s0 =	sor.u32 s0, s1  }
0xc0: {  	s0 =	sadd.s32 $0x8F2B, s0  }
0xc1: {  	[sflag:s0] =	ssyncadd.remote.s32 $0x1  }
0xc2: {  	_ =	sfence.sel $0xFFFF  }
0xc3: {  	[dreg:$0x0] =	wrdreg $0xFFFFFFFF;
	(pc) =	sbr.abs _section_cstart, $3  }
0xc4: {  	[dreg:$0x1] =	wrdreg $0xFFFFFFFF  }
0xc5: {  	_ =	task.clear_ibuf [dreg:s5], $0x2FFFF;
	_ =	strace $0x9FFFFFFF  }
0xc6: {  	(tm) =	ssettm $0x7FFFFFFF  }
0xc7: {  	_ =	shalt  }
tec
execute0_lowered:
.L_overlay_start_1:
0x0: {  	(tag) =	ssettag $0x1  }
0x1: {  	s4 =	rddreg [dreg:$0x0];
	s1 =	stileid.u32  }
0x2: {  	s7 =	rddreg [dreg:$0x1];
	s2 =	simm.s32 $0x0;
	s3 =	sshll.u32 s1, $0x8  }
0x3: {  	[smem:$0x7FF] =	sst s2;
	s3 =	sadd.s32 s3, s7  }
0x4: {  	s0 =	rddreg [dreg:$0x2];
	_ =	strace $0x80000047;
	s3 =	sadd.s32 $0x4600, s3  }
0x5: {  	[tilespmem:s2], [sflag:$0x3] =	stream.linear.gather [hbm4b:s3+s2], $0x800, $0x38;
	[tilespmem:$0x8800] =	vst v63  }
0x6: {  	s3 =	simm.s32 $0x3  }
0x7: {  	_ =	swait.ge [sflag:s3], $0x800  }
0x8: {  	[sflag:s3] =	ssyncset.done $0x0  }
0x9: {  	s8 =	simm.s32 $0x80;
	s6 =	simm.s32 $0x800;
	[sflag:s3] =	ssyncadd.s32 $0xFFFFF800  }
0xa: {  	[tilespmem:s6], [sflag:$0x1] =	stream.indirect.gather [hbm4b:s4+s8], $0x80, s2, s8, $0xb8;
	[tilespmem:$0x8800] =	vst v63  }
0xb: {  	s5 =	simm.s32 $0x4800;
	s9 =	simm.s32 $0x1  }
0xc: {  	[tilespmem:s5], [sflag:$0x2] =	stream.indirect.gather [hbm4b:s4+s8], $0x80, s8, s8, $0xb8;
	[tilespmem:$0x8800] =	vst v63  }
0xd: {  	s10 =	sshll.u32 s1, $0xF;
	_ =	swait.ge [sflag:s9], $0x4000  }
0xe: {  	s7 =	sadd.s32 s10, s7;
	[sflag:s9] =	ssyncset.done $0x0  }
0xf: {  	s10 =	sadd.s32 $0x8600, s7;
	[sflag:s9] =	ssyncadd.s32 $0xFFFFC000  }
0x10: {  	[hbm4b:s10+s2] =	stream.linear.scatter [tilespmem:s6], [sflag:$0x3], $0x4000, $0x38;
	[tilespmem:$0x8800] =	vst v63  }
0x11: {  	_ =	swait.ge [sflag:s3], $0x4000  }
0x12: {  	[sflag:s3] =	ssyncset.done $0x0  }
0x13: {  	s22 =	simm.s32 $0x100;
	s10 =	simm.s32 $0x2;
	[sflag:s3] =	ssyncadd.s32 $0xFFFFC000  }
0x14: {  	[tilespmem:s6], [sflag:$0x1] =	stream.indirect.gather [hbm4b:s4+s8], $0x80, s22, s8, $0xb8;
	[tilespmem:$0x8800] =	vst v63  }
0x15: {  	_ =	swait.ge [sflag:s10], $0x4000  }
0x16: {  	[sflag:s10] =	ssyncset.done $0x0  }
0x17: {  	s11 =	sadd.s32 $0x8E00, s7;
	[sflag:s10] =	ssyncadd.s32 $0xFFFFC000  }
0x18: {  	[hbm4b:s11+s2] =	stream.linear.scatter [tilespmem:s5], [sflag:$0x3], $0x4000, $0x38;
	[tilespmem:$0x8800] =	vst v63  }
0x19: {  	_ =	swait.ge [sflag:s3], $0x4000  }
0x1a: {  	[sflag:s3] =	ssyncset.done $0x0  }
0x1b: {  	s23 =	simm.s32 $0x180;
	[sflag:s3] =	ssyncadd.s32 $0xFFFFC000  }
0x1c: {  	[tilespmem:s5], [sflag:$0x2] =	stream.indirect.gather [hbm4b:s4+s8], $0x80, s23, s8, $0xb8;
	[tilespmem:$0x8800] =	vst v63  }
0x1d: {  	_ =	swait.ge [sflag:s9], $0x4000  }
0x1e: {  	[sflag:s9] =	ssyncset.done $0x0  }
0x1f: {  	s24 =	sadd.s32 $0x9600, s7;
	[sflag:s9] =	ssyncadd.s32 $0xFFFFC000  }
0x20: {  	[hbm4b:s24+s2] =	stream.linear.scatter [tilespmem:s6], [sflag:$0x3], $0x4000, $0x38;
	[tilespmem:$0x8800] =	vst v63  }
0x21: {  	_ =	swait.ge [sflag:s3], $0x4000  }
0x22: {  	[sflag:s3] =	ssyncset.done $0x0  }
0x23: {  	s25 =	simm.s32 $0x200;
	[sflag:s3] =	ssyncadd.s32 $0xFFFFC000  }
0x24: {  	[tilespmem:s6], [sflag:$0x1] =	stream.indirect.gather [hbm4b:s4+s8], $0x80, s25, s8, $0xb8;
	[tilespmem:$0x8800] =	vst v63  }
0x25: {  	_ =	swait.ge [sflag:s10], $0x4000  }
0x26: {  	[sflag:s10] =	ssyncset.done $0x0  }
0x27: {  	s26 =	sadd.s32 $0x9E00, s7;
	[sflag:s10] =	ssyncadd.s32 $0xFFFFC000  }
0x28: {  	[hbm4b:s26+s2] =	stream.linear.scatter [tilespmem:s5], [sflag:$0x3], $0x4000, $0x38;
	[tilespmem:$0x8800] =	vst v63  }
0x29: {  	_ =	swait.ge [sflag:s3], $0x4000  }
0x2a: {  	[sflag:s3] =	ssyncset.done $0x0  }
0x2b: {  	s28 =	simm.s32 $0x280;
	[sflag:s3] =	ssyncadd.s32 $0xFFFFC000  }
0x2c: {  	[tilespmem:s5], [sflag:$0x2] =	stream.indirect.gather [hbm4b:s4+s8], $0x80, s28, s8, $0xb8;
	[tilespmem:$0x8800] =	vst v63  }
0x2d: {  	_ =	swait.ge [sflag:s9], $0x4000  }
0x2e: {  	[sflag:s9] =	ssyncset.done $0x0  }
0x2f: {  	s29 =	sadd.s32 $0xA600, s7;
	[sflag:s9] =	ssyncadd.s32 $0xFFFFC000  }
0x30: {  	[hbm4b:s29+s2] =	stream.linear.scatter [tilespmem:s6], [sflag:$0x3], $0x4000, $0x38;
	[tilespmem:$0x8800] =	vst v63  }
0x31: {  	_ =	swait.ge [sflag:s3], $0x4000  }
0x32: {  	[sflag:s3] =	ssyncset.done $0x0  }
0x33: {  	s30 =	simm.s32 $0x300;
	[sflag:s3] =	ssyncadd.s32 $0xFFFFC000  }
0x34: {  	[tilespmem:s6], [sflag:$0x1] =	stream.indirect.gather [hbm4b:s4+s8], $0x80, s30, s8, $0xb8;
	[tilespmem:$0x8800] =	vst v63  }
0x35: {  	_ =	swait.ge [sflag:s10], $0x4000  }
0x36: {  	[sflag:s10] =	ssyncset.done $0x0  }
0x37: {  	s31 =	sadd.s32 $0xAE00, s7;
	[sflag:s10] =	ssyncadd.s32 $0xFFFFC000  }
0x38: {  	[hbm4b:s31+s2] =	stream.linear.scatter [tilespmem:s5], [sflag:$0x3], $0x4000, $0x38;
	[tilespmem:$0x8800] =	vst v63  }
0x39: {  	_ =	swait.ge [sflag:s3], $0x4000  }
0x3a: {  	[sflag:s3] =	ssyncset.done $0x0  }
0x3b: {  	s12 =	simm.s32 $0x380;
	[sflag:s3] =	ssyncadd.s32 $0xFFFFC000  }
0x3c: {  	[tilespmem:s5], [sflag:$0x2] =	stream.indirect.gather [hbm4b:s4+s8], $0x80, s12, s8, $0xb8;
	[tilespmem:$0x8800] =	vst v63  }
0x3d: {  	_ =	swait.ge [sflag:s9], $0x4000  }
0x3e: {  	[sflag:s9] =	ssyncset.done $0x0  }
0x3f: {  	s13 =	sadd.s32 $0xB600, s7;
	[sflag:s9] =	ssyncadd.s32 $0xFFFFC000  }
0x40: {  	[hbm4b:s13+s2] =	stream.linear.scatter [tilespmem:s6], [sflag:$0x3], $0x4000, $0x38;
	[tilespmem:$0x8800] =	vst v63  }
0x41: {  	_ =	swait.ge [sflag:s3], $0x4000  }
0x42: {  	[sflag:s3] =	ssyncset.done $0x0  }
0x43: {  	s14 =	simm.s32 $0x400;
	[sflag:s3] =	ssyncadd.s32 $0xFFFFC000  }
0x44: {  	[tilespmem:s6], [sflag:$0x1] =	stream.indirect.gather [hbm4b:s4+s8], $0x80, s14, s8, $0xb8;
	[tilespmem:$0x8800] =	vst v63  }
0x45: {  	_ =	swait.ge [sflag:s10], $0x4000  }
0x46: {  	[sflag:s10] =	ssyncset.done $0x0  }
0x47: {  	s15 =	sadd.s32 $0xBE00, s7;
	[sflag:s10] =	ssyncadd.s32 $0xFFFFC000  }
0x48: {  	[hbm4b:s15+s2] =	stream.linear.scatter [tilespmem:s5], [sflag:$0x3], $0x4000, $0x38;
	[tilespmem:$0x8800] =	vst v63  }
0x49: {  	_ =	swait.ge [sflag:s3], $0x4000  }
0x4a: {  	[sflag:s3] =	ssyncset.done $0x0  }
0x4b: {  	s16 =	simm.s32 $0x480;
	[sflag:s3] =	ssyncadd.s32 $0xFFFFC000  }
0x4c: {  	[tilespmem:s5], [sflag:$0x2] =	stream.indirect.gather [hbm4b:s4+s8], $0x80, s16, s8, $0xb8;
	[tilespmem:$0x8800] =	vst v63  }
0x4d: {  	_ =	swait.ge [sflag:s9], $0x4000  }
0x4e: {  	[sflag:s9] =	ssyncset.done $0x0  }
0x4f: {  	s17 =	sadd.s32 $0xC600, s7;
	[sflag:s9] =	ssyncadd.s32 $0xFFFFC000  }
0x50: {  	[hbm4b:s17+s2] =	stream.linear.scatter [tilespmem:s6], [sflag:$0x3], $0x4000, $0x38;
	[tilespmem:$0x8800] =	vst v63  }
0x51: {  	_ =	swait.ge [sflag:s3], $0x4000  }
0x52: {  	[sflag:s3] =	ssyncset.done $0x0  }
0x53: {  	s18 =	simm.s32 $0x500;
	[sflag:s3] =	ssyncadd.s32 $0xFFFFC000  }
0x54: {  	[tilespmem:s6], [sflag:$0x1] =	stream.indirect.gather [hbm4b:s4+s8], $0x80, s18, s8, $0xb8;
	[tilespmem:$0x8800] =	vst v63  }
0x55: {  	_ =	swait.ge [sflag:s10], $0x4000  }
0x56: {  	[sflag:s10] =	ssyncset.done $0x0  }
0x57: {  	s19 =	sadd.s32 $0xCE00, s7;
	[sflag:s10] =	ssyncadd.s32 $0xFFFFC000  }
0x58: {  	[hbm4b:s19+s2] =	stream.linear.scatter [tilespmem:s5], [sflag:$0x3], $0x4000, $0x38;
	[tilespmem:$0x8800] =	vst v63  }
0x59: {  	_ =	swait.ge [sflag:s3], $0x4000  }
0x5a: {  	[sflag:s3] =	ssyncset.done $0x0  }
0x5b: {  	s20 =	simm.s32 $0x580;
	[sflag:s3] =	ssyncadd.s32 $0xFFFFC000  }
0x5c: {  	[tilespmem:s5], [sflag:$0x2] =	stream.indirect.gather [hbm4b:s4+s8], $0x80, s20, s8, $0xb8;
	[tilespmem:$0x8800] =	vst v63  }
0x5d: {  	_ =	swait.ge [sflag:s9], $0x4000  }
0x5e: {  	[sflag:s9] =	ssyncset.done $0x0  }
0x5f: {  	s21 =	sadd.s32 $0xD600, s7;
	[sflag:s9] =	ssyncadd.s32 $0xFFFFC000  }
0x60: {  	[hbm4b:s21+s2] =	stream.linear.scatter [tilespmem:s6], [sflag:$0x3], $0x4000, $0x38;
	[tilespmem:$0x8800] =	vst v63  }
0x61: {  	_ =	swait.ge [sflag:s3], $0x4000  }
0x62: {  	[sflag:s3] =	ssyncset.done $0x0  }
0x63: {  	s22 =	simm.s32 $0x600;
	[sflag:s3] =	ssyncadd.s32 $0xFFFFC000  }
0x64: {  	[tilespmem:s6], [sflag:$0x1] =	stream.indirect.gather [hbm4b:s4+s8], $0x80, s22, s8, $0xb8;
	[tilespmem:$0x8800] =	vst v63  }
0x65: {  	_ =	swait.ge [sflag:s10], $0x4000  }
0x66: {  	[sflag:s10] =	ssyncset.done $0x0  }
0x67: {  	s23 =	sadd.s32 $0xDE00, s7;
	[sflag:s10] =	ssyncadd.s32 $0xFFFFC000  }
0x68: {  	[hbm4b:s23+s2] =	stream.linear.scatter [tilespmem:s5], [sflag:$0x3], $0x4000, $0x38;
	[tilespmem:$0x8800] =	vst v63  }
0x69: {  	_ =	swait.ge [sflag:s3], $0x4000  }
0x6a: {  	[sflag:s3] =	ssyncset.done $0x0  }
0x6b: {  	s24 =	simm.s32 $0x680;
	[sflag:s3] =	ssyncadd.s32 $0xFFFFC000  }
0x6c: {  	[tilespmem:s5], [sflag:$0x2] =	stream.indirect.gather [hbm4b:s4+s8], $0x80, s24, s8, $0xb8;
	[tilespmem:$0x8800] =	vst v63  }
0x6d: {  	_ =	swait.ge [sflag:s9], $0x4000  }
0x6e: {  	[sflag:s9] =	ssyncset.done $0x0  }
0x6f: {  	s25 =	sadd.s32 $0xE600, s7;
	[sflag:s9] =	ssyncadd.s32 $0xFFFFC000  }
0x70: {  	[hbm4b:s25+s2] =	stream.linear.scatter [tilespmem:s6], [sflag:$0x3], $0x4000, $0x38;
	[tilespmem:$0x8800] =	vst v63  }
0x71: {  	_ =	swait.ge [sflag:s3], $0x4000  }
0x72: {  	[sflag:s3] =	ssyncset.done $0x0  }
0x73: {  	s26 =	simm.s32 $0x700;
	[sflag:s3] =	ssyncadd.s32 $0xFFFFC000  }
0x74: {  	[tilespmem:s6], [sflag:$0x1] =	stream.indirect.gather [hbm4b:s4+s8], $0x80, s26, s8, $0xb8;
	[tilespmem:$0x8800] =	vst v63  }
0x75: {  	_ =	swait.ge [sflag:s10], $0x4000  }
0x76: {  	[sflag:s10] =	ssyncset.done $0x0  }
0x77: {  	s28 =	sadd.s32 $0xEE00, s7;
	[sflag:s10] =	ssyncadd.s32 $0xFFFFC000  }
0x78: {  	[hbm4b:s28+s2] =	stream.linear.scatter [tilespmem:s5], [sflag:$0x3], $0x4000, $0x38;
	[tilespmem:$0x8800] =	vst v63  }
0x79: {  	_ =	swait.ge [sflag:s3], $0x4000  }
0x7a: {  	[sflag:s3] =	ssyncset.done $0x0  }
0x7b: {  	s29 =	simm.s32 $0x780;
	[sflag:s3] =	ssyncadd.s32 $0xFFFFC000  }
0x7c: {  	[tilespmem:s5], [sflag:$0x2] =	stream.indirect.gather [hbm4b:s4+s8], $0x80, s29, s8, $0xb8;
	[tilespmem:$0x8800] =	vst v63  }
0x7d: {  	_ =	swait.ge [sflag:s9], $0x4000  }
0x7e: {  	[sflag:s9] =	ssyncset.done $0x0  }
0x7f: {  	s30 =	sadd.s32 $0xF600, s7;
	[sflag:s9] =	ssyncadd.s32 $0xFFFFC000  }
0x80: {  	[hbm4b:s30+s2] =	stream.linear.scatter [tilespmem:s6], [sflag:$0x3], $0x4000, $0x38;
	[tilespmem:$0x8800] =	vst v63  }
0x81: {  	_ =	swait.ge [sflag:s3], $0x4000  }
0x82: {  	[sflag:s3] =	ssyncset.done $0x0  }
0x83: {  	[sflag:s3] =	ssyncadd.s32 $0xFFFFC000  }
0x84: {  	_ =	swait.ge [sflag:s10], $0x4000  }
0x85: {  	[sflag:s10] =	ssyncset.done $0x0  }
0x86: {  	s31 =	sadd.s32 $0xFE00, s7;
	[sflag:s10] =	ssyncadd.s32 $0xFFFFC000  }
0x87: {  	[hbm4b:s31+s2] =	stream.linear.scatter [tilespmem:s5], [sflag:$0x3], $0x4000, $0x38;
	[tilespmem:$0x8800] =	vst v63  }
0x88: {  	_ =	swait.ge [sflag:s3], $0x4000  }
0x89: {  	[sflag:s3] =	ssyncset.done $0x0  }
0x8a: {  	[sflag:s3] =	ssyncadd.s32 $0xFFFFC000  }
0x8b: {  	_ =	sfence.sel $0x180000  }
0x8c: {  	[bflag:$0x0] =	sbarrier.arrive $0xFFFF  }
0x8d: {  	p0 =	sne.s32 s1, $0x0;
	_ =	strace $0x90000047  }
0x8e: {  	s0 =	sadd.s32 @!p0 $0x100000, s0;
	[bflag:$0x2] =	sbarrier.arrive $0xFFFF  }
0x8f: {  	[sflag:s0] =	ssyncadd.tile.s32 @!p0 $0x1;
	_ =	shalt  }
.Lfunc_end2:
_tile_overlayer_lowered:
.L_overlay_start_2:
0x90: {  	(tag) =	ssettag $0x2  }
0x91: {  	s0 =	rddreg [dreg:$0x0];
	s2 =	stileid.u32  }
0x92: {  	s1 =	rddreg [dreg:$0x1];
	p0 =	sne.s32 s2, $0x0  }
0x93: {  	s3 =	rddreg [dreg:$0x2];
	[bflag:$0x3] =	sbarrier.arrive $0xFFFF;
	s2 =	simm.s32 @!p0 $0x1C03  }
0x94: {  	[timem:s3], [sflag:s2] =	dma.local @!p0 [hbm:s0], s1  }
0x95: {  	s0 =	simm.s32 @!p0 $0x3  }
0x96: {  	_ =	swait.ge @!p0 [sflag:s0], s1  }
0x97: {  	s1 =	ssub.s32 @!p0 $0x0, s1;
	[sflag:s0] =	ssyncset.done @!p0 $0x0  }
0x98: {  	[sflag:s0] =	ssyncadd.s32 @!p0 s1  }
0x99: {  	[bflag:$0x3] =	sbarrier.arrive $0xFFFF  }
0x9a: {  	_ =	shalt  }

</sc_bundles>
